<compile_context>
chip_gen: v7x
topology: tpu7x:2x2x1
jax: 0.10.2.dev20260603
libtpu: 0.0.44.dev20260713+nightly
codegen_flags: <defaults>
</compile_context>

<pallas_src>
import functools

import jax
import jax.numpy as jnp
from jax import lax
from jax.experimental import pallas as pl
from jax.experimental.pallas import tpu as pltpu
from jax.experimental.pallas import tpu_sc as plsc

N_NODES = 10000
N_EDGES = 320000
NC = 2
NS = 16
NW = NC * NS
E_PER_W = N_EDGES // NW
ROWS_PER_TILE = N_NODES // NS


def _make_sc_aggregate(d: int, chunk: int, n_chunks: int, acc_rows: int):
  mesh = plsc.VectorSubcoreMesh(core_axis_name="c", subcore_axis_name="s")
  zrows = acc_rows // NS
  half = (n_chunks + 1) // 2

  @functools.partial(
      pl.kernel,
      out_type=jax.ShapeDtypeStruct((NC * N_NODES, d), jnp.float32),
      mesh=mesh,
      scratch_types=dict(
          src_h=pltpu.VMEM((half, chunk), jnp.int32),
          dst_h=pltpu.VMEM((half, chunk), jnp.int32),
          buf_a=pltpu.VMEM((chunk, d), jnp.float32),
          buf_b=pltpu.VMEM((chunk, d), jnp.float32),
          acc_sh=pltpu.VMEM_SHARED((acc_rows, d), jnp.float32),
          sem_a=pltpu.SemaphoreType.DMA,
          sem_b=pltpu.SemaphoreType.DMA,
      ),
      compiler_params=pltpu.CompilerParams(use_tc_tiling_on_sc=False),
  )
  def agg(table_hbm, ei_hbm, zeros_hbm, out_hbm,
          src_h, dst_h, buf_a, buf_b, acc_sh, sem_a, sem_b):
    c = lax.axis_index("c")
    s = lax.axis_index("s")
    wid = c * NS + s

    def gather(l, buf, sem):
      pltpu.async_copy(table_hbm.at[src_h.at[l]], buf, sem)

    def wait(l, buf, sem):
      pltpu.make_async_copy(table_hbm.at[src_h.at[l]], buf, sem).wait()

    def scatter(l, buf):
      pltpu.sync_copy(buf, acc_sh.at[dst_h.at[l]], add=True)

    def stage_idx(base, n):
      pltpu.sync_copy(ei_hbm.at[0, wid, pl.ds(base, n)], src_h.at[pl.ds(0, n)])
      pltpu.sync_copy(ei_hbm.at[1, wid, pl.ds(base, n)], dst_h.at[pl.ds(0, n)])

    def run_phase(n):
      gather(0, buf_a, sem_a)
      n_pairs = (n - 1) // 2

      def body(j, carry):
        l = 2 * j + 1
        gather(l, buf_b, sem_b)
        wait(l - 1, buf_a, sem_a)
        scatter(l - 1, buf_a)
        gather(l + 1, buf_a, sem_a)
        wait(l, buf_b, sem_b)
        scatter(l, buf_b)
        return carry

      lax.fori_loop(0, n_pairs, body, 0)
      if (n - 1) % 2 == 0:
        wait(n - 1, buf_a, sem_a)
        scatter(n - 1, buf_a)
      else:
        gather(n - 1, buf_b, sem_b)
        wait(n - 2, buf_a, sem_a)
        scatter(n - 2, buf_a)
        wait(n - 1, buf_b, sem_b)
        scatter(n - 1, buf_b)

    stage_idx(0, half)
    pltpu.sync_copy(zeros_hbm, buf_b)
    z0 = s * zrows
    zn_full, zrem = divmod(zrows, chunk)
    for k in range(zn_full):
      pltpu.sync_copy(buf_b, acc_sh.at[pl.ds(z0 + k * chunk, chunk)])
    if zrem:
      pltpu.sync_copy(buf_b.at[pl.ds(0, zrem)],
                      acc_sh.at[pl.ds(z0 + zn_full * chunk, zrem)])
    plsc.subcore_barrier()

    run_phase(half)
    stage_idx(half, n_chunks - half)
    run_phase(n_chunks - half)
    plsc.subcore_barrier()

    row0 = s * ROWS_PER_TILE
    out0 = c * N_NODES + row0
    n_full, rem = divmod(ROWS_PER_TILE, chunk)
    for k in range(n_full):
      pltpu.sync_copy(acc_sh.at[pl.ds(row0 + k * chunk, chunk)], buf_a)
      pltpu.sync_copy(buf_a, out_hbm.at[pl.ds(out0 + k * chunk, chunk)])
    if rem:
      pltpu.sync_copy(acc_sh.at[pl.ds(row0 + n_full * chunk, rem)],
                      buf_b.at[pl.ds(0, rem)])
      pltpu.sync_copy(buf_b.at[pl.ds(0, rem)],
                      out_hbm.at[pl.ds(out0 + n_full * chunk, rem)])

  return agg


_D1 = 144
_D2 = 48
_BLK = 1000
_GRID = N_NODES // _BLK


def _dense1_body(x_ref, a0_ref, a1_ref, ws1_ref, wn1_ref, b1_ref,
                 ws2_ref, wn2_ref, b2_ref, g2p_ref, s2b_ref, dinv_ref):
  a = a0_ref[...] + a1_ref[...]
  dinv = 1.0 / jnp.maximum(a[:, 128:129], 1.0)
  mean = a[:, :128] * dinv
  h1 = x_ref[...] @ ws1_ref[...] + mean @ wn1_ref[...] + b1_ref[...]
  h1 = jnp.maximum(h1, 0.0)
  g2 = h1 @ wn2_ref[...]
  g2p_ref[...] = jnp.concatenate(
      [g2, jnp.zeros((g2.shape[0], _D2 - g2.shape[1]), jnp.float32)], axis=1)
  s2b_ref[...] = h1 @ ws2_ref[...] + b2_ref[...]
  dinv_ref[...] = jnp.broadcast_to(dinv, (dinv.shape[0], 8))


def _dense2_body(a0_ref, a1_ref, s2b_ref, dinv_ref, out_ref):
  a = a0_ref[...] + a1_ref[...]
  out_ref[...] = s2b_ref[...] + a[:, :40] * dinv_ref[:, :1]


_C1, _NCH1 = 80, 125
_C2, _NCH2 = 80, 125


def kernel(x, edge_index, W_self1, W_neigh1, b1, W_self2, W_neigh2, b2):
  ei4 = edge_index.astype(jnp.int32).reshape(2, NW, _NCH1, _C1)
  n_classes = W_self2.shape[1]

  xp = jnp.concatenate(
      [x, jnp.ones((N_NODES, 1), jnp.float32),
       jnp.zeros((N_NODES, _D1 - x.shape[1] - 1), jnp.float32)], axis=1)
  z1 = jnp.zeros((_C1, _D1), jnp.float32)
  acc1 = _make_sc_aggregate(_D1, _C1, _NCH1, N_NODES)(xp, ei4, z1)

  g2p, s2b, dinv = pl.pallas_call(
      _dense1_body,
      grid=(_GRID,),
      in_specs=[
          pl.BlockSpec((_BLK, 128), lambda i: (i, 0)),
          pl.BlockSpec((_BLK, _D1), lambda i: (i, 0)),
          pl.BlockSpec((_BLK, _D1), lambda i: (i + _GRID, 0)),
          pl.BlockSpec((128, 128), lambda i: (0, 0)),
          pl.BlockSpec((128, 128), lambda i: (0, 0)),
          pl.BlockSpec((1, 128), lambda i: (0, 0)),
          pl.BlockSpec((128, n_classes), lambda i: (0, 0)),
          pl.BlockSpec((128, n_classes), lambda i: (0, 0)),
          pl.BlockSpec((1, n_classes), lambda i: (0, 0)),
      ],
      out_specs=[
          pl.BlockSpec((_BLK, _D2), lambda i: (i, 0)),
          pl.BlockSpec((_BLK, n_classes), lambda i: (i, 0)),
          pl.BlockSpec((_BLK, 8), lambda i: (i, 0)),
      ],
      out_shape=[
          jax.ShapeDtypeStruct((N_NODES, _D2), jnp.float32),
          jax.ShapeDtypeStruct((N_NODES, n_classes), jnp.float32),
          jax.ShapeDtypeStruct((N_NODES, 8), jnp.float32),
      ],
  )(x, acc1, acc1, W_self1, W_neigh1, b1.reshape(1, -1),
    W_self2, W_neigh2, b2.reshape(1, -1))

  z2 = jnp.zeros((_C2, _D2), jnp.float32)
  acc2 = _make_sc_aggregate(_D2, _C2, _NCH2, N_NODES)(g2p, ei4, z2)

  out = pl.pallas_call(
      _dense2_body,
      grid=(_GRID,),
      in_specs=[
          pl.BlockSpec((_BLK, _D2), lambda i: (i, 0)),
          pl.BlockSpec((_BLK, _D2), lambda i: (i + _GRID, 0)),
          pl.BlockSpec((_BLK, n_classes), lambda i: (i, 0)),
          pl.BlockSpec((_BLK, 8), lambda i: (i, 0)),
      ],
      out_specs=pl.BlockSpec((_BLK, n_classes), lambda i: (i, 0)),
      out_shape=jax.ShapeDtypeStruct((N_NODES, n_classes), jnp.float32),
  )(acc2, acc2, s2b, dinv)
  return out

# --- scband reference (transcript-rebuilt; emitter-appended) ---
"""Pipeline reference for scband-graph-sage-15324443312396 (READ-ONLY COPY).

The authoritative reference and input builder live on the scoring server;
editing this copy changes nothing except your own understanding.
"""

import jax, jax.numpy as jnp
import numpy as np

N_NODES = 10000
N_EDGES = 320000
IN_FEATS = 128
H_FEATS = 128
NUM_CLASSES = 40


def setup_inputs(seed: int = 0) -> dict:
    key = jax.random.key(seed)
    ks = jax.random.split(key, 9)
    x = jax.random.normal(ks[0], (N_NODES, IN_FEATS), dtype=jnp.float32)
    edge_index = jax.random.randint(ks[1], (2, N_EDGES), 0, N_NODES, dtype=jnp.int64)
    # SAGEConv('mean') layer 1 params (DGL: out = fc_self(h) + fc_neigh(mean_neigh(h)) + bias)
    s1 = 1.0 / np.sqrt(IN_FEATS)
    W_self1 = jax.random.uniform(ks[2], (IN_FEATS, H_FEATS), jnp.float32, -s1, s1)
    W_neigh1 = jax.random.uniform(ks[3], (IN_FEATS, H_FEATS), jnp.float32, -s1, s1)
    b1 = jnp.zeros((H_FEATS,), jnp.float32)
    # layer 2
    s2 = 1.0 / np.sqrt(H_FEATS)
    W_self2 = jax.random.uniform(ks[4], (H_FEATS, NUM_CLASSES), jnp.float32, -s2, s2)
    W_neigh2 = jax.random.uniform(ks[5], (H_FEATS, NUM_CLASSES), jnp.float32, -s2, s2)
    b2 = jnp.zeros((NUM_CLASSES,), jnp.float32)
    return {
        "x": x,
        "edge_index": edge_index,
        "W_self1": W_self1,
        "W_neigh1": W_neigh1,
        "b1": b1,
        "W_self2": W_self2,
        "W_neigh2": W_neigh2,
        "b2": b2,
    }


def _sage_conv(h, src, dst, n_nodes, W_self, W_neigh, b):
    # mean aggregation over incoming edges (dst-indexed)
    msg = h[src]  # gather: [E, d]
    agg = jax.ops.segment_sum(msg, dst, num_segments=n_nodes)
    deg = jax.ops.segment_sum(jnp.ones((src.shape[0], 1), h.dtype), dst, num_segments=n_nodes)
    mean_neigh = agg / jnp.maximum(deg, 1.0)
    return h @ W_self + mean_neigh @ W_neigh + b


def reference(x, edge_index, W_self1, W_neigh1, b1, W_self2, W_neigh2, b2):
    src = edge_index[0]
    dst = edge_index[1]
    n = x.shape[0]
    h = _sage_conv(x, src, dst, n, W_self1, W_neigh1, b1)
    h = jax.nn.relu(h)
    h = _sage_conv(h, src, dst, n, W_self2, W_neigh2, b2)
    return h

if __name__ == "__main__":
    import jax
    _d = setup_inputs()
    print(jax.jit(kernel)(*tuple(_d.values())))

</pallas_src>

<mosaic_0001>
#map = affine_map<(d0, d1) -> (0, 0)>
#map1 = affine_map<(d0, d1) -> (0, 0, 0, 0)>
module attributes {stable_mosaic.version = 14 : i64} {
  func.func @agg(%arg0: i32, %arg1: i32, %arg2: memref<10000x48xf32, #tpu.memory_space<hbm>>, %arg3: memref<2x32x125x80xi32, #tpu.memory_space<hbm>>, %arg4: memref<80x48xf32, #tpu.memory_space<hbm>>, %arg5: memref<20000x48xf32, #tpu.memory_space<hbm>>, %arg6: memref<10000x48xf32, #tpu.memory_space<vmem_shared>>, %arg7: memref<80x48xf32, #tpu.memory_space<vmem>>, %arg8: memref<80x48xf32, #tpu.memory_space<vmem>>, %arg9: memref<63x80xi32, #tpu.memory_space<vmem>>, %arg10: memref<!tpu.dma_semaphore, #tpu.memory_space<semaphore_mem>>, %arg11: memref<!tpu.dma_semaphore, #tpu.memory_space<semaphore_mem>>, %arg12: memref<63x80xi32, #tpu.memory_space<vmem>>) attributes {dimension_semantics = [#tpu.dimension_semantics<core_parallel>, #tpu.dimension_semantics<subcore_parallel>], iteration_bounds = array<i64: 2, 16>, scalar_prefetch = 0 : i64, scratch_operands = 7 : i64, tpu.core_type = #tpu.core_type<sc_vector_subcore>, window_params = [{transform_indices = #map}, {transform_indices = #map1}, {transform_indices = #map}, {transform_indices = #map}]} {
    %mul3A = arith.constant 16 : i32
    %mul3A_0 = arith.muli %arg0, %mul3A : i32
    %add3A = arith.addi %mul3A_0, %arg1 : i32
    %run_scoped3A = arith.constant 0 : i32
    "tpu.region"() ({
      %run_scoped3A_114 = tpu.sem_alloc : memref<!tpu.dma_semaphore, #tpu.memory_space<semaphore_mem>>
      %dma_start3A_115 = arith.constant 0 : i32
      %dma_start3A_116 = arith.constant 0 : i32
      %dma_start3A_117 = tpu.memref_slice %arg12[%dma_start3A_115, %dma_start3A_116] : memref<63x80xi32, #tpu.memory_space<vmem>> -> memref<63x80xi32, #tpu.memory_space<vmem>>
      %dma_start3A_118 = arith.constant 0 : i32
      %dma_start3A_119 = arith.constant 0 : i32
      %dma_start3A_120 = tpu.memref_slice %arg3[%run_scoped3A, %add3A, %dma_start3A_118, %dma_start3A_119] : memref<2x32x125x80xi32, #tpu.memory_space<hbm>> -> memref<1x1x63x80xi32, #tpu.memory_space<hbm>>
      %dma_start3A_121 = tpu.memref_squeeze %dma_start3A_120 : memref<1x1x63x80xi32, #tpu.memory_space<hbm>> -> memref<63x80xi32, #tpu.memory_space<hbm>>
      %dma_start3A_122 = arith.constant 0 : i32
      %dma_start3A_123 = arith.constant 0 : i32
      %dma_start3A_124 = tpu.memref_slice %arg12[%dma_start3A_122, %dma_start3A_123] : memref<63x80xi32, #tpu.memory_space<vmem>> -> memref<63x80xi32, #tpu.memory_space<vmem>>
      %dma_start3A_125 = arith.constant 0 : i32
      %dma_start3A_126 = arith.constant 0 : i32
      %dma_start3A_127 = tpu.memref_slice %arg3[%run_scoped3A, %add3A, %dma_start3A_125, %dma_start3A_126] : memref<2x32x125x80xi32, #tpu.memory_space<hbm>> -> memref<1x1x63x80xi32, #tpu.memory_space<hbm>>
      %dma_start3A_128 = tpu.memref_squeeze %dma_start3A_127 : memref<1x1x63x80xi32, #tpu.memory_space<hbm>> -> memref<63x80xi32, #tpu.memory_space<hbm>>
      tpu.enqueue_dma source(%dma_start3A_128 : memref<63x80xi32, #tpu.memory_space<hbm>>) target(%dma_start3A_124 : memref<63x80xi32, #tpu.memory_space<vmem>>) target_semaphore(%run_scoped3A_114 : memref<!tpu.dma_semaphore, #tpu.memory_space<semaphore_mem>>)
      %dma_wait3A_129 = arith.constant 0 : i32
      %dma_wait3A_130 = arith.constant 0 : i32
      %dma_wait3A_131 = tpu.memref_slice %arg12[%dma_wait3A_129, %dma_wait3A_130] : memref<63x80xi32, #tpu.memory_space<vmem>> -> memref<63x80xi32, #tpu.memory_space<vmem>>
      %dma_wait3A_132 = arith.constant 0 : i32
      %dma_wait3A_133 = arith.constant 0 : i32
      %dma_wait3A_134 = tpu.memref_slice %arg3[%run_scoped3A, %add3A, %dma_wait3A_132, %dma_wait3A_133] : memref<2x32x125x80xi32, #tpu.memory_space<hbm>> -> memref<1x1x63x80xi32, #tpu.memory_space<hbm>>
      %dma_wait3A_135 = tpu.memref_squeeze %dma_wait3A_134 : memref<1x1x63x80xi32, #tpu.memory_space<hbm>> -> memref<63x80xi32, #tpu.memory_space<hbm>>
      %dma_wait3A_136 = arith.constant 0 : i32
      %dma_wait3A_137 = arith.constant 0 : i32
      %dma_wait3A_138 = tpu.memref_slice %arg12[%dma_wait3A_136, %dma_wait3A_137] : memref<63x80xi32, #tpu.memory_space<vmem>> -> memref<63x80xi32, #tpu.memory_space<vmem>>
      %dma_wait3A_139 = arith.constant 0 : i32
      %dma_wait3A_140 = arith.constant 0 : i32
      %dma_wait3A_141 = tpu.memref_slice %arg3[%run_scoped3A, %add3A, %dma_wait3A_139, %dma_wait3A_140] : memref<2x32x125x80xi32, #tpu.memory_space<hbm>> -> memref<1x1x63x80xi32, #tpu.memory_space<hbm>>
      %dma_wait3A_142 = tpu.memref_squeeze %dma_wait3A_141 : memref<1x1x63x80xi32, #tpu.memory_space<hbm>> -> memref<63x80xi32, #tpu.memory_space<hbm>>
      tpu.wait_dma2 semaphore(%run_scoped3A_114 : memref<!tpu.dma_semaphore, #tpu.memory_space<semaphore_mem>>) src(%dma_wait3A_142 : memref<63x80xi32, #tpu.memory_space<hbm>>) dst(%dma_wait3A_138 : memref<63x80xi32, #tpu.memory_space<vmem>>)
      tpu.yield
    }) : () -> ()
    %run_scoped3A_1 = arith.constant 1 : i32
    "tpu.region"() ({
      %run_scoped3A_114 = tpu.sem_alloc : memref<!tpu.dma_semaphore, #tpu.memory_space<semaphore_mem>>
      %dma_start3A_115 = arith.constant 0 : i32
      %dma_start3A_116 = arith.constant 0 : i32
      %dma_start3A_117 = tpu.memref_slice %arg9[%dma_start3A_115, %dma_start3A_116] : memref<63x80xi32, #tpu.memory_space<vmem>> -> memref<63x80xi32, #tpu.memory_space<vmem>>
      %dma_start3A_118 = arith.constant 0 : i32
      %dma_start3A_119 = arith.constant 0 : i32
      %dma_start3A_120 = tpu.memref_slice %arg3[%run_scoped3A_1, %add3A, %dma_start3A_118, %dma_start3A_119] : memref<2x32x125x80xi32, #tpu.memory_space<hbm>> -> memref<1x1x63x80xi32, #tpu.memory_space<hbm>>
      %dma_start3A_121 = tpu.memref_squeeze %dma_start3A_120 : memref<1x1x63x80xi32, #tpu.memory_space<hbm>> -> memref<63x80xi32, #tpu.memory_space<hbm>>
      %dma_start3A_122 = arith.constant 0 : i32
      %dma_start3A_123 = arith.constant 0 : i32
      %dma_start3A_124 = tpu.memref_slice %arg9[%dma_start3A_122, %dma_start3A_123] : memref<63x80xi32, #tpu.memory_space<vmem>> -> memref<63x80xi32, #tpu.memory_space<vmem>>
      %dma_start3A_125 = arith.constant 0 : i32
      %dma_start3A_126 = arith.constant 0 : i32
      %dma_start3A_127 = tpu.memref_slice %arg3[%run_scoped3A_1, %add3A, %dma_start3A_125, %dma_start3A_126] : memref<2x32x125x80xi32, #tpu.memory_space<hbm>> -> memref<1x1x63x80xi32, #tpu.memory_space<hbm>>
      %dma_start3A_128 = tpu.memref_squeeze %dma_start3A_127 : memref<1x1x63x80xi32, #tpu.memory_space<hbm>> -> memref<63x80xi32, #tpu.memory_space<hbm>>
      tpu.enqueue_dma source(%dma_start3A_128 : memref<63x80xi32, #tpu.memory_space<hbm>>) target(%dma_start3A_124 : memref<63x80xi32, #tpu.memory_space<vmem>>) target_semaphore(%run_scoped3A_114 : memref<!tpu.dma_semaphore, #tpu.memory_space<semaphore_mem>>)
      %dma_wait3A_129 = arith.constant 0 : i32
      %dma_wait3A_130 = arith.constant 0 : i32
      %dma_wait3A_131 = tpu.memref_slice %arg9[%dma_wait3A_129, %dma_wait3A_130] : memref<63x80xi32, #tpu.memory_space<vmem>> -> memref<63x80xi32, #tpu.memory_space<vmem>>
      %dma_wait3A_132 = arith.constant 0 : i32
      %dma_wait3A_133 = arith.constant 0 : i32
      %dma_wait3A_134 = tpu.memref_slice %arg3[%run_scoped3A_1, %add3A, %dma_wait3A_132, %dma_wait3A_133] : memref<2x32x125x80xi32, #tpu.memory_space<hbm>> -> memref<1x1x63x80xi32, #tpu.memory_space<hbm>>
      %dma_wait3A_135 = tpu.memref_squeeze %dma_wait3A_134 : memref<1x1x63x80xi32, #tpu.memory_space<hbm>> -> memref<63x80xi32, #tpu.memory_space<hbm>>
      %dma_wait3A_136 = arith.constant 0 : i32
      %dma_wait3A_137 = arith.constant 0 : i32
      %dma_wait3A_138 = tpu.memref_slice %arg9[%dma_wait3A_136, %dma_wait3A_137] : memref<63x80xi32, #tpu.memory_space<vmem>> -> memref<63x80xi32, #tpu.memory_space<vmem>>
      %dma_wait3A_139 = arith.constant 0 : i32
      %dma_wait3A_140 = arith.constant 0 : i32
      %dma_wait3A_141 = tpu.memref_slice %arg3[%run_scoped3A_1, %add3A, %dma_wait3A_139, %dma_wait3A_140] : memref<2x32x125x80xi32, #tpu.memory_space<hbm>> -> memref<1x1x63x80xi32, #tpu.memory_space<hbm>>
      %dma_wait3A_142 = tpu.memref_squeeze %dma_wait3A_141 : memref<1x1x63x80xi32, #tpu.memory_space<hbm>> -> memref<63x80xi32, #tpu.memory_space<hbm>>
      tpu.wait_dma2 semaphore(%run_scoped3A_114 : memref<!tpu.dma_semaphore, #tpu.memory_space<semaphore_mem>>) src(%dma_wait3A_142 : memref<63x80xi32, #tpu.memory_space<hbm>>) dst(%dma_wait3A_138 : memref<63x80xi32, #tpu.memory_space<vmem>>)
      tpu.yield
    }) : () -> ()
    "tpu.region"() ({
      %run_scoped3A_114 = tpu.sem_alloc : memref<!tpu.dma_semaphore, #tpu.memory_space<semaphore_mem>>
      tpu.enqueue_dma source(%arg4 : memref<80x48xf32, #tpu.memory_space<hbm>>) target(%arg8 : memref<80x48xf32, #tpu.memory_space<vmem>>) target_semaphore(%run_scoped3A_114 : memref<!tpu.dma_semaphore, #tpu.memory_space<semaphore_mem>>)
      tpu.wait_dma2 semaphore(%run_scoped3A_114 : memref<!tpu.dma_semaphore, #tpu.memory_space<semaphore_mem>>) src(%arg4 : memref<80x48xf32, #tpu.memory_space<hbm>>) dst(%arg8 : memref<80x48xf32, #tpu.memory_space<vmem>>)
      tpu.yield
    }) : () -> ()
    %mul3A_2 = arith.constant 625 : i32
    %mul3A_3 = arith.muli %arg1, %mul3A_2 : i32
    %add3A_4 = arith.constant 0 : i32
    %add3A_5 = arith.addi %mul3A_3, %add3A_4 : i32
    "tpu.region"() ({
      %run_scoped3A_114 = tpu.sem_alloc : memref<!tpu.dma_semaphore, #tpu.memory_space<semaphore_mem>>
      %dma_start3A_115 = arith.constant 0 : i32
      %dma_start3A_116 = tpu.memref_slice %arg6[%add3A_5, %dma_start3A_115] : memref<10000x48xf32, #tpu.memory_space<vmem_shared>> -> memref<80x48xf32, #tpu.memory_space<vmem_shared>>
      %dma_start3A_117 = arith.constant 0 : i32
      %dma_start3A_118 = tpu.memref_slice %arg6[%add3A_5, %dma_start3A_117] : memref<10000x48xf32, #tpu.memory_space<vmem_shared>> -> memref<80x48xf32, #tpu.memory_space<vmem_shared>>
      tpu.enqueue_dma source(%arg8 : memref<80x48xf32, #tpu.memory_space<vmem>>) target(%dma_start3A_118 : memref<80x48xf32, #tpu.memory_space<vmem_shared>>) target_semaphore(%run_scoped3A_114 : memref<!tpu.dma_semaphore, #tpu.memory_space<semaphore_mem>>)
      %dma_wait3A_119 = arith.constant 0 : i32
      %dma_wait3A_120 = tpu.memref_slice %arg6[%add3A_5, %dma_wait3A_119] : memref<10000x48xf32, #tpu.memory_space<vmem_shared>> -> memref<80x48xf32, #tpu.memory_space<vmem_shared>>
      %dma_wait3A_121 = arith.constant 0 : i32
      %dma_wait3A_122 = tpu.memref_slice %arg6[%add3A_5, %dma_wait3A_121] : memref<10000x48xf32, #tpu.memory_space<vmem_shared>> -> memref<80x48xf32, #tpu.memory_space<vmem_shared>>
      tpu.wait_dma2 semaphore(%run_scoped3A_114 : memref<!tpu.dma_semaphore, #tpu.memory_space<semaphore_mem>>) src(%arg8 : memref<80x48xf32, #tpu.memory_space<vmem>>) dst(%dma_wait3A_122 : memref<80x48xf32, #tpu.memory_space<vmem_shared>>)
      tpu.yield
    }) : () -> ()
    %add3A_6 = arith.constant 80 : i32
    %add3A_7 = arith.addi %mul3A_3, %add3A_6 : i32
    "tpu.region"() ({
      %run_scoped3A_114 = tpu.sem_alloc : memref<!tpu.dma_semaphore, #tpu.memory_space<semaphore_mem>>
      %dma_start3A_115 = arith.constant 0 : i32
      %dma_start3A_116 = tpu.memref_slice %arg6[%add3A_7, %dma_start3A_115] : memref<10000x48xf32, #tpu.memory_space<vmem_shared>> -> memref<80x48xf32, #tpu.memory_space<vmem_shared>>
      %dma_start3A_117 = arith.constant 0 : i32
      %dma_start3A_118 = tpu.memref_slice %arg6[%add3A_7, %dma_start3A_117] : memref<10000x48xf32, #tpu.memory_space<vmem_shared>> -> memref<80x48xf32, #tpu.memory_space<vmem_shared>>
      tpu.enqueue_dma source(%arg8 : memref<80x48xf32, #tpu.memory_space<vmem>>) target(%dma_start3A_118 : memref<80x48xf32, #tpu.memory_space<vmem_shared>>) target_semaphore(%run_scoped3A_114 : memref<!tpu.dma_semaphore, #tpu.memory_space<semaphore_mem>>)
      %dma_wait3A_119 = arith.constant 0 : i32
      %dma_wait3A_120 = tpu.memref_slice %arg6[%add3A_7, %dma_wait3A_119] : memref<10000x48xf32, #tpu.memory_space<vmem_shared>> -> memref<80x48xf32, #tpu.memory_space<vmem_shared>>
      %dma_wait3A_121 = arith.constant 0 : i32
      %dma_wait3A_122 = tpu.memref_slice %arg6[%add3A_7, %dma_wait3A_121] : memref<10000x48xf32, #tpu.memory_space<vmem_shared>> -> memref<80x48xf32, #tpu.memory_space<vmem_shared>>
      tpu.wait_dma2 semaphore(%run_scoped3A_114 : memref<!tpu.dma_semaphore, #tpu.memory_space<semaphore_mem>>) src(%arg8 : memref<80x48xf32, #tpu.memory_space<vmem>>) dst(%dma_wait3A_122 : memref<80x48xf32, #tpu.memory_space<vmem_shared>>)
      tpu.yield
    }) : () -> ()
    %add3A_8 = arith.constant 160 : i32
    %add3A_9 = arith.addi %mul3A_3, %add3A_8 : i32
    "tpu.region"() ({
      %run_scoped3A_114 = tpu.sem_alloc : memref<!tpu.dma_semaphore, #tpu.memory_space<semaphore_mem>>
      %dma_start3A_115 = arith.constant 0 : i32
      %dma_start3A_116 = tpu.memref_slice %arg6[%add3A_9, %dma_start3A_115] : memref<10000x48xf32, #tpu.memory_space<vmem_shared>> -> memref<80x48xf32, #tpu.memory_space<vmem_shared>>
      %dma_start3A_117 = arith.constant 0 : i32
      %dma_start3A_118 = tpu.memref_slice %arg6[%add3A_9, %dma_start3A_117] : memref<10000x48xf32, #tpu.memory_space<vmem_shared>> -> memref<80x48xf32, #tpu.memory_space<vmem_shared>>
      tpu.enqueue_dma source(%arg8 : memref<80x48xf32, #tpu.memory_space<vmem>>) target(%dma_start3A_118 : memref<80x48xf32, #tpu.memory_space<vmem_shared>>) target_semaphore(%run_scoped3A_114 : memref<!tpu.dma_semaphore, #tpu.memory_space<semaphore_mem>>)
      %dma_wait3A_119 = arith.constant 0 : i32
      %dma_wait3A_120 = tpu.memref_slice %arg6[%add3A_9, %dma_wait3A_119] : memref<10000x48xf32, #tpu.memory_space<vmem_shared>> -> memref<80x48xf32, #tpu.memory_space<vmem_shared>>
      %dma_wait3A_121 = arith.constant 0 : i32
      %dma_wait3A_122 = tpu.memref_slice %arg6[%add3A_9, %dma_wait3A_121] : memref<10000x48xf32, #tpu.memory_space<vmem_shared>> -> memref<80x48xf32, #tpu.memory_space<vmem_shared>>
      tpu.wait_dma2 semaphore(%run_scoped3A_114 : memref<!tpu.dma_semaphore, #tpu.memory_space<semaphore_mem>>) src(%arg8 : memref<80x48xf32, #tpu.memory_space<vmem>>) dst(%dma_wait3A_122 : memref<80x48xf32, #tpu.memory_space<vmem_shared>>)
      tpu.yield
    }) : () -> ()
    %add3A_10 = arith.constant 240 : i32
    %add3A_11 = arith.addi %mul3A_3, %add3A_10 : i32
    "tpu.region"() ({
      %run_scoped3A_114 = tpu.sem_alloc : memref<!tpu.dma_semaphore, #tpu.memory_space<semaphore_mem>>
      %dma_start3A_115 = arith.constant 0 : i32
      %dma_start3A_116 = tpu.memref_slice %arg6[%add3A_11, %dma_start3A_115] : memref<10000x48xf32, #tpu.memory_space<vmem_shared>> -> memref<80x48xf32, #tpu.memory_space<vmem_shared>>
      %dma_start3A_117 = arith.constant 0 : i32
      %dma_start3A_118 = tpu.memref_slice %arg6[%add3A_11, %dma_start3A_117] : memref<10000x48xf32, #tpu.memory_space<vmem_shared>> -> memref<80x48xf32, #tpu.memory_space<vmem_shared>>
      tpu.enqueue_dma source(%arg8 : memref<80x48xf32, #tpu.memory_space<vmem>>) target(%dma_start3A_118 : memref<80x48xf32, #tpu.memory_space<vmem_shared>>) target_semaphore(%run_scoped3A_114 : memref<!tpu.dma_semaphore, #tpu.memory_space<semaphore_mem>>)
      %dma_wait3A_119 = arith.constant 0 : i32
      %dma_wait3A_120 = tpu.memref_slice %arg6[%add3A_11, %dma_wait3A_119] : memref<10000x48xf32, #tpu.memory_space<vmem_shared>> -> memref<80x48xf32, #tpu.memory_space<vmem_shared>>
      %dma_wait3A_121 = arith.constant 0 : i32
      %dma_wait3A_122 = tpu.memref_slice %arg6[%add3A_11, %dma_wait3A_121] : memref<10000x48xf32, #tpu.memory_space<vmem_shared>> -> memref<80x48xf32, #tpu.memory_space<vmem_shared>>
      tpu.wait_dma2 semaphore(%run_scoped3A_114 : memref<!tpu.dma_semaphore, #tpu.memory_space<semaphore_mem>>) src(%arg8 : memref<80x48xf32, #tpu.memory_space<vmem>>) dst(%dma_wait3A_122 : memref<80x48xf32, #tpu.memory_space<vmem_shared>>)
      tpu.yield
    }) : () -> ()
    %add3A_12 = arith.constant 320 : i32
    %add3A_13 = arith.addi %mul3A_3, %add3A_12 : i32
    "tpu.region"() ({
      %run_scoped3A_114 = tpu.sem_alloc : memref<!tpu.dma_semaphore, #tpu.memory_space<semaphore_mem>>
      %dma_start3A_115 = arith.constant 0 : i32
      %dma_start3A_116 = tpu.memref_slice %arg6[%add3A_13, %dma_start3A_115] : memref<10000x48xf32, #tpu.memory_space<vmem_shared>> -> memref<80x48xf32, #tpu.memory_space<vmem_shared>>
      %dma_start3A_117 = arith.constant 0 : i32
      %dma_start3A_118 = tpu.memref_slice %arg6[%add3A_13, %dma_start3A_117] : memref<10000x48xf32, #tpu.memory_space<vmem_shared>> -> memref<80x48xf32, #tpu.memory_space<vmem_shared>>
      tpu.enqueue_dma source(%arg8 : memref<80x48xf32, #tpu.memory_space<vmem>>) target(%dma_start3A_118 : memref<80x48xf32, #tpu.memory_space<vmem_shared>>) target_semaphore(%run_scoped3A_114 : memref<!tpu.dma_semaphore, #tpu.memory_space<semaphore_mem>>)
      %dma_wait3A_119 = arith.constant 0 : i32
      %dma_wait3A_120 = tpu.memref_slice %arg6[%add3A_13, %dma_wait3A_119] : memref<10000x48xf32, #tpu.memory_space<vmem_shared>> -> memref<80x48xf32, #tpu.memory_space<vmem_shared>>
      %dma_wait3A_121 = arith.constant 0 : i32
      %dma_wait3A_122 = tpu.memref_slice %arg6[%add3A_13, %dma_wait3A_121] : memref<10000x48xf32, #tpu.memory_space<vmem_shared>> -> memref<80x48xf32, #tpu.memory_space<vmem_shared>>
      tpu.wait_dma2 semaphore(%run_scoped3A_114 : memref<!tpu.dma_semaphore, #tpu.memory_space<semaphore_mem>>) src(%arg8 : memref<80x48xf32, #tpu.memory_space<vmem>>) dst(%dma_wait3A_122 : memref<80x48xf32, #tpu.memory_space<vmem_shared>>)
      tpu.yield
    }) : () -> ()
    %add3A_14 = arith.constant 400 : i32
    %add3A_15 = arith.addi %mul3A_3, %add3A_14 : i32
    "tpu.region"() ({
      %run_scoped3A_114 = tpu.sem_alloc : memref<!tpu.dma_semaphore, #tpu.memory_space<semaphore_mem>>
      %dma_start3A_115 = arith.constant 0 : i32
      %dma_start3A_116 = tpu.memref_slice %arg6[%add3A_15, %dma_start3A_115] : memref<10000x48xf32, #tpu.memory_space<vmem_shared>> -> memref<80x48xf32, #tpu.memory_space<vmem_shared>>
      %dma_start3A_117 = arith.constant 0 : i32
      %dma_start3A_118 = tpu.memref_slice %arg6[%add3A_15, %dma_start3A_117] : memref<10000x48xf32, #tpu.memory_space<vmem_shared>> -> memref<80x48xf32, #tpu.memory_space<vmem_shared>>
      tpu.enqueue_dma source(%arg8 : memref<80x48xf32, #tpu.memory_space<vmem>>) target(%dma_start3A_118 : memref<80x48xf32, #tpu.memory_space<vmem_shared>>) target_semaphore(%run_scoped3A_114 : memref<!tpu.dma_semaphore, #tpu.memory_space<semaphore_mem>>)
      %dma_wait3A_119 = arith.constant 0 : i32
      %dma_wait3A_120 = tpu.memref_slice %arg6[%add3A_15, %dma_wait3A_119] : memref<10000x48xf32, #tpu.memory_space<vmem_shared>> -> memref<80x48xf32, #tpu.memory_space<vmem_shared>>
      %dma_wait3A_121 = arith.constant 0 : i32
      %dma_wait3A_122 = tpu.memref_slice %arg6[%add3A_15, %dma_wait3A_121] : memref<10000x48xf32, #tpu.memory_space<vmem_shared>> -> memref<80x48xf32, #tpu.memory_space<vmem_shared>>
      tpu.wait_dma2 semaphore(%run_scoped3A_114 : memref<!tpu.dma_semaphore, #tpu.memory_space<semaphore_mem>>) src(%arg8 : memref<80x48xf32, #tpu.memory_space<vmem>>) dst(%dma_wait3A_122 : memref<80x48xf32, #tpu.memory_space<vmem_shared>>)
      tpu.yield
    }) : () -> ()
    %add3A_16 = arith.constant 480 : i32
    %add3A_17 = arith.addi %mul3A_3, %add3A_16 : i32
    "tpu.region"() ({
      %run_scoped3A_114 = tpu.sem_alloc : memref<!tpu.dma_semaphore, #tpu.memory_space<semaphore_mem>>
      %dma_start3A_115 = arith.constant 0 : i32
      %dma_start3A_116 = tpu.memref_slice %arg6[%add3A_17, %dma_start3A_115] : memref<10000x48xf32, #tpu.memory_space<vmem_shared>> -> memref<80x48xf32, #tpu.memory_space<vmem_shared>>
      %dma_start3A_117 = arith.constant 0 : i32
      %dma_start3A_118 = tpu.memref_slice %arg6[%add3A_17, %dma_start3A_117] : memref<10000x48xf32, #tpu.memory_space<vmem_shared>> -> memref<80x48xf32, #tpu.memory_space<vmem_shared>>
      tpu.enqueue_dma source(%arg8 : memref<80x48xf32, #tpu.memory_space<vmem>>) target(%dma_start3A_118 : memref<80x48xf32, #tpu.memory_space<vmem_shared>>) target_semaphore(%run_scoped3A_114 : memref<!tpu.dma_semaphore, #tpu.memory_space<semaphore_mem>>)
      %dma_wait3A_119 = arith.constant 0 : i32
      %dma_wait3A_120 = tpu.memref_slice %arg6[%add3A_17, %dma_wait3A_119] : memref<10000x48xf32, #tpu.memory_space<vmem_shared>> -> memref<80x48xf32, #tpu.memory_space<vmem_shared>>
      %dma_wait3A_121 = arith.constant 0 : i32
      %dma_wait3A_122 = tpu.memref_slice %arg6[%add3A_17, %dma_wait3A_121] : memref<10000x48xf32, #tpu.memory_space<vmem_shared>> -> memref<80x48xf32, #tpu.memory_space<vmem_shared>>
      tpu.wait_dma2 semaphore(%run_scoped3A_114 : memref<!tpu.dma_semaphore, #tpu.memory_space<semaphore_mem>>) src(%arg8 : memref<80x48xf32, #tpu.memory_space<vmem>>) dst(%dma_wait3A_122 : memref<80x48xf32, #tpu.memory_space<vmem_shared>>)
      tpu.yield
    }) : () -> ()
    %add3A_18 = arith.constant 560 : i32
    %add3A_19 = arith.addi %mul3A_3, %add3A_18 : i32
    "tpu.region"() ({
      %run_scoped3A_114 = tpu.sem_alloc : memref<!tpu.dma_semaphore, #tpu.memory_space<semaphore_mem>>
      %dma_start3A_115 = arith.constant 0 : i32
      %dma_start3A_116 = arith.constant 0 : i32
      %dma_start3A_117 = tpu.memref_slice %arg8[%dma_start3A_115, %dma_start3A_116] : memref<80x48xf32, #tpu.memory_space<vmem>> -> memref<65x48xf32, #tpu.memory_space<vmem>>
      %dma_start3A_118 = arith.constant 0 : i32
      %dma_start3A_119 = tpu.memref_slice %arg6[%add3A_19, %dma_start3A_118] : memref<10000x48xf32, #tpu.memory_space<vmem_shared>> -> memref<65x48xf32, #tpu.memory_space<vmem_shared>>
      %dma_start3A_120 = arith.constant 0 : i32
      %dma_start3A_121 = tpu.memref_slice %arg6[%add3A_19, %dma_start3A_120] : memref<10000x48xf32, #tpu.memory_space<vmem_shared>> -> memref<65x48xf32, #tpu.memory_space<vmem_shared>>
      %dma_start3A_122 = arith.constant 0 : i32
      %dma_start3A_123 = arith.constant 0 : i32
      %dma_start3A_124 = tpu.memref_slice %arg8[%dma_start3A_122, %dma_start3A_123] : memref<80x48xf32, #tpu.memory_space<vmem>> -> memref<65x48xf32, #tpu.memory_space<vmem>>
      tpu.enqueue_dma source(%dma_start3A_124 : memref<65x48xf32, #tpu.memory_space<vmem>>) target(%dma_start3A_121 : memref<65x48xf32, #tpu.memory_space<vmem_shared>>) target_semaphore(%run_scoped3A_114 : memref<!tpu.dma_semaphore, #tpu.memory_space<semaphore_mem>>)
      %dma_wait3A_125 = arith.constant 0 : i32
      %dma_wait3A_126 = arith.constant 0 : i32
      %dma_wait3A_127 = tpu.memref_slice %arg8[%dma_wait3A_125, %dma_wait3A_126] : memref<80x48xf32, #tpu.memory_space<vmem>> -> memref<65x48xf32, #tpu.memory_space<vmem>>
      %dma_wait3A_128 = arith.constant 0 : i32
      %dma_wait3A_129 = tpu.memref_slice %arg6[%add3A_19, %dma_wait3A_128] : memref<10000x48xf32, #tpu.memory_space<vmem_shared>> -> memref<65x48xf32, #tpu.memory_space<vmem_shared>>
      %dma_wait3A_130 = arith.constant 0 : i32
      %dma_wait3A_131 = tpu.memref_slice %arg6[%add3A_19, %dma_wait3A_130] : memref<10000x48xf32, #tpu.memory_space<vmem_shared>> -> memref<65x48xf32, #tpu.memory_space<vmem_shared>>
      %dma_wait3A_132 = arith.constant 0 : i32
      %dma_wait3A_133 = arith.constant 0 : i32
      %dma_wait3A_134 = tpu.memref_slice %arg8[%dma_wait3A_132, %dma_wait3A_133] : memref<80x48xf32, #tpu.memory_space<vmem>> -> memref<65x48xf32, #tpu.memory_space<vmem>>
      tpu.wait_dma2 semaphore(%run_scoped3A_114 : memref<!tpu.dma_semaphore, #tpu.memory_space<semaphore_mem>>) src(%dma_wait3A_134 : memref<65x48xf32, #tpu.memory_space<vmem>>) dst(%dma_wait3A_131 : memref<65x48xf32, #tpu.memory_space<vmem_shared>>)
      tpu.yield
    }) : () -> ()
    %barrier3A = arith.constant 0 : index
    tpu.barrier barrier_id(%barrier3A)
    %dma_start3A = arith.constant 0 : i32
    %dma_start3A_20 = arith.constant 0 : i32
    %dma_start3A_21 = tpu.memref_slice %arg12[%dma_start3A, %dma_start3A_20] : memref<63x80xi32, #tpu.memory_space<vmem>> -> memref<1x80xi32, #tpu.memory_space<vmem>>
    %dma_start3A_22 = tpu.memref_squeeze %dma_start3A_21 : memref<1x80xi32, #tpu.memory_space<vmem>> -> memref<80xi32, #tpu.memory_space<vmem>>
    %dma_start3A_23 = arith.constant 0 : i32
    %dma_start3A_24 = arith.constant 0 : i32
    %dma_start3A_25 = tpu.memref_slice %arg2[%dma_start3A_23, %dma_start3A_24] : memref<10000x48xf32, #tpu.memory_space<hbm>> -> memref<10000x48xf32, #tpu.memory_space<hbm>>
    tpu.enqueue_indirect_dma source(%dma_start3A_25 : memref<10000x48xf32, #tpu.memory_space<hbm>>) target(%arg7 : memref<80x48xf32, #tpu.memory_space<vmem>>) offsets(%dma_start3A_22 : memref<80xi32, #tpu.memory_space<vmem>>) semaphore(%arg10 : memref<!tpu.dma_semaphore, #tpu.memory_space<semaphore_mem>>)
    %scan3A = arith.constant 0 : i32
    %scan3A_26 = arith.constant 0 : i32
    %scan3A_27 = arith.constant 31 : i32
    %scan3A_28 = arith.addi %scan3A_26, %scan3A_27 : i32
    %scan3A_29 = arith.constant 1 : i32
    scf.for %scan3A_114 = %scan3A_26 to %scan3A_28 step %scan3A_29  : i32 {
      %mul3A_115 = arith.constant 2 : i32
      %mul3A_116 = arith.muli %mul3A_115, %scan3A_114 : i32
      %add3A_117 = arith.constant 1 : i32
      %add3A_118 = arith.addi %mul3A_116, %add3A_117 : i32
      %dma_start3A_119 = arith.constant 0 : i32
      %dma_start3A_120 = tpu.memref_slice %arg12[%add3A_118, %dma_start3A_119] : memref<63x80xi32, #tpu.memory_space<vmem>> -> memref<1x80xi32, #tpu.memory_space<vmem>>
      %dma_start3A_121 = tpu.memref_squeeze %dma_start3A_120 : memref<1x80xi32, #tpu.memory_space<vmem>> -> memref<80xi32, #tpu.memory_space<vmem>>
      %dma_start3A_122 = arith.constant 0 : i32
      %dma_start3A_123 = arith.constant 0 : i32
      %dma_start3A_124 = tpu.memref_slice %arg2[%dma_start3A_122, %dma_start3A_123] : memref<10000x48xf32, #tpu.memory_space<hbm>> -> memref<10000x48xf32, #tpu.memory_space<hbm>>
      tpu.enqueue_indirect_dma source(%dma_start3A_124 : memref<10000x48xf32, #tpu.memory_space<hbm>>) target(%arg8 : memref<80x48xf32, #tpu.memory_space<vmem>>) offsets(%dma_start3A_121 : memref<80xi32, #tpu.memory_space<vmem>>) semaphore(%arg11 : memref<!tpu.dma_semaphore, #tpu.memory_space<semaphore_mem>>)
      %sub3A = arith.constant 1 : i32
      %sub3A_125 = arith.subi %add3A_118, %sub3A : i32
      %dma_wait3A_126 = arith.constant 0 : i32
      %dma_wait3A_127 = tpu.memref_slice %arg12[%sub3A_125, %dma_wait3A_126] : memref<63x80xi32, #tpu.memory_space<vmem>> -> memref<1x80xi32, #tpu.memory_space<vmem>>
      %dma_wait3A_128 = tpu.memref_squeeze %dma_wait3A_127 : memref<1x80xi32, #tpu.memory_space<vmem>> -> memref<80xi32, #tpu.memory_space<vmem>>
      %dma_wait3A_129 = arith.constant 0 : i32
      %dma_wait3A_130 = arith.constant 0 : i32
      %dma_wait3A_131 = tpu.memref_slice %arg2[%dma_wait3A_129, %dma_wait3A_130] : memref<10000x48xf32, #tpu.memory_space<hbm>> -> memref<10000x48xf32, #tpu.memory_space<hbm>>
      tpu.wait_indirect_dma semaphore(%arg10 : memref<!tpu.dma_semaphore, #tpu.memory_space<semaphore_mem>>) src(%dma_wait3A_131 : memref<10000x48xf32, #tpu.memory_space<hbm>>) dst(%arg7 : memref<80x48xf32, #tpu.memory_space<vmem>>)
      %sub3A_132 = arith.constant 1 : i32
      %sub3A_133 = arith.subi %add3A_118, %sub3A_132 : i32
      "tpu.region"() ({
        %run_scoped3A_148 = tpu.sem_alloc : memref<!tpu.dma_semaphore, #tpu.memory_space<semaphore_mem>>
        %dma_start3A_149 = arith.constant 0 : i32
        %dma_start3A_150 = tpu.memref_slice %arg9[%sub3A_133, %dma_start3A_149] : memref<63x80xi32, #tpu.memory_space<vmem>> -> memref<1x80xi32, #tpu.memory_space<vmem>>
        %dma_start3A_151 = tpu.memref_squeeze %dma_start3A_150 : memref<1x80xi32, #tpu.memory_space<vmem>> -> memref<80xi32, #tpu.memory_space<vmem>>
        %dma_start3A_152 = arith.constant 0 : i32
        %dma_start3A_153 = arith.constant 0 : i32
        %dma_start3A_154 = tpu.memref_slice %arg6[%dma_start3A_152, %dma_start3A_153] : memref<10000x48xf32, #tpu.memory_space<vmem_shared>> -> memref<10000x48xf32, #tpu.memory_space<vmem_shared>>
        tpu.enqueue_indirect_dma source(%arg7 : memref<80x48xf32, #tpu.memory_space<vmem>>) target(%dma_start3A_154 : memref<10000x48xf32, #tpu.memory_space<vmem_shared>>) offsets(%dma_start3A_151 : memref<80xi32, #tpu.memory_space<vmem>>) semaphore(%run_scoped3A_148 : memref<!tpu.dma_semaphore, #tpu.memory_space<semaphore_mem>>) {add = true}
        %dma_wait3A_155 = arith.constant 0 : i32
        %dma_wait3A_156 = tpu.memref_slice %arg9[%sub3A_133, %dma_wait3A_155] : memref<63x80xi32, #tpu.memory_space<vmem>> -> memref<1x80xi32, #tpu.memory_space<vmem>>
        %dma_wait3A_157 = tpu.memref_squeeze %dma_wait3A_156 : memref<1x80xi32, #tpu.memory_space<vmem>> -> memref<80xi32, #tpu.memory_space<vmem>>
        %dma_wait3A_158 = arith.constant 0 : i32
        %dma_wait3A_159 = arith.constant 0 : i32
        %dma_wait3A_160 = tpu.memref_slice %arg6[%dma_wait3A_158, %dma_wait3A_159] : memref<10000x48xf32, #tpu.memory_space<vmem_shared>> -> memref<10000x48xf32, #tpu.memory_space<vmem_shared>>
        tpu.wait_indirect_dma semaphore(%run_scoped3A_148 : memref<!tpu.dma_semaphore, #tpu.memory_space<semaphore_mem>>) src(%arg7 : memref<80x48xf32, #tpu.memory_space<vmem>>) dst(%dma_wait3A_160 : memref<10000x48xf32, #tpu.memory_space<vmem_shared>>)
        tpu.yield
      }) : () -> ()
      %add3A_134 = arith.constant 1 : i32
      %add3A_135 = arith.addi %add3A_118, %add3A_134 : i32
      %dma_start3A_136 = arith.constant 0 : i32
      %dma_start3A_137 = tpu.memref_slice %arg12[%add3A_135, %dma_start3A_136] : memref<63x80xi32, #tpu.memory_space<vmem>> -> memref<1x80xi32, #tpu.memory_space<vmem>>
      %dma_start3A_138 = tpu.memref_squeeze %dma_start3A_137 : memref<1x80xi32, #tpu.memory_space<vmem>> -> memref<80xi32, #tpu.memory_space<vmem>>
      %dma_start3A_139 = arith.constant 0 : i32
      %dma_start3A_140 = arith.constant 0 : i32
      %dma_start3A_141 = tpu.memref_slice %arg2[%dma_start3A_139, %dma_start3A_140] : memref<10000x48xf32, #tpu.memory_space<hbm>> -> memref<10000x48xf32, #tpu.memory_space<hbm>>
      tpu.enqueue_indirect_dma source(%dma_start3A_141 : memref<10000x48xf32, #tpu.memory_space<hbm>>) target(%arg7 : memref<80x48xf32, #tpu.memory_space<vmem>>) offsets(%dma_start3A_138 : memref<80xi32, #tpu.memory_space<vmem>>) semaphore(%arg10 : memref<!tpu.dma_semaphore, #tpu.memory_space<semaphore_mem>>)
      %dma_wait3A_142 = arith.constant 0 : i32
      %dma_wait3A_143 = tpu.memref_slice %arg12[%add3A_118, %dma_wait3A_142] : memref<63x80xi32, #tpu.memory_space<vmem>> -> memref<1x80xi32, #tpu.memory_space<vmem>>
      %dma_wait3A_144 = tpu.memref_squeeze %dma_wait3A_143 : memref<1x80xi32, #tpu.memory_space<vmem>> -> memref<80xi32, #tpu.memory_space<vmem>>
      %dma_wait3A_145 = arith.constant 0 : i32
      %dma_wait3A_146 = arith.constant 0 : i32
      %dma_wait3A_147 = tpu.memref_slice %arg2[%dma_wait3A_145, %dma_wait3A_146] : memref<10000x48xf32, #tpu.memory_space<hbm>> -> memref<10000x48xf32, #tpu.memory_space<hbm>>
      tpu.wait_indirect_dma semaphore(%arg11 : memref<!tpu.dma_semaphore, #tpu.memory_space<semaphore_mem>>) src(%dma_wait3A_147 : memref<10000x48xf32, #tpu.memory_space<hbm>>) dst(%arg8 : memref<80x48xf32, #tpu.memory_space<vmem>>)
      "tpu.region"() ({
        %run_scoped3A_148 = tpu.sem_alloc : memref<!tpu.dma_semaphore, #tpu.memory_space<semaphore_mem>>
        %dma_start3A_149 = arith.constant 0 : i32
        %dma_start3A_150 = tpu.memref_slice %arg9[%add3A_118, %dma_start3A_149] : memref<63x80xi32, #tpu.memory_space<vmem>> -> memref<1x80xi32, #tpu.memory_space<vmem>>
        %dma_start3A_151 = tpu.memref_squeeze %dma_start3A_150 : memref<1x80xi32, #tpu.memory_space<vmem>> -> memref<80xi32, #tpu.memory_space<vmem>>
        %dma_start3A_152 = arith.constant 0 : i32
        %dma_start3A_153 = arith.constant 0 : i32
        %dma_start3A_154 = tpu.memref_slice %arg6[%dma_start3A_152, %dma_start3A_153] : memref<10000x48xf32, #tpu.memory_space<vmem_shared>> -> memref<10000x48xf32, #tpu.memory_space<vmem_shared>>
        tpu.enqueue_indirect_dma source(%arg8 : memref<80x48xf32, #tpu.memory_space<vmem>>) target(%dma_start3A_154 : memref<10000x48xf32, #tpu.memory_space<vmem_shared>>) offsets(%dma_start3A_151 : memref<80xi32, #tpu.memory_space<vmem>>) semaphore(%run_scoped3A_148 : memref<!tpu.dma_semaphore, #tpu.memory_space<semaphore_mem>>) {add = true}
        %dma_wait3A_155 = arith.constant 0 : i32
        %dma_wait3A_156 = tpu.memref_slice %arg9[%add3A_118, %dma_wait3A_155] : memref<63x80xi32, #tpu.memory_space<vmem>> -> memref<1x80xi32, #tpu.memory_space<vmem>>
        %dma_wait3A_157 = tpu.memref_squeeze %dma_wait3A_156 : memref<1x80xi32, #tpu.memory_space<vmem>> -> memref<80xi32, #tpu.memory_space<vmem>>
        %dma_wait3A_158 = arith.constant 0 : i32
        %dma_wait3A_159 = arith.constant 0 : i32
        %dma_wait3A_160 = tpu.memref_slice %arg6[%dma_wait3A_158, %dma_wait3A_159] : memref<10000x48xf32, #tpu.memory_space<vmem_shared>> -> memref<10000x48xf32, #tpu.memory_space<vmem_shared>>
        tpu.wait_indirect_dma semaphore(%run_scoped3A_148 : memref<!tpu.dma_semaphore, #tpu.memory_space<semaphore_mem>>) src(%arg8 : memref<80x48xf32, #tpu.memory_space<vmem>>) dst(%dma_wait3A_160 : memref<10000x48xf32, #tpu.memory_space<vmem_shared>>)
        tpu.yield
      }) : () -> ()
    }
    %scan3A_30 = arith.constant 31 : i32
    %dma_wait3A = arith.constant 62 : i32
    %dma_wait3A_31 = arith.constant 0 : i32
    %dma_wait3A_32 = tpu.memref_slice %arg12[%dma_wait3A, %dma_wait3A_31] : memref<63x80xi32, #tpu.memory_space<vmem>> -> memref<1x80xi32, #tpu.memory_space<vmem>>
    %dma_wait3A_33 = tpu.memref_squeeze %dma_wait3A_32 : memref<1x80xi32, #tpu.memory_space<vmem>> -> memref<80xi32, #tpu.memory_space<vmem>>
    %dma_wait3A_34 = arith.constant 0 : i32
    %dma_wait3A_35 = arith.constant 0 : i32
    %dma_wait3A_36 = tpu.memref_slice %arg2[%dma_wait3A_34, %dma_wait3A_35] : memref<10000x48xf32, #tpu.memory_space<hbm>> -> memref<10000x48xf32, #tpu.memory_space<hbm>>
    tpu.wait_indirect_dma semaphore(%arg10 : memref<!tpu.dma_semaphore, #tpu.memory_space<semaphore_mem>>) src(%dma_wait3A_36 : memref<10000x48xf32, #tpu.memory_space<hbm>>) dst(%arg7 : memref<80x48xf32, #tpu.memory_space<vmem>>)
    %run_scoped3A_37 = arith.constant 62 : i32
    "tpu.region"() ({
      %run_scoped3A_114 = tpu.sem_alloc : memref<!tpu.dma_semaphore, #tpu.memory_space<semaphore_mem>>
      %dma_start3A_115 = arith.constant 0 : i32
      %dma_start3A_116 = tpu.memref_slice %arg9[%run_scoped3A_37, %dma_start3A_115] : memref<63x80xi32, #tpu.memory_space<vmem>> -> memref<1x80xi32, #tpu.memory_space<vmem>>
      %dma_start3A_117 = tpu.memref_squeeze %dma_start3A_116 : memref<1x80xi32, #tpu.memory_space<vmem>> -> memref<80xi32, #tpu.memory_space<vmem>>
      %dma_start3A_118 = arith.constant 0 : i32
      %dma_start3A_119 = arith.constant 0 : i32
      %dma_start3A_120 = tpu.memref_slice %arg6[%dma_start3A_118, %dma_start3A_119] : memref<10000x48xf32, #tpu.memory_space<vmem_shared>> -> memref<10000x48xf32, #tpu.memory_space<vmem_shared>>
      tpu.enqueue_indirect_dma source(%arg7 : memref<80x48xf32, #tpu.memory_space<vmem>>) target(%dma_start3A_120 : memref<10000x48xf32, #tpu.memory_space<vmem_shared>>) offsets(%dma_start3A_117 : memref<80xi32, #tpu.memory_space<vmem>>) semaphore(%run_scoped3A_114 : memref<!tpu.dma_semaphore, #tpu.memory_space<semaphore_mem>>) {add = true}
      %dma_wait3A_121 = arith.constant 0 : i32
      %dma_wait3A_122 = tpu.memref_slice %arg9[%run_scoped3A_37, %dma_wait3A_121] : memref<63x80xi32, #tpu.memory_space<vmem>> -> memref<1x80xi32, #tpu.memory_space<vmem>>
      %dma_wait3A_123 = tpu.memref_squeeze %dma_wait3A_122 : memref<1x80xi32, #tpu.memory_space<vmem>> -> memref<80xi32, #tpu.memory_space<vmem>>
      %dma_wait3A_124 = arith.constant 0 : i32
      %dma_wait3A_125 = arith.constant 0 : i32
      %dma_wait3A_126 = tpu.memref_slice %arg6[%dma_wait3A_124, %dma_wait3A_125] : memref<10000x48xf32, #tpu.memory_space<vmem_shared>> -> memref<10000x48xf32, #tpu.memory_space<vmem_shared>>
      tpu.wait_indirect_dma semaphore(%run_scoped3A_114 : memref<!tpu.dma_semaphore, #tpu.memory_space<semaphore_mem>>) src(%arg7 : memref<80x48xf32, #tpu.memory_space<vmem>>) dst(%dma_wait3A_126 : memref<10000x48xf32, #tpu.memory_space<vmem_shared>>)
      tpu.yield
    }) : () -> ()
    %run_scoped3A_38 = arith.constant 0 : i32
    "tpu.region"() ({
      %run_scoped3A_114 = tpu.sem_alloc : memref<!tpu.dma_semaphore, #tpu.memory_space<semaphore_mem>>
      %dma_start3A_115 = arith.constant 0 : i32
      %dma_start3A_116 = arith.constant 0 : i32
      %dma_start3A_117 = tpu.memref_slice %arg12[%dma_start3A_115, %dma_start3A_116] : memref<63x80xi32, #tpu.memory_space<vmem>> -> memref<62x80xi32, #tpu.memory_space<vmem>>
      %dma_start3A_118 = arith.constant 63 : i32
      %dma_start3A_119 = arith.constant 0 : i32
      %dma_start3A_120 = tpu.memref_slice %arg3[%run_scoped3A_38, %add3A, %dma_start3A_118, %dma_start3A_119] : memref<2x32x125x80xi32, #tpu.memory_space<hbm>> -> memref<1x1x62x80xi32, #tpu.memory_space<hbm>>
      %dma_start3A_121 = tpu.memref_squeeze %dma_start3A_120 : memref<1x1x62x80xi32, #tpu.memory_space<hbm>> -> memref<62x80xi32, #tpu.memory_space<hbm>>
      %dma_start3A_122 = arith.constant 0 : i32
      %dma_start3A_123 = arith.constant 0 : i32
      %dma_start3A_124 = tpu.memref_slice %arg12[%dma_start3A_122, %dma_start3A_123] : memref<63x80xi32, #tpu.memory_space<vmem>> -> memref<62x80xi32, #tpu.memory_space<vmem>>
      %dma_start3A_125 = arith.constant 63 : i32
      %dma_start3A_126 = arith.constant 0 : i32
      %dma_start3A_127 = tpu.memref_slice %arg3[%run_scoped3A_38, %add3A, %dma_start3A_125, %dma_start3A_126] : memref<2x32x125x80xi32, #tpu.memory_space<hbm>> -> memref<1x1x62x80xi32, #tpu.memory_space<hbm>>
      %dma_start3A_128 = tpu.memref_squeeze %dma_start3A_127 : memref<1x1x62x80xi32, #tpu.memory_space<hbm>> -> memref<62x80xi32, #tpu.memory_space<hbm>>
      tpu.enqueue_dma source(%dma_start3A_128 : memref<62x80xi32, #tpu.memory_space<hbm>>) target(%dma_start3A_124 : memref<62x80xi32, #tpu.memory_space<vmem>>) target_semaphore(%run_scoped3A_114 : memref<!tpu.dma_semaphore, #tpu.memory_space<semaphore_mem>>)
      %dma_wait3A_129 = arith.constant 0 : i32
      %dma_wait3A_130 = arith.constant 0 : i32
      %dma_wait3A_131 = tpu.memref_slice %arg12[%dma_wait3A_129, %dma_wait3A_130] : memref<63x80xi32, #tpu.memory_space<vmem>> -> memref<62x80xi32, #tpu.memory_space<vmem>>
      %dma_wait3A_132 = arith.constant 63 : i32
      %dma_wait3A_133 = arith.constant 0 : i32
      %dma_wait3A_134 = tpu.memref_slice %arg3[%run_scoped3A_38, %add3A, %dma_wait3A_132, %dma_wait3A_133] : memref<2x32x125x80xi32, #tpu.memory_space<hbm>> -> memref<1x1x62x80xi32, #tpu.memory_space<hbm>>
      %dma_wait3A_135 = tpu.memref_squeeze %dma_wait3A_134 : memref<1x1x62x80xi32, #tpu.memory_space<hbm>> -> memref<62x80xi32, #tpu.memory_space<hbm>>
      %dma_wait3A_136 = arith.constant 0 : i32
      %dma_wait3A_137 = arith.constant 0 : i32
      %dma_wait3A_138 = tpu.memref_slice %arg12[%dma_wait3A_136, %dma_wait3A_137] : memref<63x80xi32, #tpu.memory_space<vmem>> -> memref<62x80xi32, #tpu.memory_space<vmem>>
      %dma_wait3A_139 = arith.constant 63 : i32
      %dma_wait3A_140 = arith.constant 0 : i32
      %dma_wait3A_141 = tpu.memref_slice %arg3[%run_scoped3A_38, %add3A, %dma_wait3A_139, %dma_wait3A_140] : memref<2x32x125x80xi32, #tpu.memory_space<hbm>> -> memref<1x1x62x80xi32, #tpu.memory_space<hbm>>
      %dma_wait3A_142 = tpu.memref_squeeze %dma_wait3A_141 : memref<1x1x62x80xi32, #tpu.memory_space<hbm>> -> memref<62x80xi32, #tpu.memory_space<hbm>>
      tpu.wait_dma2 semaphore(%run_scoped3A_114 : memref<!tpu.dma_semaphore, #tpu.memory_space<semaphore_mem>>) src(%dma_wait3A_142 : memref<62x80xi32, #tpu.memory_space<hbm>>) dst(%dma_wait3A_138 : memref<62x80xi32, #tpu.memory_space<vmem>>)
      tpu.yield
    }) : () -> ()
    %run_scoped3A_39 = arith.constant 1 : i32
    "tpu.region"() ({
      %run_scoped3A_114 = tpu.sem_alloc : memref<!tpu.dma_semaphore, #tpu.memory_space<semaphore_mem>>
      %dma_start3A_115 = arith.constant 0 : i32
      %dma_start3A_116 = arith.constant 0 : i32
      %dma_start3A_117 = tpu.memref_slice %arg9[%dma_start3A_115, %dma_start3A_116] : memref<63x80xi32, #tpu.memory_space<vmem>> -> memref<62x80xi32, #tpu.memory_space<vmem>>
      %dma_start3A_118 = arith.constant 63 : i32
      %dma_start3A_119 = arith.constant 0 : i32
      %dma_start3A_120 = tpu.memref_slice %arg3[%run_scoped3A_39, %add3A, %dma_start3A_118, %dma_start3A_119] : memref<2x32x125x80xi32, #tpu.memory_space<hbm>> -> memref<1x1x62x80xi32, #tpu.memory_space<hbm>>
      %dma_start3A_121 = tpu.memref_squeeze %dma_start3A_120 : memref<1x1x62x80xi32, #tpu.memory_space<hbm>> -> memref<62x80xi32, #tpu.memory_space<hbm>>
      %dma_start3A_122 = arith.constant 0 : i32
      %dma_start3A_123 = arith.constant 0 : i32
      %dma_start3A_124 = tpu.memref_slice %arg9[%dma_start3A_122, %dma_start3A_123] : memref<63x80xi32, #tpu.memory_space<vmem>> -> memref<62x80xi32, #tpu.memory_space<vmem>>
      %dma_start3A_125 = arith.constant 63 : i32
      %dma_start3A_126 = arith.constant 0 : i32
      %dma_start3A_127 = tpu.memref_slice %arg3[%run_scoped3A_39, %add3A, %dma_start3A_125, %dma_start3A_126] : memref<2x32x125x80xi32, #tpu.memory_space<hbm>> -> memref<1x1x62x80xi32, #tpu.memory_space<hbm>>
      %dma_start3A_128 = tpu.memref_squeeze %dma_start3A_127 : memref<1x1x62x80xi32, #tpu.memory_space<hbm>> -> memref<62x80xi32, #tpu.memory_space<hbm>>
      tpu.enqueue_dma source(%dma_start3A_128 : memref<62x80xi32, #tpu.memory_space<hbm>>) target(%dma_start3A_124 : memref<62x80xi32, #tpu.memory_space<vmem>>) target_semaphore(%run_scoped3A_114 : memref<!tpu.dma_semaphore, #tpu.memory_space<semaphore_mem>>)
      %dma_wait3A_129 = arith.constant 0 : i32
      %dma_wait3A_130 = arith.constant 0 : i32
      %dma_wait3A_131 = tpu.memref_slice %arg9[%dma_wait3A_129, %dma_wait3A_130] : memref<63x80xi32, #tpu.memory_space<vmem>> -> memref<62x80xi32, #tpu.memory_space<vmem>>
      %dma_wait3A_132 = arith.constant 63 : i32
      %dma_wait3A_133 = arith.constant 0 : i32
      %dma_wait3A_134 = tpu.memref_slice %arg3[%run_scoped3A_39, %add3A, %dma_wait3A_132, %dma_wait3A_133] : memref<2x32x125x80xi32, #tpu.memory_space<hbm>> -> memref<1x1x62x80xi32, #tpu.memory_space<hbm>>
      %dma_wait3A_135 = tpu.memref_squeeze %dma_wait3A_134 : memref<1x1x62x80xi32, #tpu.memory_space<hbm>> -> memref<62x80xi32, #tpu.memory_space<hbm>>
      %dma_wait3A_136 = arith.constant 0 : i32
      %dma_wait3A_137 = arith.constant 0 : i32
      %dma_wait3A_138 = tpu.memref_slice %arg9[%dma_wait3A_136, %dma_wait3A_137] : memref<63x80xi32, #tpu.memory_space<vmem>> -> memref<62x80xi32, #tpu.memory_space<vmem>>
      %dma_wait3A_139 = arith.constant 63 : i32
      %dma_wait3A_140 = arith.constant 0 : i32
      %dma_wait3A_141 = tpu.memref_slice %arg3[%run_scoped3A_39, %add3A, %dma_wait3A_139, %dma_wait3A_140] : memref<2x32x125x80xi32, #tpu.memory_space<hbm>> -> memref<1x1x62x80xi32, #tpu.memory_space<hbm>>
      %dma_wait3A_142 = tpu.memref_squeeze %dma_wait3A_141 : memref<1x1x62x80xi32, #tpu.memory_space<hbm>> -> memref<62x80xi32, #tpu.memory_space<hbm>>
      tpu.wait_dma2 semaphore(%run_scoped3A_114 : memref<!tpu.dma_semaphore, #tpu.memory_space<semaphore_mem>>) src(%dma_wait3A_142 : memref<62x80xi32, #tpu.memory_space<hbm>>) dst(%dma_wait3A_138 : memref<62x80xi32, #tpu.memory_space<vmem>>)
      tpu.yield
    }) : () -> ()
    %dma_start3A_40 = arith.constant 0 : i32
    %dma_start3A_41 = arith.constant 0 : i32
    %dma_start3A_42 = tpu.memref_slice %arg12[%dma_start3A_40, %dma_start3A_41] : memref<63x80xi32, #tpu.memory_space<vmem>> -> memref<1x80xi32, #tpu.memory_space<vmem>>
    %dma_start3A_43 = tpu.memref_squeeze %dma_start3A_42 : memref<1x80xi32, #tpu.memory_space<vmem>> -> memref<80xi32, #tpu.memory_space<vmem>>
    %dma_start3A_44 = arith.constant 0 : i32
    %dma_start3A_45 = arith.constant 0 : i32
    %dma_start3A_46 = tpu.memref_slice %arg2[%dma_start3A_44, %dma_start3A_45] : memref<10000x48xf32, #tpu.memory_space<hbm>> -> memref<10000x48xf32, #tpu.memory_space<hbm>>
    tpu.enqueue_indirect_dma source(%dma_start3A_46 : memref<10000x48xf32, #tpu.memory_space<hbm>>) target(%arg7 : memref<80x48xf32, #tpu.memory_space<vmem>>) offsets(%dma_start3A_43 : memref<80xi32, #tpu.memory_space<vmem>>) semaphore(%arg10 : memref<!tpu.dma_semaphore, #tpu.memory_space<semaphore_mem>>)
    %scan3A_47 = arith.constant 0 : i32
    %scan3A_48 = arith.constant 0 : i32
    %scan3A_49 = arith.constant 30 : i32
    %scan3A_50 = arith.addi %scan3A_48, %scan3A_49 : i32
    %scan3A_51 = arith.constant 1 : i32
    scf.for %scan3A_114 = %scan3A_48 to %scan3A_50 step %scan3A_51  : i32 {
      %mul3A_115 = arith.constant 2 : i32
      %mul3A_116 = arith.muli %mul3A_115, %scan3A_114 : i32
      %add3A_117 = arith.constant 1 : i32
      %add3A_118 = arith.addi %mul3A_116, %add3A_117 : i32
      %dma_start3A_119 = arith.constant 0 : i32
      %dma_start3A_120 = tpu.memref_slice %arg12[%add3A_118, %dma_start3A_119] : memref<63x80xi32, #tpu.memory_space<vmem>> -> memref<1x80xi32, #tpu.memory_space<vmem>>
      %dma_start3A_121 = tpu.memref_squeeze %dma_start3A_120 : memref<1x80xi32, #tpu.memory_space<vmem>> -> memref<80xi32, #tpu.memory_space<vmem>>
      %dma_start3A_122 = arith.constant 0 : i32
      %dma_start3A_123 = arith.constant 0 : i32
      %dma_start3A_124 = tpu.memref_slice %arg2[%dma_start3A_122, %dma_start3A_123] : memref<10000x48xf32, #tpu.memory_space<hbm>> -> memref<10000x48xf32, #tpu.memory_space<hbm>>
      tpu.enqueue_indirect_dma source(%dma_start3A_124 : memref<10000x48xf32, #tpu.memory_space<hbm>>) target(%arg8 : memref<80x48xf32, #tpu.memory_space<vmem>>) offsets(%dma_start3A_121 : memref<80xi32, #tpu.memory_space<vmem>>) semaphore(%arg11 : memref<!tpu.dma_semaphore, #tpu.memory_space<semaphore_mem>>)
      %sub3A = arith.constant 1 : i32
      %sub3A_125 = arith.subi %add3A_118, %sub3A : i32
      %dma_wait3A_126 = arith.constant 0 : i32
      %dma_wait3A_127 = tpu.memref_slice %arg12[%sub3A_125, %dma_wait3A_126] : memref<63x80xi32, #tpu.memory_space<vmem>> -> memref<1x80xi32, #tpu.memory_space<vmem>>
      %dma_wait3A_128 = tpu.memref_squeeze %dma_wait3A_127 : memref<1x80xi32, #tpu.memory_space<vmem>> -> memref<80xi32, #tpu.memory_space<vmem>>
      %dma_wait3A_129 = arith.constant 0 : i32
      %dma_wait3A_130 = arith.constant 0 : i32
      %dma_wait3A_131 = tpu.memref_slice %arg2[%dma_wait3A_129, %dma_wait3A_130] : memref<10000x48xf32, #tpu.memory_space<hbm>> -> memref<10000x48xf32, #tpu.memory_space<hbm>>
      tpu.wait_indirect_dma semaphore(%arg10 : memref<!tpu.dma_semaphore, #tpu.memory_space<semaphore_mem>>) src(%dma_wait3A_131 : memref<10000x48xf32, #tpu.memory_space<hbm>>) dst(%arg7 : memref<80x48xf32, #tpu.memory_space<vmem>>)
      %sub3A_132 = arith.constant 1 : i32
      %sub3A_133 = arith.subi %add3A_118, %sub3A_132 : i32
      "tpu.region"() ({
        %run_scoped3A_148 = tpu.sem_alloc : memref<!tpu.dma_semaphore, #tpu.memory_space<semaphore_mem>>
        %dma_start3A_149 = arith.constant 0 : i32
        %dma_start3A_150 = tpu.memref_slice %arg9[%sub3A_133, %dma_start3A_149] : memref<63x80xi32, #tpu.memory_space<vmem>> -> memref<1x80xi32, #tpu.memory_space<vmem>>
        %dma_start3A_151 = tpu.memref_squeeze %dma_start3A_150 : memref<1x80xi32, #tpu.memory_space<vmem>> -> memref<80xi32, #tpu.memory_space<vmem>>
        %dma_start3A_152 = arith.constant 0 : i32
        %dma_start3A_153 = arith.constant 0 : i32
        %dma_start3A_154 = tpu.memref_slice %arg6[%dma_start3A_152, %dma_start3A_153] : memref<10000x48xf32, #tpu.memory_space<vmem_shared>> -> memref<10000x48xf32, #tpu.memory_space<vmem_shared>>
        tpu.enqueue_indirect_dma source(%arg7 : memref<80x48xf32, #tpu.memory_space<vmem>>) target(%dma_start3A_154 : memref<10000x48xf32, #tpu.memory_space<vmem_shared>>) offsets(%dma_start3A_151 : memref<80xi32, #tpu.memory_space<vmem>>) semaphore(%run_scoped3A_148 : memref<!tpu.dma_semaphore, #tpu.memory_space<semaphore_mem>>) {add = true}
        %dma_wait3A_155 = arith.constant 0 : i32
        %dma_wait3A_156 = tpu.memref_slice %arg9[%sub3A_133, %dma_wait3A_155] : memref<63x80xi32, #tpu.memory_space<vmem>> -> memref<1x80xi32, #tpu.memory_space<vmem>>
        %dma_wait3A_157 = tpu.memref_squeeze %dma_wait3A_156 : memref<1x80xi32, #tpu.memory_space<vmem>> -> memref<80xi32, #tpu.memory_space<vmem>>
        %dma_wait3A_158 = arith.constant 0 : i32
        %dma_wait3A_159 = arith.constant 0 : i32
        %dma_wait3A_160 = tpu.memref_slice %arg6[%dma_wait3A_158, %dma_wait3A_159] : memref<10000x48xf32, #tpu.memory_space<vmem_shared>> -> memref<10000x48xf32, #tpu.memory_space<vmem_shared>>
        tpu.wait_indirect_dma semaphore(%run_scoped3A_148 : memref<!tpu.dma_semaphore, #tpu.memory_space<semaphore_mem>>) src(%arg7 : memref<80x48xf32, #tpu.memory_space<vmem>>) dst(%dma_wait3A_160 : memref<10000x48xf32, #tpu.memory_space<vmem_shared>>)
        tpu.yield
      }) : () -> ()
      %add3A_134 = arith.constant 1 : i32
      %add3A_135 = arith.addi %add3A_118, %add3A_134 : i32
      %dma_start3A_136 = arith.constant 0 : i32
      %dma_start3A_137 = tpu.memref_slice %arg12[%add3A_135, %dma_start3A_136] : memref<63x80xi32, #tpu.memory_space<vmem>> -> memref<1x80xi32, #tpu.memory_space<vmem>>
      %dma_start3A_138 = tpu.memref_squeeze %dma_start3A_137 : memref<1x80xi32, #tpu.memory_space<vmem>> -> memref<80xi32, #tpu.memory_space<vmem>>
      %dma_start3A_139 = arith.constant 0 : i32
      %dma_start3A_140 = arith.constant 0 : i32
      %dma_start3A_141 = tpu.memref_slice %arg2[%dma_start3A_139, %dma_start3A_140] : memref<10000x48xf32, #tpu.memory_space<hbm>> -> memref<10000x48xf32, #tpu.memory_space<hbm>>
      tpu.enqueue_indirect_dma source(%dma_start3A_141 : memref<10000x48xf32, #tpu.memory_space<hbm>>) target(%arg7 : memref<80x48xf32, #tpu.memory_space<vmem>>) offsets(%dma_start3A_138 : memref<80xi32, #tpu.memory_space<vmem>>) semaphore(%arg10 : memref<!tpu.dma_semaphore, #tpu.memory_space<semaphore_mem>>)
      %dma_wait3A_142 = arith.constant 0 : i32
      %dma_wait3A_143 = tpu.memref_slice %arg12[%add3A_118, %dma_wait3A_142] : memref<63x80xi32, #tpu.memory_space<vmem>> -> memref<1x80xi32, #tpu.memory_space<vmem>>
      %dma_wait3A_144 = tpu.memref_squeeze %dma_wait3A_143 : memref<1x80xi32, #tpu.memory_space<vmem>> -> memref<80xi32, #tpu.memory_space<vmem>>
      %dma_wait3A_145 = arith.constant 0 : i32
      %dma_wait3A_146 = arith.constant 0 : i32
      %dma_wait3A_147 = tpu.memref_slice %arg2[%dma_wait3A_145, %dma_wait3A_146] : memref<10000x48xf32, #tpu.memory_space<hbm>> -> memref<10000x48xf32, #tpu.memory_space<hbm>>
      tpu.wait_indirect_dma semaphore(%arg11 : memref<!tpu.dma_semaphore, #tpu.memory_space<semaphore_mem>>) src(%dma_wait3A_147 : memref<10000x48xf32, #tpu.memory_space<hbm>>) dst(%arg8 : memref<80x48xf32, #tpu.memory_space<vmem>>)
      "tpu.region"() ({
        %run_scoped3A_148 = tpu.sem_alloc : memref<!tpu.dma_semaphore, #tpu.memory_space<semaphore_mem>>
        %dma_start3A_149 = arith.constant 0 : i32
        %dma_start3A_150 = tpu.memref_slice %arg9[%add3A_118, %dma_start3A_149] : memref<63x80xi32, #tpu.memory_space<vmem>> -> memref<1x80xi32, #tpu.memory_space<vmem>>
        %dma_start3A_151 = tpu.memref_squeeze %dma_start3A_150 : memref<1x80xi32, #tpu.memory_space<vmem>> -> memref<80xi32, #tpu.memory_space<vmem>>
        %dma_start3A_152 = arith.constant 0 : i32
        %dma_start3A_153 = arith.constant 0 : i32
        %dma_start3A_154 = tpu.memref_slice %arg6[%dma_start3A_152, %dma_start3A_153] : memref<10000x48xf32, #tpu.memory_space<vmem_shared>> -> memref<10000x48xf32, #tpu.memory_space<vmem_shared>>
        tpu.enqueue_indirect_dma source(%arg8 : memref<80x48xf32, #tpu.memory_space<vmem>>) target(%dma_start3A_154 : memref<10000x48xf32, #tpu.memory_space<vmem_shared>>) offsets(%dma_start3A_151 : memref<80xi32, #tpu.memory_space<vmem>>) semaphore(%run_scoped3A_148 : memref<!tpu.dma_semaphore, #tpu.memory_space<semaphore_mem>>) {add = true}
        %dma_wait3A_155 = arith.constant 0 : i32
        %dma_wait3A_156 = tpu.memref_slice %arg9[%add3A_118, %dma_wait3A_155] : memref<63x80xi32, #tpu.memory_space<vmem>> -> memref<1x80xi32, #tpu.memory_space<vmem>>
        %dma_wait3A_157 = tpu.memref_squeeze %dma_wait3A_156 : memref<1x80xi32, #tpu.memory_space<vmem>> -> memref<80xi32, #tpu.memory_space<vmem>>
        %dma_wait3A_158 = arith.constant 0 : i32
        %dma_wait3A_159 = arith.constant 0 : i32
        %dma_wait3A_160 = tpu.memref_slice %arg6[%dma_wait3A_158, %dma_wait3A_159] : memref<10000x48xf32, #tpu.memory_space<vmem_shared>> -> memref<10000x48xf32, #tpu.memory_space<vmem_shared>>
        tpu.wait_indirect_dma semaphore(%run_scoped3A_148 : memref<!tpu.dma_semaphore, #tpu.memory_space<semaphore_mem>>) src(%arg8 : memref<80x48xf32, #tpu.memory_space<vmem>>) dst(%dma_wait3A_160 : memref<10000x48xf32, #tpu.memory_space<vmem_shared>>)
        tpu.yield
      }) : () -> ()
    }
    %scan3A_52 = arith.constant 30 : i32
    %dma_start3A_53 = arith.constant 61 : i32
    %dma_start3A_54 = arith.constant 0 : i32
    %dma_start3A_55 = tpu.memref_slice %arg12[%dma_start3A_53, %dma_start3A_54] : memref<63x80xi32, #tpu.memory_space<vmem>> -> memref<1x80xi32, #tpu.memory_space<vmem>>
    %dma_start3A_56 = tpu.memref_squeeze %dma_start3A_55 : memref<1x80xi32, #tpu.memory_space<vmem>> -> memref<80xi32, #tpu.memory_space<vmem>>
    %dma_start3A_57 = arith.constant 0 : i32
    %dma_start3A_58 = arith.constant 0 : i32
    %dma_start3A_59 = tpu.memref_slice %arg2[%dma_start3A_57, %dma_start3A_58] : memref<10000x48xf32, #tpu.memory_space<hbm>> -> memref<10000x48xf32, #tpu.memory_space<hbm>>
    tpu.enqueue_indirect_dma source(%dma_start3A_59 : memref<10000x48xf32, #tpu.memory_space<hbm>>) target(%arg8 : memref<80x48xf32, #tpu.memory_space<vmem>>) offsets(%dma_start3A_56 : memref<80xi32, #tpu.memory_space<vmem>>) semaphore(%arg11 : memref<!tpu.dma_semaphore, #tpu.memory_space<semaphore_mem>>)
    %dma_wait3A_60 = arith.constant 60 : i32
    %dma_wait3A_61 = arith.constant 0 : i32
    %dma_wait3A_62 = tpu.memref_slice %arg12[%dma_wait3A_60, %dma_wait3A_61] : memref<63x80xi32, #tpu.memory_space<vmem>> -> memref<1x80xi32, #tpu.memory_space<vmem>>
    %dma_wait3A_63 = tpu.memref_squeeze %dma_wait3A_62 : memref<1x80xi32, #tpu.memory_space<vmem>> -> memref<80xi32, #tpu.memory_space<vmem>>
    %dma_wait3A_64 = arith.constant 0 : i32
    %dma_wait3A_65 = arith.constant 0 : i32
    %dma_wait3A_66 = tpu.memref_slice %arg2[%dma_wait3A_64, %dma_wait3A_65] : memref<10000x48xf32, #tpu.memory_space<hbm>> -> memref<10000x48xf32, #tpu.memory_space<hbm>>
    tpu.wait_indirect_dma semaphore(%arg10 : memref<!tpu.dma_semaphore, #tpu.memory_space<semaphore_mem>>) src(%dma_wait3A_66 : memref<10000x48xf32, #tpu.memory_space<hbm>>) dst(%arg7 : memref<80x48xf32, #tpu.memory_space<vmem>>)
    %run_scoped3A_67 = arith.constant 60 : i32
    "tpu.region"() ({
      %run_scoped3A_114 = tpu.sem_alloc : memref<!tpu.dma_semaphore, #tpu.memory_space<semaphore_mem>>
      %dma_start3A_115 = arith.constant 0 : i32
      %dma_start3A_116 = tpu.memref_slice %arg9[%run_scoped3A_67, %dma_start3A_115] : memref<63x80xi32, #tpu.memory_space<vmem>> -> memref<1x80xi32, #tpu.memory_space<vmem>>
      %dma_start3A_117 = tpu.memref_squeeze %dma_start3A_116 : memref<1x80xi32, #tpu.memory_space<vmem>> -> memref<80xi32, #tpu.memory_space<vmem>>
      %dma_start3A_118 = arith.constant 0 : i32
      %dma_start3A_119 = arith.constant 0 : i32
      %dma_start3A_120 = tpu.memref_slice %arg6[%dma_start3A_118, %dma_start3A_119] : memref<10000x48xf32, #tpu.memory_space<vmem_shared>> -> memref<10000x48xf32, #tpu.memory_space<vmem_shared>>
      tpu.enqueue_indirect_dma source(%arg7 : memref<80x48xf32, #tpu.memory_space<vmem>>) target(%dma_start3A_120 : memref<10000x48xf32, #tpu.memory_space<vmem_shared>>) offsets(%dma_start3A_117 : memref<80xi32, #tpu.memory_space<vmem>>) semaphore(%run_scoped3A_114 : memref<!tpu.dma_semaphore, #tpu.memory_space<semaphore_mem>>) {add = true}
      %dma_wait3A_121 = arith.constant 0 : i32
      %dma_wait3A_122 = tpu.memref_slice %arg9[%run_scoped3A_67, %dma_wait3A_121] : memref<63x80xi32, #tpu.memory_space<vmem>> -> memref<1x80xi32, #tpu.memory_space<vmem>>
      %dma_wait3A_123 = tpu.memref_squeeze %dma_wait3A_122 : memref<1x80xi32, #tpu.memory_space<vmem>> -> memref<80xi32, #tpu.memory_space<vmem>>
      %dma_wait3A_124 = arith.constant 0 : i32
      %dma_wait3A_125 = arith.constant 0 : i32
      %dma_wait3A_126 = tpu.memref_slice %arg6[%dma_wait3A_124, %dma_wait3A_125] : memref<10000x48xf32, #tpu.memory_space<vmem_shared>> -> memref<10000x48xf32, #tpu.memory_space<vmem_shared>>
      tpu.wait_indirect_dma semaphore(%run_scoped3A_114 : memref<!tpu.dma_semaphore, #tpu.memory_space<semaphore_mem>>) src(%arg7 : memref<80x48xf32, #tpu.memory_space<vmem>>) dst(%dma_wait3A_126 : memref<10000x48xf32, #tpu.memory_space<vmem_shared>>)
      tpu.yield
    }) : () -> ()
    %dma_wait3A_68 = arith.constant 61 : i32
    %dma_wait3A_69 = arith.constant 0 : i32
    %dma_wait3A_70 = tpu.memref_slice %arg12[%dma_wait3A_68, %dma_wait3A_69] : memref<63x80xi32, #tpu.memory_space<vmem>> -> memref<1x80xi32, #tpu.memory_space<vmem>>
    %dma_wait3A_71 = tpu.memref_squeeze %dma_wait3A_70 : memref<1x80xi32, #tpu.memory_space<vmem>> -> memref<80xi32, #tpu.memory_space<vmem>>
    %dma_wait3A_72 = arith.constant 0 : i32
    %dma_wait3A_73 = arith.constant 0 : i32
    %dma_wait3A_74 = tpu.memref_slice %arg2[%dma_wait3A_72, %dma_wait3A_73] : memref<10000x48xf32, #tpu.memory_space<hbm>> -> memref<10000x48xf32, #tpu.memory_space<hbm>>
    tpu.wait_indirect_dma semaphore(%arg11 : memref<!tpu.dma_semaphore, #tpu.memory_space<semaphore_mem>>) src(%dma_wait3A_74 : memref<10000x48xf32, #tpu.memory_space<hbm>>) dst(%arg8 : memref<80x48xf32, #tpu.memory_space<vmem>>)
    %run_scoped3A_75 = arith.constant 61 : i32
    "tpu.region"() ({
      %run_scoped3A_114 = tpu.sem_alloc : memref<!tpu.dma_semaphore, #tpu.memory_space<semaphore_mem>>
      %dma_start3A_115 = arith.constant 0 : i32
      %dma_start3A_116 = tpu.memref_slice %arg9[%run_scoped3A_75, %dma_start3A_115] : memref<63x80xi32, #tpu.memory_space<vmem>> -> memref<1x80xi32, #tpu.memory_space<vmem>>
      %dma_start3A_117 = tpu.memref_squeeze %dma_start3A_116 : memref<1x80xi32, #tpu.memory_space<vmem>> -> memref<80xi32, #tpu.memory_space<vmem>>
      %dma_start3A_118 = arith.constant 0 : i32
      %dma_start3A_119 = arith.constant 0 : i32
      %dma_start3A_120 = tpu.memref_slice %arg6[%dma_start3A_118, %dma_start3A_119] : memref<10000x48xf32, #tpu.memory_space<vmem_shared>> -> memref<10000x48xf32, #tpu.memory_space<vmem_shared>>
      tpu.enqueue_indirect_dma source(%arg8 : memref<80x48xf32, #tpu.memory_space<vmem>>) target(%dma_start3A_120 : memref<10000x48xf32, #tpu.memory_space<vmem_shared>>) offsets(%dma_start3A_117 : memref<80xi32, #tpu.memory_space<vmem>>) semaphore(%run_scoped3A_114 : memref<!tpu.dma_semaphore, #tpu.memory_space<semaphore_mem>>) {add = true}
      %dma_wait3A_121 = arith.constant 0 : i32
      %dma_wait3A_122 = tpu.memref_slice %arg9[%run_scoped3A_75, %dma_wait3A_121] : memref<63x80xi32, #tpu.memory_space<vmem>> -> memref<1x80xi32, #tpu.memory_space<vmem>>
      %dma_wait3A_123 = tpu.memref_squeeze %dma_wait3A_122 : memref<1x80xi32, #tpu.memory_space<vmem>> -> memref<80xi32, #tpu.memory_space<vmem>>
      %dma_wait3A_124 = arith.constant 0 : i32
      %dma_wait3A_125 = arith.constant 0 : i32
      %dma_wait3A_126 = tpu.memref_slice %arg6[%dma_wait3A_124, %dma_wait3A_125] : memref<10000x48xf32, #tpu.memory_space<vmem_shared>> -> memref<10000x48xf32, #tpu.memory_space<vmem_shared>>
      tpu.wait_indirect_dma semaphore(%run_scoped3A_114 : memref<!tpu.dma_semaphore, #tpu.memory_space<semaphore_mem>>) src(%arg8 : memref<80x48xf32, #tpu.memory_space<vmem>>) dst(%dma_wait3A_126 : memref<10000x48xf32, #tpu.memory_space<vmem_shared>>)
      tpu.yield
    }) : () -> ()
    %barrier3A_76 = arith.constant 0 : index
    tpu.barrier barrier_id(%barrier3A_76)
    %mul3A_77 = arith.constant 625 : i32
    %mul3A_78 = arith.muli %arg1, %mul3A_77 : i32
    %mul3A_79 = arith.constant 10000 : i32
    %mul3A_80 = arith.muli %arg0, %mul3A_79 : i32
    %add3A_81 = arith.addi %mul3A_80, %mul3A_78 : i32
    %add3A_82 = arith.constant 0 : i32
    %add3A_83 = arith.addi %mul3A_78, %add3A_82 : i32
    "tpu.region"() ({
      %run_scoped3A_114 = tpu.sem_alloc : memref<!tpu.dma_semaphore, #tpu.memory_space<semaphore_mem>>
      %dma_start3A_115 = arith.constant 0 : i32
      %dma_start3A_116 = tpu.memref_slice %arg6[%add3A_83, %dma_start3A_115] : memref<10000x48xf32, #tpu.memory_space<vmem_shared>> -> memref<80x48xf32, #tpu.memory_space<vmem_shared>>
      %dma_start3A_117 = arith.constant 0 : i32
      %dma_start3A_118 = tpu.memref_slice %arg6[%add3A_83, %dma_start3A_117] : memref<10000x48xf32, #tpu.memory_space<vmem_shared>> -> memref<80x48xf32, #tpu.memory_space<vmem_shared>>
      tpu.enqueue_dma source(%dma_start3A_118 : memref<80x48xf32, #tpu.memory_space<vmem_shared>>) target(%arg7 : memref<80x48xf32, #tpu.memory_space<vmem>>) target_semaphore(%run_scoped3A_114 : memref<!tpu.dma_semaphore, #tpu.memory_space<semaphore_mem>>)
      %dma_wait3A_119 = arith.constant 0 : i32
      %dma_wait3A_120 = tpu.memref_slice %arg6[%add3A_83, %dma_wait3A_119] : memref<10000x48xf32, #tpu.memory_space<vmem_shared>> -> memref<80x48xf32, #tpu.memory_space<vmem_shared>>
      %dma_wait3A_121 = arith.constant 0 : i32
      %dma_wait3A_122 = tpu.memref_slice %arg6[%add3A_83, %dma_wait3A_121] : memref<10000x48xf32, #tpu.memory_space<vmem_shared>> -> memref<80x48xf32, #tpu.memory_space<vmem_shared>>
      tpu.wait_dma2 semaphore(%run_scoped3A_114 : memref<!tpu.dma_semaphore, #tpu.memory_space<semaphore_mem>>) src(%dma_wait3A_122 : memref<80x48xf32, #tpu.memory_space<vmem_shared>>) dst(%arg7 : memref<80x48xf32, #tpu.memory_space<vmem>>)
      tpu.yield
    }) : () -> ()
    %add3A_84 = arith.constant 0 : i32
    %add3A_85 = arith.addi %add3A_81, %add3A_84 : i32
    "tpu.region"() ({
      %run_scoped3A_114 = tpu.sem_alloc : memref<!tpu.dma_semaphore, #tpu.memory_space<semaphore_mem>>
      %dma_start3A_115 = arith.constant 0 : i32
      %dma_start3A_116 = tpu.memref_slice %arg5[%add3A_85, %dma_start3A_115] : memref<20000x48xf32, #tpu.memory_space<hbm>> -> memref<80x48xf32, #tpu.memory_space<hbm>>
      %dma_start3A_117 = arith.constant 0 : i32
      %dma_start3A_118 = tpu.memref_slice %arg5[%add3A_85, %dma_start3A_117] : memref<20000x48xf32, #tpu.memory_space<hbm>> -> memref<80x48xf32, #tpu.memory_space<hbm>>
      tpu.enqueue_dma source(%arg7 : memref<80x48xf32, #tpu.memory_space<vmem>>) target(%dma_start3A_118 : memref<80x48xf32, #tpu.memory_space<hbm>>) target_semaphore(%run_scoped3A_114 : memref<!tpu.dma_semaphore, #tpu.memory_space<semaphore_mem>>)
      %dma_wait3A_119 = arith.constant 0 : i32
      %dma_wait3A_120 = tpu.memref_slice %arg5[%add3A_85, %dma_wait3A_119] : memref<20000x48xf32, #tpu.memory_space<hbm>> -> memref<80x48xf32, #tpu.memory_space<hbm>>
      %dma_wait3A_121 = arith.constant 0 : i32
      %dma_wait3A_122 = tpu.memref_slice %arg5[%add3A_85, %dma_wait3A_121] : memref<20000x48xf32, #tpu.memory_space<hbm>> -> memref<80x48xf32, #tpu.memory_space<hbm>>
      tpu.wait_dma2 semaphore(%run_scoped3A_114 : memref<!tpu.dma_semaphore, #tpu.memory_space<semaphore_mem>>) src(%arg7 : memref<80x48xf32, #tpu.memory_space<vmem>>) dst(%dma_wait3A_122 : memref<80x48xf32, #tpu.memory_space<hbm>>)
      tpu.yield
    }) : () -> ()
    %add3A_86 = arith.constant 80 : i32
    %add3A_87 = arith.addi %mul3A_78, %add3A_86 : i32
    "tpu.region"() ({
      %run_scoped3A_114 = tpu.sem_alloc : memref<!tpu.dma_semaphore, #tpu.memory_space<semaphore_mem>>
      %dma_start3A_115 = arith.constant 0 : i32
      %dma_start3A_116 = tpu.memref_slice %arg6[%add3A_87, %dma_start3A_115] : memref<10000x48xf32, #tpu.memory_space<vmem_shared>> -> memref<80x48xf32, #tpu.memory_space<vmem_shared>>
      %dma_start3A_117 = arith.constant 0 : i32
      %dma_start3A_118 = tpu.memref_slice %arg6[%add3A_87, %dma_start3A_117] : memref<10000x48xf32, #tpu.memory_space<vmem_shared>> -> memref<80x48xf32, #tpu.memory_space<vmem_shared>>
      tpu.enqueue_dma source(%dma_start3A_118 : memref<80x48xf32, #tpu.memory_space<vmem_shared>>) target(%arg7 : memref<80x48xf32, #tpu.memory_space<vmem>>) target_semaphore(%run_scoped3A_114 : memref<!tpu.dma_semaphore, #tpu.memory_space<semaphore_mem>>)
      %dma_wait3A_119 = arith.constant 0 : i32
      %dma_wait3A_120 = tpu.memref_slice %arg6[%add3A_87, %dma_wait3A_119] : memref<10000x48xf32, #tpu.memory_space<vmem_shared>> -> memref<80x48xf32, #tpu.memory_space<vmem_shared>>
      %dma_wait3A_121 = arith.constant 0 : i32
      %dma_wait3A_122 = tpu.memref_slice %arg6[%add3A_87, %dma_wait3A_121] : memref<10000x48xf32, #tpu.memory_space<vmem_shared>> -> memref<80x48xf32, #tpu.memory_space<vmem_shared>>
      tpu.wait_dma2 semaphore(%run_scoped3A_114 : memref<!tpu.dma_semaphore, #tpu.memory_space<semaphore_mem>>) src(%dma_wait3A_122 : memref<80x48xf32, #tpu.memory_space<vmem_shared>>) dst(%arg7 : memref<80x48xf32, #tpu.memory_space<vmem>>)
      tpu.yield
    }) : () -> ()
    %add3A_88 = arith.constant 80 : i32
    %add3A_89 = arith.addi %add3A_81, %add3A_88 : i32
    "tpu.region"() ({
      %run_scoped3A_114 = tpu.sem_alloc : memref<!tpu.dma_semaphore, #tpu.memory_space<semaphore_mem>>
      %dma_start3A_115 = arith.constant 0 : i32
      %dma_start3A_116 = tpu.memref_slice %arg5[%add3A_89, %dma_start3A_115] : memref<20000x48xf32, #tpu.memory_space<hbm>> -> memref<80x48xf32, #tpu.memory_space<hbm>>
      %dma_start3A_117 = arith.constant 0 : i32
      %dma_start3A_118 = tpu.memref_slice %arg5[%add3A_89, %dma_start3A_117] : memref<20000x48xf32, #tpu.memory_space<hbm>> -> memref<80x48xf32, #tpu.memory_space<hbm>>
      tpu.enqueue_dma source(%arg7 : memref<80x48xf32, #tpu.memory_space<vmem>>) target(%dma_start3A_118 : memref<80x48xf32, #tpu.memory_space<hbm>>) target_semaphore(%run_scoped3A_114 : memref<!tpu.dma_semaphore, #tpu.memory_space<semaphore_mem>>)
      %dma_wait3A_119 = arith.constant 0 : i32
      %dma_wait3A_120 = tpu.memref_slice %arg5[%add3A_89, %dma_wait3A_119] : memref<20000x48xf32, #tpu.memory_space<hbm>> -> memref<80x48xf32, #tpu.memory_space<hbm>>
      %dma_wait3A_121 = arith.constant 0 : i32
      %dma_wait3A_122 = tpu.memref_slice %arg5[%add3A_89, %dma_wait3A_121] : memref<20000x48xf32, #tpu.memory_space<hbm>> -> memref<80x48xf32, #tpu.memory_space<hbm>>
      tpu.wait_dma2 semaphore(%run_scoped3A_114 : memref<!tpu.dma_semaphore, #tpu.memory_space<semaphore_mem>>) src(%arg7 : memref<80x48xf32, #tpu.memory_space<vmem>>) dst(%dma_wait3A_122 : memref<80x48xf32, #tpu.memory_space<hbm>>)
      tpu.yield
    }) : () -> ()
    %add3A_90 = arith.constant 160 : i32
    %add3A_91 = arith.addi %mul3A_78, %add3A_90 : i32
    "tpu.region"() ({
      %run_scoped3A_114 = tpu.sem_alloc : memref<!tpu.dma_semaphore, #tpu.memory_space<semaphore_mem>>
      %dma_start3A_115 = arith.constant 0 : i32
      %dma_start3A_116 = tpu.memref_slice %arg6[%add3A_91, %dma_start3A_115] : memref<10000x48xf32, #tpu.memory_space<vmem_shared>> -> memref<80x48xf32, #tpu.memory_space<vmem_shared>>
      %dma_start3A_117 = arith.constant 0 : i32
      %dma_start3A_118 = tpu.memref_slice %arg6[%add3A_91, %dma_start3A_117] : memref<10000x48xf32, #tpu.memory_space<vmem_shared>> -> memref<80x48xf32, #tpu.memory_space<vmem_shared>>
      tpu.enqueue_dma source(%dma_start3A_118 : memref<80x48xf32, #tpu.memory_space<vmem_shared>>) target(%arg7 : memref<80x48xf32, #tpu.memory_space<vmem>>) target_semaphore(%run_scoped3A_114 : memref<!tpu.dma_semaphore, #tpu.memory_space<semaphore_mem>>)
      %dma_wait3A_119 = arith.constant 0 : i32
      %dma_wait3A_120 = tpu.memref_slice %arg6[%add3A_91, %dma_wait3A_119] : memref<10000x48xf32, #tpu.memory_space<vmem_shared>> -> memref<80x48xf32, #tpu.memory_space<vmem_shared>>
      %dma_wait3A_121 = arith.constant 0 : i32
      %dma_wait3A_122 = tpu.memref_slice %arg6[%add3A_91, %dma_wait3A_121] : memref<10000x48xf32, #tpu.memory_space<vmem_shared>> -> memref<80x48xf32, #tpu.memory_space<vmem_shared>>
      tpu.wait_dma2 semaphore(%run_scoped3A_114 : memref<!tpu.dma_semaphore, #tpu.memory_space<semaphore_mem>>) src(%dma_wait3A_122 : memref<80x48xf32, #tpu.memory_space<vmem_shared>>) dst(%arg7 : memref<80x48xf32, #tpu.memory_space<vmem>>)
      tpu.yield
    }) : () -> ()
    %add3A_92 = arith.constant 160 : i32
    %add3A_93 = arith.addi %add3A_81, %add3A_92 : i32
    "tpu.region"() ({
      %run_scoped3A_114 = tpu.sem_alloc : memref<!tpu.dma_semaphore, #tpu.memory_space<semaphore_mem>>
      %dma_start3A_115 = arith.constant 0 : i32
      %dma_start3A_116 = tpu.memref_slice %arg5[%add3A_93, %dma_start3A_115] : memref<20000x48xf32, #tpu.memory_space<hbm>> -> memref<80x48xf32, #tpu.memory_space<hbm>>
      %dma_start3A_117 = arith.constant 0 : i32
      %dma_start3A_118 = tpu.memref_slice %arg5[%add3A_93, %dma_start3A_117] : memref<20000x48xf32, #tpu.memory_space<hbm>> -> memref<80x48xf32, #tpu.memory_space<hbm>>
      tpu.enqueue_dma source(%arg7 : memref<80x48xf32, #tpu.memory_space<vmem>>) target(%dma_start3A_118 : memref<80x48xf32, #tpu.memory_space<hbm>>) target_semaphore(%run_scoped3A_114 : memref<!tpu.dma_semaphore, #tpu.memory_space<semaphore_mem>>)
      %dma_wait3A_119 = arith.constant 0 : i32
      %dma_wait3A_120 = tpu.memref_slice %arg5[%add3A_93, %dma_wait3A_119] : memref<20000x48xf32, #tpu.memory_space<hbm>> -> memref<80x48xf32, #tpu.memory_space<hbm>>
      %dma_wait3A_121 = arith.constant 0 : i32
      %dma_wait3A_122 = tpu.memref_slice %arg5[%add3A_93, %dma_wait3A_121] : memref<20000x48xf32, #tpu.memory_space<hbm>> -> memref<80x48xf32, #tpu.memory_space<hbm>>
      tpu.wait_dma2 semaphore(%run_scoped3A_114 : memref<!tpu.dma_semaphore, #tpu.memory_space<semaphore_mem>>) src(%arg7 : memref<80x48xf32, #tpu.memory_space<vmem>>) dst(%dma_wait3A_122 : memref<80x48xf32, #tpu.memory_space<hbm>>)
      tpu.yield
    }) : () -> ()
    %add3A_94 = arith.constant 240 : i32
    %add3A_95 = arith.addi %mul3A_78, %add3A_94 : i32
    "tpu.region"() ({
      %run_scoped3A_114 = tpu.sem_alloc : memref<!tpu.dma_semaphore, #tpu.memory_space<semaphore_mem>>
      %dma_start3A_115 = arith.constant 0 : i32
      %dma_start3A_116 = tpu.memref_slice %arg6[%add3A_95, %dma_start3A_115] : memref<10000x48xf32, #tpu.memory_space<vmem_shared>> -> memref<80x48xf32, #tpu.memory_space<vmem_shared>>
      %dma_start3A_117 = arith.constant 0 : i32
      %dma_start3A_118 = tpu.memref_slice %arg6[%add3A_95, %dma_start3A_117] : memref<10000x48xf32, #tpu.memory_space<vmem_shared>> -> memref<80x48xf32, #tpu.memory_space<vmem_shared>>
      tpu.enqueue_dma source(%dma_start3A_118 : memref<80x48xf32, #tpu.memory_space<vmem_shared>>) target(%arg7 : memref<80x48xf32, #tpu.memory_space<vmem>>) target_semaphore(%run_scoped3A_114 : memref<!tpu.dma_semaphore, #tpu.memory_space<semaphore_mem>>)
      %dma_wait3A_119 = arith.constant 0 : i32
      %dma_wait3A_120 = tpu.memref_slice %arg6[%add3A_95, %dma_wait3A_119] : memref<10000x48xf32, #tpu.memory_space<vmem_shared>> -> memref<80x48xf32, #tpu.memory_space<vmem_shared>>
      %dma_wait3A_121 = arith.constant 0 : i32
      %dma_wait3A_122 = tpu.memref_slice %arg6[%add3A_95, %dma_wait3A_121] : memref<10000x48xf32, #tpu.memory_space<vmem_shared>> -> memref<80x48xf32, #tpu.memory_space<vmem_shared>>
      tpu.wait_dma2 semaphore(%run_scoped3A_114 : memref<!tpu.dma_semaphore, #tpu.memory_space<semaphore_mem>>) src(%dma_wait3A_122 : memref<80x48xf32, #tpu.memory_space<vmem_shared>>) dst(%arg7 : memref<80x48xf32, #tpu.memory_space<vmem>>)
      tpu.yield
    }) : () -> ()
    %add3A_96 = arith.constant 240 : i32
    %add3A_97 = arith.addi %add3A_81, %add3A_96 : i32
    "tpu.region"() ({
      %run_scoped3A_114 = tpu.sem_alloc : memref<!tpu.dma_semaphore, #tpu.memory_space<semaphore_mem>>
      %dma_start3A_115 = arith.constant 0 : i32
      %dma_start3A_116 = tpu.memref_slice %arg5[%add3A_97, %dma_start3A_115] : memref<20000x48xf32, #tpu.memory_space<hbm>> -> memref<80x48xf32, #tpu.memory_space<hbm>>
      %dma_start3A_117 = arith.constant 0 : i32
      %dma_start3A_118 = tpu.memref_slice %arg5[%add3A_97, %dma_start3A_117] : memref<20000x48xf32, #tpu.memory_space<hbm>> -> memref<80x48xf32, #tpu.memory_space<hbm>>
      tpu.enqueue_dma source(%arg7 : memref<80x48xf32, #tpu.memory_space<vmem>>) target(%dma_start3A_118 : memref<80x48xf32, #tpu.memory_space<hbm>>) target_semaphore(%run_scoped3A_114 : memref<!tpu.dma_semaphore, #tpu.memory_space<semaphore_mem>>)
      %dma_wait3A_119 = arith.constant 0 : i32
      %dma_wait3A_120 = tpu.memref_slice %arg5[%add3A_97, %dma_wait3A_119] : memref<20000x48xf32, #tpu.memory_space<hbm>> -> memref<80x48xf32, #tpu.memory_space<hbm>>
      %dma_wait3A_121 = arith.constant 0 : i32
      %dma_wait3A_122 = tpu.memref_slice %arg5[%add3A_97, %dma_wait3A_121] : memref<20000x48xf32, #tpu.memory_space<hbm>> -> memref<80x48xf32, #tpu.memory_space<hbm>>
      tpu.wait_dma2 semaphore(%run_scoped3A_114 : memref<!tpu.dma_semaphore, #tpu.memory_space<semaphore_mem>>) src(%arg7 : memref<80x48xf32, #tpu.memory_space<vmem>>) dst(%dma_wait3A_122 : memref<80x48xf32, #tpu.memory_space<hbm>>)
      tpu.yield
    }) : () -> ()
    %add3A_98 = arith.constant 320 : i32
    %add3A_99 = arith.addi %mul3A_78, %add3A_98 : i32
    "tpu.region"() ({
      %run_scoped3A_114 = tpu.sem_alloc : memref<!tpu.dma_semaphore, #tpu.memory_space<semaphore_mem>>
      %dma_start3A_115 = arith.constant 0 : i32
      %dma_start3A_116 = tpu.memref_slice %arg6[%add3A_99, %dma_start3A_115] : memref<10000x48xf32, #tpu.memory_space<vmem_shared>> -> memref<80x48xf32, #tpu.memory_space<vmem_shared>>
      %dma_start3A_117 = arith.constant 0 : i32
      %dma_start3A_118 = tpu.memref_slice %arg6[%add3A_99, %dma_start3A_117] : memref<10000x48xf32, #tpu.memory_space<vmem_shared>> -> memref<80x48xf32, #tpu.memory_space<vmem_shared>>
      tpu.enqueue_dma source(%dma_start3A_118 : memref<80x48xf32, #tpu.memory_space<vmem_shared>>) target(%arg7 : memref<80x48xf32, #tpu.memory_space<vmem>>) target_semaphore(%run_scoped3A_114 : memref<!tpu.dma_semaphore, #tpu.memory_space<semaphore_mem>>)
      %dma_wait3A_119 = arith.constant 0 : i32
      %dma_wait3A_120 = tpu.memref_slice %arg6[%add3A_99, %dma_wait3A_119] : memref<10000x48xf32, #tpu.memory_space<vmem_shared>> -> memref<80x48xf32, #tpu.memory_space<vmem_shared>>
      %dma_wait3A_121 = arith.constant 0 : i32
      %dma_wait3A_122 = tpu.memref_slice %arg6[%add3A_99, %dma_wait3A_121] : memref<10000x48xf32, #tpu.memory_space<vmem_shared>> -> memref<80x48xf32, #tpu.memory_space<vmem_shared>>
      tpu.wait_dma2 semaphore(%run_scoped3A_114 : memref<!tpu.dma_semaphore, #tpu.memory_space<semaphore_mem>>) src(%dma_wait3A_122 : memref<80x48xf32, #tpu.memory_space<vmem_shared>>) dst(%arg7 : memref<80x48xf32, #tpu.memory_space<vmem>>)
      tpu.yield
    }) : () -> ()
    %add3A_100 = arith.constant 320 : i32
    %add3A_101 = arith.addi %add3A_81, %add3A_100 : i32
    "tpu.region"() ({
      %run_scoped3A_114 = tpu.sem_alloc : memref<!tpu.dma_semaphore, #tpu.memory_space<semaphore_mem>>
      %dma_start3A_115 = arith.constant 0 : i32
      %dma_start3A_116 = tpu.memref_slice %arg5[%add3A_101, %dma_start3A_115] : memref<20000x48xf32, #tpu.memory_space<hbm>> -> memref<80x48xf32, #tpu.memory_space<hbm>>
      %dma_start3A_117 = arith.constant 0 : i32
      %dma_start3A_118 = tpu.memref_slice %arg5[%add3A_101, %dma_start3A_117] : memref<20000x48xf32, #tpu.memory_space<hbm>> -> memref<80x48xf32, #tpu.memory_space<hbm>>
      tpu.enqueue_dma source(%arg7 : memref<80x48xf32, #tpu.memory_space<vmem>>) target(%dma_start3A_118 : memref<80x48xf32, #tpu.memory_space<hbm>>) target_semaphore(%run_scoped3A_114 : memref<!tpu.dma_semaphore, #tpu.memory_space<semaphore_mem>>)
      %dma_wait3A_119 = arith.constant 0 : i32
      %dma_wait3A_120 = tpu.memref_slice %arg5[%add3A_101, %dma_wait3A_119] : memref<20000x48xf32, #tpu.memory_space<hbm>> -> memref<80x48xf32, #tpu.memory_space<hbm>>
      %dma_wait3A_121 = arith.constant 0 : i32
      %dma_wait3A_122 = tpu.memref_slice %arg5[%add3A_101, %dma_wait3A_121] : memref<20000x48xf32, #tpu.memory_space<hbm>> -> memref<80x48xf32, #tpu.memory_space<hbm>>
      tpu.wait_dma2 semaphore(%run_scoped3A_114 : memref<!tpu.dma_semaphore, #tpu.memory_space<semaphore_mem>>) src(%arg7 : memref<80x48xf32, #tpu.memory_space<vmem>>) dst(%dma_wait3A_122 : memref<80x48xf32, #tpu.memory_space<hbm>>)
      tpu.yield
    }) : () -> ()
    %add3A_102 = arith.constant 400 : i32
    %add3A_103 = arith.addi %mul3A_78, %add3A_102 : i32
    "tpu.region"() ({
      %run_scoped3A_114 = tpu.sem_alloc : memref<!tpu.dma_semaphore, #tpu.memory_space<semaphore_mem>>
      %dma_start3A_115 = arith.constant 0 : i32
      %dma_start3A_116 = tpu.memref_slice %arg6[%add3A_103, %dma_start3A_115] : memref<10000x48xf32, #tpu.memory_space<vmem_shared>> -> memref<80x48xf32, #tpu.memory_space<vmem_shared>>
      %dma_start3A_117 = arith.constant 0 : i32
      %dma_start3A_118 = tpu.memref_slice %arg6[%add3A_103, %dma_start3A_117] : memref<10000x48xf32, #tpu.memory_space<vmem_shared>> -> memref<80x48xf32, #tpu.memory_space<vmem_shared>>
      tpu.enqueue_dma source(%dma_start3A_118 : memref<80x48xf32, #tpu.memory_space<vmem_shared>>) target(%arg7 : memref<80x48xf32, #tpu.memory_space<vmem>>) target_semaphore(%run_scoped3A_114 : memref<!tpu.dma_semaphore, #tpu.memory_space<semaphore_mem>>)
      %dma_wait3A_119 = arith.constant 0 : i32
      %dma_wait3A_120 = tpu.memref_slice %arg6[%add3A_103, %dma_wait3A_119] : memref<10000x48xf32, #tpu.memory_space<vmem_shared>> -> memref<80x48xf32, #tpu.memory_space<vmem_shared>>
      %dma_wait3A_121 = arith.constant 0 : i32
      %dma_wait3A_122 = tpu.memref_slice %arg6[%add3A_103, %dma_wait3A_121] : memref<10000x48xf32, #tpu.memory_space<vmem_shared>> -> memref<80x48xf32, #tpu.memory_space<vmem_shared>>
      tpu.wait_dma2 semaphore(%run_scoped3A_114 : memref<!tpu.dma_semaphore, #tpu.memory_space<semaphore_mem>>) src(%dma_wait3A_122 : memref<80x48xf32, #tpu.memory_space<vmem_shared>>) dst(%arg7 : memref<80x48xf32, #tpu.memory_space<vmem>>)
      tpu.yield
    }) : () -> ()
    %add3A_104 = arith.constant 400 : i32
    %add3A_105 = arith.addi %add3A_81, %add3A_104 : i32
    "tpu.region"() ({
      %run_scoped3A_114 = tpu.sem_alloc : memref<!tpu.dma_semaphore, #tpu.memory_space<semaphore_mem>>
      %dma_start3A_115 = arith.constant 0 : i32
      %dma_start3A_116 = tpu.memref_slice %arg5[%add3A_105, %dma_start3A_115] : memref<20000x48xf32, #tpu.memory_space<hbm>> -> memref<80x48xf32, #tpu.memory_space<hbm>>
      %dma_start3A_117 = arith.constant 0 : i32
      %dma_start3A_118 = tpu.memref_slice %arg5[%add3A_105, %dma_start3A_117] : memref<20000x48xf32, #tpu.memory_space<hbm>> -> memref<80x48xf32, #tpu.memory_space<hbm>>
      tpu.enqueue_dma source(%arg7 : memref<80x48xf32, #tpu.memory_space<vmem>>) target(%dma_start3A_118 : memref<80x48xf32, #tpu.memory_space<hbm>>) target_semaphore(%run_scoped3A_114 : memref<!tpu.dma_semaphore, #tpu.memory_space<semaphore_mem>>)
      %dma_wait3A_119 = arith.constant 0 : i32
      %dma_wait3A_120 = tpu.memref_slice %arg5[%add3A_105, %dma_wait3A_119] : memref<20000x48xf32, #tpu.memory_space<hbm>> -> memref<80x48xf32, #tpu.memory_space<hbm>>
      %dma_wait3A_121 = arith.constant 0 : i32
      %dma_wait3A_122 = tpu.memref_slice %arg5[%add3A_105, %dma_wait3A_121] : memref<20000x48xf32, #tpu.memory_space<hbm>> -> memref<80x48xf32, #tpu.memory_space<hbm>>
      tpu.wait_dma2 semaphore(%run_scoped3A_114 : memref<!tpu.dma_semaphore, #tpu.memory_space<semaphore_mem>>) src(%arg7 : memref<80x48xf32, #tpu.memory_space<vmem>>) dst(%dma_wait3A_122 : memref<80x48xf32, #tpu.memory_space<hbm>>)
      tpu.yield
    }) : () -> ()
    %add3A_106 = arith.constant 480 : i32
    %add3A_107 = arith.addi %mul3A_78, %add3A_106 : i32
    "tpu.region"() ({
      %run_scoped3A_114 = tpu.sem_alloc : memref<!tpu.dma_semaphore, #tpu.memory_space<semaphore_mem>>
      %dma_start3A_115 = arith.constant 0 : i32
      %dma_start3A_116 = tpu.memref_slice %arg6[%add3A_107, %dma_start3A_115] : memref<10000x48xf32, #tpu.memory_space<vmem_shared>> -> memref<80x48xf32, #tpu.memory_space<vmem_shared>>
      %dma_start3A_117 = arith.constant 0 : i32
      %dma_start3A_118 = tpu.memref_slice %arg6[%add3A_107, %dma_start3A_117] : memref<10000x48xf32, #tpu.memory_space<vmem_shared>> -> memref<80x48xf32, #tpu.memory_space<vmem_shared>>
      tpu.enqueue_dma source(%dma_start3A_118 : memref<80x48xf32, #tpu.memory_space<vmem_shared>>) target(%arg7 : memref<80x48xf32, #tpu.memory_space<vmem>>) target_semaphore(%run_scoped3A_114 : memref<!tpu.dma_semaphore, #tpu.memory_space<semaphore_mem>>)
      %dma_wait3A_119 = arith.constant 0 : i32
      %dma_wait3A_120 = tpu.memref_slice %arg6[%add3A_107, %dma_wait3A_119] : memref<10000x48xf32, #tpu.memory_space<vmem_shared>> -> memref<80x48xf32, #tpu.memory_space<vmem_shared>>
      %dma_wait3A_121 = arith.constant 0 : i32
      %dma_wait3A_122 = tpu.memref_slice %arg6[%add3A_107, %dma_wait3A_121] : memref<10000x48xf32, #tpu.memory_space<vmem_shared>> -> memref<80x48xf32, #tpu.memory_space<vmem_shared>>
      tpu.wait_dma2 semaphore(%run_scoped3A_114 : memref<!tpu.dma_semaphore, #tpu.memory_space<semaphore_mem>>) src(%dma_wait3A_122 : memref<80x48xf32, #tpu.memory_space<vmem_shared>>) dst(%arg7 : memref<80x48xf32, #tpu.memory_space<vmem>>)
      tpu.yield
    }) : () -> ()
    %add3A_108 = arith.constant 480 : i32
    %add3A_109 = arith.addi %add3A_81, %add3A_108 : i32
    "tpu.region"() ({
      %run_scoped3A_114 = tpu.sem_alloc : memref<!tpu.dma_semaphore, #tpu.memory_space<semaphore_mem>>
      %dma_start3A_115 = arith.constant 0 : i32
      %dma_start3A_116 = tpu.memref_slice %arg5[%add3A_109, %dma_start3A_115] : memref<20000x48xf32, #tpu.memory_space<hbm>> -> memref<80x48xf32, #tpu.memory_space<hbm>>
      %dma_start3A_117 = arith.constant 0 : i32
      %dma_start3A_118 = tpu.memref_slice %arg5[%add3A_109, %dma_start3A_117] : memref<20000x48xf32, #tpu.memory_space<hbm>> -> memref<80x48xf32, #tpu.memory_space<hbm>>
      tpu.enqueue_dma source(%arg7 : memref<80x48xf32, #tpu.memory_space<vmem>>) target(%dma_start3A_118 : memref<80x48xf32, #tpu.memory_space<hbm>>) target_semaphore(%run_scoped3A_114 : memref<!tpu.dma_semaphore, #tpu.memory_space<semaphore_mem>>)
      %dma_wait3A_119 = arith.constant 0 : i32
      %dma_wait3A_120 = tpu.memref_slice %arg5[%add3A_109, %dma_wait3A_119] : memref<20000x48xf32, #tpu.memory_space<hbm>> -> memref<80x48xf32, #tpu.memory_space<hbm>>
      %dma_wait3A_121 = arith.constant 0 : i32
      %dma_wait3A_122 = tpu.memref_slice %arg5[%add3A_109, %dma_wait3A_121] : memref<20000x48xf32, #tpu.memory_space<hbm>> -> memref<80x48xf32, #tpu.memory_space<hbm>>
      tpu.wait_dma2 semaphore(%run_scoped3A_114 : memref<!tpu.dma_semaphore, #tpu.memory_space<semaphore_mem>>) src(%arg7 : memref<80x48xf32, #tpu.memory_space<vmem>>) dst(%dma_wait3A_122 : memref<80x48xf32, #tpu.memory_space<hbm>>)
      tpu.yield
    }) : () -> ()
    %add3A_110 = arith.constant 560 : i32
    %add3A_111 = arith.addi %mul3A_78, %add3A_110 : i32
    "tpu.region"() ({
      %run_scoped3A_114 = tpu.sem_alloc : memref<!tpu.dma_semaphore, #tpu.memory_space<semaphore_mem>>
      %dma_start3A_115 = arith.constant 0 : i32
      %dma_start3A_116 = arith.constant 0 : i32
      %dma_start3A_117 = tpu.memref_slice %arg8[%dma_start3A_115, %dma_start3A_116] : memref<80x48xf32, #tpu.memory_space<vmem>> -> memref<65x48xf32, #tpu.memory_space<vmem>>
      %dma_start3A_118 = arith.constant 0 : i32
      %dma_start3A_119 = tpu.memref_slice %arg6[%add3A_111, %dma_start3A_118] : memref<10000x48xf32, #tpu.memory_space<vmem_shared>> -> memref<65x48xf32, #tpu.memory_space<vmem_shared>>
      %dma_start3A_120 = arith.constant 0 : i32
      %dma_start3A_121 = arith.constant 0 : i32
      %dma_start3A_122 = tpu.memref_slice %arg8[%dma_start3A_120, %dma_start3A_121] : memref<80x48xf32, #tpu.memory_space<vmem>> -> memref<65x48xf32, #tpu.memory_space<vmem>>
      %dma_start3A_123 = arith.constant 0 : i32
      %dma_start3A_124 = tpu.memref_slice %arg6[%add3A_111, %dma_start3A_123] : memref<10000x48xf32, #tpu.memory_space<vmem_shared>> -> memref<65x48xf32, #tpu.memory_space<vmem_shared>>
      tpu.enqueue_dma source(%dma_start3A_124 : memref<65x48xf32, #tpu.memory_space<vmem_shared>>) target(%dma_start3A_122 : memref<65x48xf32, #tpu.memory_space<vmem>>) target_semaphore(%run_scoped3A_114 : memref<!tpu.dma_semaphore, #tpu.memory_space<semaphore_mem>>)
      %dma_wait3A_125 = arith.constant 0 : i32
      %dma_wait3A_126 = arith.constant 0 : i32
      %dma_wait3A_127 = tpu.memref_slice %arg8[%dma_wait3A_125, %dma_wait3A_126] : memref<80x48xf32, #tpu.memory_space<vmem>> -> memref<65x48xf32, #tpu.memory_space<vmem>>
      %dma_wait3A_128 = arith.constant 0 : i32
      %dma_wait3A_129 = tpu.memref_slice %arg6[%add3A_111, %dma_wait3A_128] : memref<10000x48xf32, #tpu.memory_space<vmem_shared>> -> memref<65x48xf32, #tpu.memory_space<vmem_shared>>
      %dma_wait3A_130 = arith.constant 0 : i32
      %dma_wait3A_131 = arith.constant 0 : i32
      %dma_wait3A_132 = tpu.memref_slice %arg8[%dma_wait3A_130, %dma_wait3A_131] : memref<80x48xf32, #tpu.memory_space<vmem>> -> memref<65x48xf32, #tpu.memory_space<vmem>>
      %dma_wait3A_133 = arith.constant 0 : i32
      %dma_wait3A_134 = tpu.memref_slice %arg6[%add3A_111, %dma_wait3A_133] : memref<10000x48xf32, #tpu.memory_space<vmem_shared>> -> memref<65x48xf32, #tpu.memory_space<vmem_shared>>
      tpu.wait_dma2 semaphore(%run_scoped3A_114 : memref<!tpu.dma_semaphore, #tpu.memory_space<semaphore_mem>>) src(%dma_wait3A_134 : memref<65x48xf32, #tpu.memory_space<vmem_shared>>) dst(%dma_wait3A_132 : memref<65x48xf32, #tpu.memory_space<vmem>>)
      tpu.yield
    }) : () -> ()
    %add3A_112 = arith.constant 560 : i32
    %add3A_113 = arith.addi %add3A_81, %add3A_112 : i32
    "tpu.region"() ({
      %run_scoped3A_114 = tpu.sem_alloc : memref<!tpu.dma_semaphore, #tpu.memory_space<semaphore_mem>>
      %dma_start3A_115 = arith.constant 0 : i32
      %dma_start3A_116 = arith.constant 0 : i32
      %dma_start3A_117 = tpu.memref_slice %arg8[%dma_start3A_115, %dma_start3A_116] : memref<80x48xf32, #tpu.memory_space<vmem>> -> memref<65x48xf32, #tpu.memory_space<vmem>>
      %dma_start3A_118 = arith.constant 0 : i32
      %dma_start3A_119 = tpu.memref_slice %arg5[%add3A_113, %dma_start3A_118] : memref<20000x48xf32, #tpu.memory_space<hbm>> -> memref<65x48xf32, #tpu.memory_space<hbm>>
      %dma_start3A_120 = arith.constant 0 : i32
      %dma_start3A_121 = tpu.memref_slice %arg5[%add3A_113, %dma_start3A_120] : memref<20000x48xf32, #tpu.memory_space<hbm>> -> memref<65x48xf32, #tpu.memory_space<hbm>>
      %dma_start3A_122 = arith.constant 0 : i32
      %dma_start3A_123 = arith.constant 0 : i32
      %dma_start3A_124 = tpu.memref_slice %arg8[%dma_start3A_122, %dma_start3A_123] : memref<80x48xf32, #tpu.memory_space<vmem>> -> memref<65x48xf32, #tpu.memory_space<vmem>>
      tpu.enqueue_dma source(%dma_start3A_124 : memref<65x48xf32, #tpu.memory_space<vmem>>) target(%dma_start3A_121 : memref<65x48xf32, #tpu.memory_space<hbm>>) target_semaphore(%run_scoped3A_114 : memref<!tpu.dma_semaphore, #tpu.memory_space<semaphore_mem>>)
      %dma_wait3A_125 = arith.constant 0 : i32
      %dma_wait3A_126 = arith.constant 0 : i32
      %dma_wait3A_127 = tpu.memref_slice %arg8[%dma_wait3A_125, %dma_wait3A_126] : memref<80x48xf32, #tpu.memory_space<vmem>> -> memref<65x48xf32, #tpu.memory_space<vmem>>
      %dma_wait3A_128 = arith.constant 0 : i32
      %dma_wait3A_129 = tpu.memref_slice %arg5[%add3A_113, %dma_wait3A_128] : memref<20000x48xf32, #tpu.memory_space<hbm>> -> memref<65x48xf32, #tpu.memory_space<hbm>>
      %dma_wait3A_130 = arith.constant 0 : i32
      %dma_wait3A_131 = tpu.memref_slice %arg5[%add3A_113, %dma_wait3A_130] : memref<20000x48xf32, #tpu.memory_space<hbm>> -> memref<65x48xf32, #tpu.memory_space<hbm>>
      %dma_wait3A_132 = arith.constant 0 : i32
      %dma_wait3A_133 = arith.constant 0 : i32
      %dma_wait3A_134 = tpu.memref_slice %arg8[%dma_wait3A_132, %dma_wait3A_133] : memref<80x48xf32, #tpu.memory_space<vmem>> -> memref<65x48xf32, #tpu.memory_space<vmem>>
      tpu.wait_dma2 semaphore(%run_scoped3A_114 : memref<!tpu.dma_semaphore, #tpu.memory_space<semaphore_mem>>) src(%dma_wait3A_134 : memref<65x48xf32, #tpu.memory_space<vmem>>) dst(%dma_wait3A_131 : memref<65x48xf32, #tpu.memory_space<hbm>>)
      tpu.yield
    }) : () -> ()
    return
  }
}

#map = affine_map<(d0, d1) -> (0, 0)>
#map1 = affine_map<(d0, d1) -> (0, 0, 0, 0)>
module attributes {stable_mosaic.version = 14 : i64} {
  func.func @agg(%arg0: i32, %arg1: i32, %arg2: memref<10000x144xf32, #tpu.memory_space<hbm>>, %arg3: memref<2x32x125x80xi32, #tpu.memory_space<hbm>>, %arg4: memref<80x144xf32, #tpu.memory_space<hbm>>, %arg5: memref<20000x144xf32, #tpu.memory_space<hbm>>, %arg6: memref<10000x144xf32, #tpu.memory_space<vmem_shared>>, %arg7: memref<80x144xf32, #tpu.memory_space<vmem>>, %arg8: memref<80x144xf32, #tpu.memory_space<vmem>>, %arg9: memref<63x80xi32, #tpu.memory_space<vmem>>, %arg10: memref<!tpu.dma_semaphore, #tpu.memory_space<semaphore_mem>>, %arg11: memref<!tpu.dma_semaphore, #tpu.memory_space<semaphore_mem>>, %arg12: memref<63x80xi32, #tpu.memory_space<vmem>>) attributes {dimension_semantics = [#tpu.dimension_semantics<core_parallel>, #tpu.dimension_semantics<subcore_parallel>], iteration_bounds = array<i64: 2, 16>, scalar_prefetch = 0 : i64, scratch_operands = 7 : i64, tpu.core_type = #tpu.core_type<sc_vector_subcore>, window_params = [{transform_indices = #map}, {transform_indices = #map1}, {transform_indices = #map}, {transform_indices = #map}]} {
    %mul3A = arith.constant 16 : i32
    %mul3A_0 = arith.muli %arg0, %mul3A : i32
    %add3A = arith.addi %mul3A_0, %arg1 : i32
    %run_scoped3A = arith.constant 0 : i32
    "tpu.region"() ({
      %run_scoped3A_114 = tpu.sem_alloc : memref<!tpu.dma_semaphore, #tpu.memory_space<semaphore_mem>>
      %dma_start3A_115 = arith.constant 0 : i32
      %dma_start3A_116 = arith.constant 0 : i32
      %dma_start3A_117 = tpu.memref_slice %arg12[%dma_start3A_115, %dma_start3A_116] : memref<63x80xi32, #tpu.memory_space<vmem>> -> memref<63x80xi32, #tpu.memory_space<vmem>>
      %dma_start3A_118 = arith.constant 0 : i32
      %dma_start3A_119 = arith.constant 0 : i32
      %dma_start3A_120 = tpu.memref_slice %arg3[%run_scoped3A, %add3A, %dma_start3A_118, %dma_start3A_119] : memref<2x32x125x80xi32, #tpu.memory_space<hbm>> -> memref<1x1x63x80xi32, #tpu.memory_space<hbm>>
      %dma_start3A_121 = tpu.memref_squeeze %dma_start3A_120 : memref<1x1x63x80xi32, #tpu.memory_space<hbm>> -> memref<63x80xi32, #tpu.memory_space<hbm>>
      %dma_start3A_122 = arith.constant 0 : i32
      %dma_start3A_123 = arith.constant 0 : i32
      %dma_start3A_124 = tpu.memref_slice %arg12[%dma_start3A_122, %dma_start3A_123] : memref<63x80xi32, #tpu.memory_space<vmem>> -> memref<63x80xi32, #tpu.memory_space<vmem>>
      %dma_start3A_125 = arith.constant 0 : i32
      %dma_start3A_126 = arith.constant 0 : i32
      %dma_start3A_127 = tpu.memref_slice %arg3[%run_scoped3A, %add3A, %dma_start3A_125, %dma_start3A_126] : memref<2x32x125x80xi32, #tpu.memory_space<hbm>> -> memref<1x1x63x80xi32, #tpu.memory_space<hbm>>
      %dma_start3A_128 = tpu.memref_squeeze %dma_start3A_127 : memref<1x1x63x80xi32, #tpu.memory_space<hbm>> -> memref<63x80xi32, #tpu.memory_space<hbm>>
      tpu.enqueue_dma source(%dma_start3A_128 : memref<63x80xi32, #tpu.memory_space<hbm>>) target(%dma_start3A_124 : memref<63x80xi32, #tpu.memory_space<vmem>>) target_semaphore(%run_scoped3A_114 : memref<!tpu.dma_semaphore, #tpu.memory_space<semaphore_mem>>)
      %dma_wait3A_129 = arith.constant 0 : i32
      %dma_wait3A_130 = arith.constant 0 : i32
      %dma_wait3A_131 = tpu.memref_slice %arg12[%dma_wait3A_129, %dma_wait3A_130] : memref<63x80xi32, #tpu.memory_space<vmem>> -> memref<63x80xi32, #tpu.memory_space<vmem>>
      %dma_wait3A_132 = arith.constant 0 : i32
      %dma_wait3A_133 = arith.constant 0 : i32
      %dma_wait3A_134 = tpu.memref_slice %arg3[%run_scoped3A, %add3A, %dma_wait3A_132, %dma_wait3A_133] : memref<2x32x125x80xi32, #tpu.memory_space<hbm>> -> memref<1x1x63x80xi32, #tpu.memory_space<hbm>>
      %dma_wait3A_135 = tpu.memref_squeeze %dma_wait3A_134 : memref<1x1x63x80xi32, #tpu.memory_space<hbm>> -> memref<63x80xi32, #tpu.memory_space<hbm>>
      %dma_wait3A_136 = arith.constant 0 : i32
      %dma_wait3A_137 = arith.constant 0 : i32
      %dma_wait3A_138 = tpu.memref_slice %arg12[%dma_wait3A_136, %dma_wait3A_137] : memref<63x80xi32, #tpu.memory_space<vmem>> -> memref<63x80xi32, #tpu.memory_space<vmem>>
      %dma_wait3A_139 = arith.constant 0 : i32
      %dma_wait3A_140 = arith.constant 0 : i32
      %dma_wait3A_141 = tpu.memref_slice %arg3[%run_scoped3A, %add3A, %dma_wait3A_139, %dma_wait3A_140] : memref<2x32x125x80xi32, #tpu.memory_space<hbm>> -> memref<1x1x63x80xi32, #tpu.memory_space<hbm>>
      %dma_wait3A_142 = tpu.memref_squeeze %dma_wait3A_141 : memref<1x1x63x80xi32, #tpu.memory_space<hbm>> -> memref<63x80xi32, #tpu.memory_space<hbm>>
      tpu.wait_dma2 semaphore(%run_scoped3A_114 : memref<!tpu.dma_semaphore, #tpu.memory_space<semaphore_mem>>) src(%dma_wait3A_142 : memref<63x80xi32, #tpu.memory_space<hbm>>) dst(%dma_wait3A_138 : memref<63x80xi32, #tpu.memory_space<vmem>>)
      tpu.yield
    }) : () -> ()
    %run_scoped3A_1 = arith.constant 1 : i32
    "tpu.region"() ({
      %run_scoped3A_114 = tpu.sem_alloc : memref<!tpu.dma_semaphore, #tpu.memory_space<semaphore_mem>>
      %dma_start3A_115 = arith.constant 0 : i32
      %dma_start3A_116 = arith.constant 0 : i32
      %dma_start3A_117 = tpu.memref_slice %arg9[%dma_start3A_115, %dma_start3A_116] : memref<63x80xi32, #tpu.memory_space<vmem>> -> memref<63x80xi32, #tpu.memory_space<vmem>>
      %dma_start3A_118 = arith.constant 0 : i32
      %dma_start3A_119 = arith.constant 0 : i32
      %dma_start3A_120 = tpu.memref_slice %arg3[%run_scoped3A_1, %add3A, %dma_start3A_118, %dma_start3A_119] : memref<2x32x125x80xi32, #tpu.memory_space<hbm>> -> memref<1x1x63x80xi32, #tpu.memory_space<hbm>>
      %dma_start3A_121 = tpu.memref_squeeze %dma_start3A_120 : memref<1x1x63x80xi32, #tpu.memory_space<hbm>> -> memref<63x80xi32, #tpu.memory_space<hbm>>
      %dma_start3A_122 = arith.constant 0 : i32
      %dma_start3A_123 = arith.constant 0 : i32
      %dma_start3A_124 = tpu.memref_slice %arg9[%dma_start3A_122, %dma_start3A_123] : memref<63x80xi32, #tpu.memory_space<vmem>> -> memref<63x80xi32, #tpu.memory_space<vmem>>
      %dma_start3A_125 = arith.constant 0 : i32
      %dma_start3A_126 = arith.constant 0 : i32
      %dma_start3A_127 = tpu.memref_slice %arg3[%run_scoped3A_1, %add3A, %dma_start3A_125, %dma_start3A_126] : memref<2x32x125x80xi32, #tpu.memory_space<hbm>> -> memref<1x1x63x80xi32, #tpu.memory_space<hbm>>
      %dma_start3A_128 = tpu.memref_squeeze %dma_start3A_127 : memref<1x1x63x80xi32, #tpu.memory_space<hbm>> -> memref<63x80xi32, #tpu.memory_space<hbm>>
      tpu.enqueue_dma source(%dma_start3A_128 : memref<63x80xi32, #tpu.memory_space<hbm>>) target(%dma_start3A_124 : memref<63x80xi32, #tpu.memory_space<vmem>>) target_semaphore(%run_scoped3A_114 : memref<!tpu.dma_semaphore, #tpu.memory_space<semaphore_mem>>)
      %dma_wait3A_129 = arith.constant 0 : i32
      %dma_wait3A_130 = arith.constant 0 : i32
      %dma_wait3A_131 = tpu.memref_slice %arg9[%dma_wait3A_129, %dma_wait3A_130] : memref<63x80xi32, #tpu.memory_space<vmem>> -> memref<63x80xi32, #tpu.memory_space<vmem>>
      %dma_wait3A_132 = arith.constant 0 : i32
      %dma_wait3A_133 = arith.constant 0 : i32
      %dma_wait3A_134 = tpu.memref_slice %arg3[%run_scoped3A_1, %add3A, %dma_wait3A_132, %dma_wait3A_133] : memref<2x32x125x80xi32, #tpu.memory_space<hbm>> -> memref<1x1x63x80xi32, #tpu.memory_space<hbm>>
      %dma_wait3A_135 = tpu.memref_squeeze %dma_wait3A_134 : memref<1x1x63x80xi32, #tpu.memory_space<hbm>> -> memref<63x80xi32, #tpu.memory_space<hbm>>
      %dma_wait3A_136 = arith.constant 0 : i32
      %dma_wait3A_137 = arith.constant 0 : i32
      %dma_wait3A_138 = tpu.memref_slice %arg9[%dma_wait3A_136, %dma_wait3A_137] : memref<63x80xi32, #tpu.memory_space<vmem>> -> memref<63x80xi32, #tpu.memory_space<vmem>>
      %dma_wait3A_139 = arith.constant 0 : i32
      %dma_wait3A_140 = arith.constant 0 : i32
      %dma_wait3A_141 = tpu.memref_slice %arg3[%run_scoped3A_1, %add3A, %dma_wait3A_139, %dma_wait3A_140] : memref<2x32x125x80xi32, #tpu.memory_space<hbm>> -> memref<1x1x63x80xi32, #tpu.memory_space<hbm>>
      %dma_wait3A_142 = tpu.memref_squeeze %dma_wait3A_141 : memref<1x1x63x80xi32, #tpu.memory_space<hbm>> -> memref<63x80xi32, #tpu.memory_space<hbm>>
      tpu.wait_dma2 semaphore(%run_scoped3A_114 : memref<!tpu.dma_semaphore, #tpu.memory_space<semaphore_mem>>) src(%dma_wait3A_142 : memref<63x80xi32, #tpu.memory_space<hbm>>) dst(%dma_wait3A_138 : memref<63x80xi32, #tpu.memory_space<vmem>>)
      tpu.yield
    }) : () -> ()
    "tpu.region"() ({
      %run_scoped3A_114 = tpu.sem_alloc : memref<!tpu.dma_semaphore, #tpu.memory_space<semaphore_mem>>
      tpu.enqueue_dma source(%arg4 : memref<80x144xf32, #tpu.memory_space<hbm>>) target(%arg8 : memref<80x144xf32, #tpu.memory_space<vmem>>) target_semaphore(%run_scoped3A_114 : memref<!tpu.dma_semaphore, #tpu.memory_space<semaphore_mem>>)
      tpu.wait_dma2 semaphore(%run_scoped3A_114 : memref<!tpu.dma_semaphore, #tpu.memory_space<semaphore_mem>>) src(%arg4 : memref<80x144xf32, #tpu.memory_space<hbm>>) dst(%arg8 : memref<80x144xf32, #tpu.memory_space<vmem>>)
      tpu.yield
    }) : () -> ()
    %mul3A_2 = arith.constant 625 : i32
    %mul3A_3 = arith.muli %arg1, %mul3A_2 : i32
    %add3A_4 = arith.constant 0 : i32
    %add3A_5 = arith.addi %mul3A_3, %add3A_4 : i32
    "tpu.region"() ({
      %run_scoped3A_114 = tpu.sem_alloc : memref<!tpu.dma_semaphore, #tpu.memory_space<semaphore_mem>>
      %dma_start3A_115 = arith.constant 0 : i32
      %dma_start3A_116 = tpu.memref_slice %arg6[%add3A_5, %dma_start3A_115] : memref<10000x144xf32, #tpu.memory_space<vmem_shared>> -> memref<80x144xf32, #tpu.memory_space<vmem_shared>>
      %dma_start3A_117 = arith.constant 0 : i32
      %dma_start3A_118 = tpu.memref_slice %arg6[%add3A_5, %dma_start3A_117] : memref<10000x144xf32, #tpu.memory_space<vmem_shared>> -> memref<80x144xf32, #tpu.memory_space<vmem_shared>>
      tpu.enqueue_dma source(%arg8 : memref<80x144xf32, #tpu.memory_space<vmem>>) target(%dma_start3A_118 : memref<80x144xf32, #tpu.memory_space<vmem_shared>>) target_semaphore(%run_scoped3A_114 : memref<!tpu.dma_semaphore, #tpu.memory_space<semaphore_mem>>)
      %dma_wait3A_119 = arith.constant 0 : i32
      %dma_wait3A_120 = tpu.memref_slice %arg6[%add3A_5, %dma_wait3A_119] : memref<10000x144xf32, #tpu.memory_space<vmem_shared>> -> memref<80x144xf32, #tpu.memory_space<vmem_shared>>
      %dma_wait3A_121 = arith.constant 0 : i32
      %dma_wait3A_122 = tpu.memref_slice %arg6[%add3A_5, %dma_wait3A_121] : memref<10000x144xf32, #tpu.memory_space<vmem_shared>> -> memref<80x144xf32, #tpu.memory_space<vmem_shared>>
      tpu.wait_dma2 semaphore(%run_scoped3A_114 : memref<!tpu.dma_semaphore, #tpu.memory_space<semaphore_mem>>) src(%arg8 : memref<80x144xf32, #tpu.memory_space<vmem>>) dst(%dma_wait3A_122 : memref<80x144xf32, #tpu.memory_space<vmem_shared>>)
      tpu.yield
    }) : () -> ()
    %add3A_6 = arith.constant 80 : i32
    %add3A_7 = arith.addi %mul3A_3, %add3A_6 : i32
    "tpu.region"() ({
      %run_scoped3A_114 = tpu.sem_alloc : memref<!tpu.dma_semaphore, #tpu.memory_space<semaphore_mem>>
      %dma_start3A_115 = arith.constant 0 : i32
      %dma_start3A_116 = tpu.memref_slice %arg6[%add3A_7, %dma_start3A_115] : memref<10000x144xf32, #tpu.memory_space<vmem_shared>> -> memref<80x144xf32, #tpu.memory_space<vmem_shared>>
      %dma_start3A_117 = arith.constant 0 : i32
      %dma_start3A_118 = tpu.memref_slice %arg6[%add3A_7, %dma_start3A_117] : memref<10000x144xf32, #tpu.memory_space<vmem_shared>> -> memref<80x144xf32, #tpu.memory_space<vmem_shared>>
      tpu.enqueue_dma source(%arg8 : memref<80x144xf32, #tpu.memory_space<vmem>>) target(%dma_start3A_118 : memref<80x144xf32, #tpu.memory_space<vmem_shared>>) target_semaphore(%run_scoped3A_114 : memref<!tpu.dma_semaphore, #tpu.memory_space<semaphore_mem>>)
      %dma_wait3A_119 = arith.constant 0 : i32
      %dma_wait3A_120 = tpu.memref_slice %arg6[%add3A_7, %dma_wait3A_119] : memref<10000x144xf32, #tpu.memory_space<vmem_shared>> -> memref<80x144xf32, #tpu.memory_space<vmem_shared>>
      %dma_wait3A_121 = arith.constant 0 : i32
      %dma_wait3A_122 = tpu.memref_slice %arg6[%add3A_7, %dma_wait3A_121] : memref<10000x144xf32, #tpu.memory_space<vmem_shared>> -> memref<80x144xf32, #tpu.memory_space<vmem_shared>>
      tpu.wait_dma2 semaphore(%run_scoped3A_114 : memref<!tpu.dma_semaphore, #tpu.memory_space<semaphore_mem>>) src(%arg8 : memref<80x144xf32, #tpu.memory_space<vmem>>) dst(%dma_wait3A_122 : memref<80x144xf32, #tpu.memory_space<vmem_shared>>)
      tpu.yield
    }) : () -> ()
    %add3A_8 = arith.constant 160 : i32
    %add3A_9 = arith.addi %mul3A_3, %add3A_8 : i32
    "tpu.region"() ({
      %run_scoped3A_114 = tpu.sem_alloc : memref<!tpu.dma_semaphore, #tpu.memory_space<semaphore_mem>>
      %dma_start3A_115 = arith.constant 0 : i32
      %dma_start3A_116 = tpu.memref_slice %arg6[%add3A_9, %dma_start3A_115] : memref<10000x144xf32, #tpu.memory_space<vmem_shared>> -> memref<80x144xf32, #tpu.memory_space<vmem_shared>>
      %dma_start3A_117 = arith.constant 0 : i32
      %dma_start3A_118 = tpu.memref_slice %arg6[%add3A_9, %dma_start3A_117] : memref<10000x144xf32, #tpu.memory_space<vmem_shared>> -> memref<80x144xf32, #tpu.memory_space<vmem_shared>>
      tpu.enqueue_dma source(%arg8 : memref<80x144xf32, #tpu.memory_space<vmem>>) target(%dma_start3A_118 : memref<80x144xf32, #tpu.memory_space<vmem_shared>>) target_semaphore(%run_scoped3A_114 : memref<!tpu.dma_semaphore, #tpu.memory_space<semaphore_mem>>)
      %dma_wait3A_119 = arith.constant 0 : i32
      %dma_wait3A_120 = tpu.memref_slice %arg6[%add3A_9, %dma_wait3A_119] : memref<10000x144xf32, #tpu.memory_space<vmem_shared>> -> memref<80x144xf32, #tpu.memory_space<vmem_shared>>
      %dma_wait3A_121 = arith.constant 0 : i32
      %dma_wait3A_122 = tpu.memref_slice %arg6[%add3A_9, %dma_wait3A_121] : memref<10000x144xf32, #tpu.memory_space<vmem_shared>> -> memref<80x144xf32, #tpu.memory_space<vmem_shared>>
      tpu.wait_dma2 semaphore(%run_scoped3A_114 : memref<!tpu.dma_semaphore, #tpu.memory_space<semaphore_mem>>) src(%arg8 : memref<80x144xf32, #tpu.memory_space<vmem>>) dst(%dma_wait3A_122 : memref<80x144xf32, #tpu.memory_space<vmem_shared>>)
      tpu.yield
    }) : () -> ()
    %add3A_10 = arith.constant 240 : i32
    %add3A_11 = arith.addi %mul3A_3, %add3A_10 : i32
    "tpu.region"() ({
      %run_scoped3A_114 = tpu.sem_alloc : memref<!tpu.dma_semaphore, #tpu.memory_space<semaphore_mem>>
      %dma_start3A_115 = arith.constant 0 : i32
      %dma_start3A_116 = tpu.memref_slice %arg6[%add3A_11, %dma_start3A_115] : memref<10000x144xf32, #tpu.memory_space<vmem_shared>> -> memref<80x144xf32, #tpu.memory_space<vmem_shared>>
      %dma_start3A_117 = arith.constant 0 : i32
      %dma_start3A_118 = tpu.memref_slice %arg6[%add3A_11, %dma_start3A_117] : memref<10000x144xf32, #tpu.memory_space<vmem_shared>> -> memref<80x144xf32, #tpu.memory_space<vmem_shared>>
      tpu.enqueue_dma source(%arg8 : memref<80x144xf32, #tpu.memory_space<vmem>>) target(%dma_start3A_118 : memref<80x144xf32, #tpu.memory_space<vmem_shared>>) target_semaphore(%run_scoped3A_114 : memref<!tpu.dma_semaphore, #tpu.memory_space<semaphore_mem>>)
      %dma_wait3A_119 = arith.constant 0 : i32
      %dma_wait3A_120 = tpu.memref_slice %arg6[%add3A_11, %dma_wait3A_119] : memref<10000x144xf32, #tpu.memory_space<vmem_shared>> -> memref<80x144xf32, #tpu.memory_space<vmem_shared>>
      %dma_wait3A_121 = arith.constant 0 : i32
      %dma_wait3A_122 = tpu.memref_slice %arg6[%add3A_11, %dma_wait3A_121] : memref<10000x144xf32, #tpu.memory_space<vmem_shared>> -> memref<80x144xf32, #tpu.memory_space<vmem_shared>>
      tpu.wait_dma2 semaphore(%run_scoped3A_114 : memref<!tpu.dma_semaphore, #tpu.memory_space<semaphore_mem>>) src(%arg8 : memref<80x144xf32, #tpu.memory_space<vmem>>) dst(%dma_wait3A_122 : memref<80x144xf32, #tpu.memory_space<vmem_shared>>)
      tpu.yield
    }) : () -> ()
    %add3A_12 = arith.constant 320 : i32
    %add3A_13 = arith.addi %mul3A_3, %add3A_12 : i32
    "tpu.region"() ({
      %run_scoped3A_114 = tpu.sem_alloc : memref<!tpu.dma_semaphore, #tpu.memory_space<semaphore_mem>>
      %dma_start3A_115 = arith.constant 0 : i32
      %dma_start3A_116 = tpu.memref_slice %arg6[%add3A_13, %dma_start3A_115] : memref<10000x144xf32, #tpu.memory_space<vmem_shared>> -> memref<80x144xf32, #tpu.memory_space<vmem_shared>>
      %dma_start3A_117 = arith.constant 0 : i32
      %dma_start3A_118 = tpu.memref_slice %arg6[%add3A_13, %dma_start3A_117] : memref<10000x144xf32, #tpu.memory_space<vmem_shared>> -> memref<80x144xf32, #tpu.memory_space<vmem_shared>>
      tpu.enqueue_dma source(%arg8 : memref<80x144xf32, #tpu.memory_space<vmem>>) target(%dma_start3A_118 : memref<80x144xf32, #tpu.memory_space<vmem_shared>>) target_semaphore(%run_scoped3A_114 : memref<!tpu.dma_semaphore, #tpu.memory_space<semaphore_mem>>)
      %dma_wait3A_119 = arith.constant 0 : i32
      %dma_wait3A_120 = tpu.memref_slice %arg6[%add3A_13, %dma_wait3A_119] : memref<10000x144xf32, #tpu.memory_space<vmem_shared>> -> memref<80x144xf32, #tpu.memory_space<vmem_shared>>
      %dma_wait3A_121 = arith.constant 0 : i32
      %dma_wait3A_122 = tpu.memref_slice %arg6[%add3A_13, %dma_wait3A_121] : memref<10000x144xf32, #tpu.memory_space<vmem_shared>> -> memref<80x144xf32, #tpu.memory_space<vmem_shared>>
      tpu.wait_dma2 semaphore(%run_scoped3A_114 : memref<!tpu.dma_semaphore, #tpu.memory_space<semaphore_mem>>) src(%arg8 : memref<80x144xf32, #tpu.memory_space<vmem>>) dst(%dma_wait3A_122 : memref<80x144xf32, #tpu.memory_space<vmem_shared>>)
      tpu.yield
    }) : () -> ()
    %add3A_14 = arith.constant 400 : i32
    %add3A_15 = arith.addi %mul3A_3, %add3A_14 : i32
    "tpu.region"() ({
      %run_scoped3A_114 = tpu.sem_alloc : memref<!tpu.dma_semaphore, #tpu.memory_space<semaphore_mem>>
      %dma_start3A_115 = arith.constant 0 : i32
      %dma_start3A_116 = tpu.memref_slice %arg6[%add3A_15, %dma_start3A_115] : memref<10000x144xf32, #tpu.memory_space<vmem_shared>> -> memref<80x144xf32, #tpu.memory_space<vmem_shared>>
      %dma_start3A_117 = arith.constant 0 : i32
      %dma_start3A_118 = tpu.memref_slice %arg6[%add3A_15, %dma_start3A_117] : memref<10000x144xf32, #tpu.memory_space<vmem_shared>> -> memref<80x144xf32, #tpu.memory_space<vmem_shared>>
      tpu.enqueue_dma source(%arg8 : memref<80x144xf32, #tpu.memory_space<vmem>>) target(%dma_start3A_118 : memref<80x144xf32, #tpu.memory_space<vmem_shared>>) target_semaphore(%run_scoped3A_114 : memref<!tpu.dma_semaphore, #tpu.memory_space<semaphore_mem>>)
      %dma_wait3A_119 = arith.constant 0 : i32
      %dma_wait3A_120 = tpu.memref_slice %arg6[%add3A_15, %dma_wait3A_119] : memref<10000x144xf32, #tpu.memory_space<vmem_shared>> -> memref<80x144xf32, #tpu.memory_space<vmem_shared>>
      %dma_wait3A_121 = arith.constant 0 : i32
      %dma_wait3A_122 = tpu.memref_slice %arg6[%add3A_15, %dma_wait3A_121] : memref<10000x144xf32, #tpu.memory_space<vmem_shared>> -> memref<80x144xf32, #tpu.memory_space<vmem_shared>>
      tpu.wait_dma2 semaphore(%run_scoped3A_114 : memref<!tpu.dma_semaphore, #tpu.memory_space<semaphore_mem>>) src(%arg8 : memref<80x144xf32, #tpu.memory_space<vmem>>) dst(%dma_wait3A_122 : memref<80x144xf32, #tpu.memory_space<vmem_shared>>)
      tpu.yield
    }) : () -> ()
    %add3A_16 = arith.constant 480 : i32
    %add3A_17 = arith.addi %mul3A_3, %add3A_16 : i32
    "tpu.region"() ({
      %run_scoped3A_114 = tpu.sem_alloc : memref<!tpu.dma_semaphore, #tpu.memory_space<semaphore_mem>>
      %dma_start3A_115 = arith.constant 0 : i32
      %dma_start3A_116 = tpu.memref_slice %arg6[%add3A_17, %dma_start3A_115] : memref<10000x144xf32, #tpu.memory_space<vmem_shared>> -> memref<80x144xf32, #tpu.memory_space<vmem_shared>>
      %dma_start3A_117 = arith.constant 0 : i32
      %dma_start3A_118 = tpu.memref_slice %arg6[%add3A_17, %dma_start3A_117] : memref<10000x144xf32, #tpu.memory_space<vmem_shared>> -> memref<80x144xf32, #tpu.memory_space<vmem_shared>>
      tpu.enqueue_dma source(%arg8 : memref<80x144xf32, #tpu.memory_space<vmem>>) target(%dma_start3A_118 : memref<80x144xf32, #tpu.memory_space<vmem_shared>>) target_semaphore(%run_scoped3A_114 : memref<!tpu.dma_semaphore, #tpu.memory_space<semaphore_mem>>)
      %dma_wait3A_119 = arith.constant 0 : i32
      %dma_wait3A_120 = tpu.memref_slice %arg6[%add3A_17, %dma_wait3A_119] : memref<10000x144xf32, #tpu.memory_space<vmem_shared>> -> memref<80x144xf32, #tpu.memory_space<vmem_shared>>
      %dma_wait3A_121 = arith.constant 0 : i32
      %dma_wait3A_122 = tpu.memref_slice %arg6[%add3A_17, %dma_wait3A_121] : memref<10000x144xf32, #tpu.memory_space<vmem_shared>> -> memref<80x144xf32, #tpu.memory_space<vmem_shared>>
      tpu.wait_dma2 semaphore(%run_scoped3A_114 : memref<!tpu.dma_semaphore, #tpu.memory_space<semaphore_mem>>) src(%arg8 : memref<80x144xf32, #tpu.memory_space<vmem>>) dst(%dma_wait3A_122 : memref<80x144xf32, #tpu.memory_space<vmem_shared>>)
      tpu.yield
    }) : () -> ()
    %add3A_18 = arith.constant 560 : i32
    %add3A_19 = arith.addi %mul3A_3, %add3A_18 : i32
    "tpu.region"() ({
      %run_scoped3A_114 = tpu.sem_alloc : memref<!tpu.dma_semaphore, #tpu.memory_space<semaphore_mem>>
      %dma_start3A_115 = arith.constant 0 : i32
      %dma_start3A_116 = arith.constant 0 : i32
      %dma_start3A_117 = tpu.memref_slice %arg8[%dma_start3A_115, %dma_start3A_116] : memref<80x144xf32, #tpu.memory_space<vmem>> -> memref<65x144xf32, #tpu.memory_space<vmem>>
      %dma_start3A_118 = arith.constant 0 : i32
      %dma_start3A_119 = tpu.memref_slice %arg6[%add3A_19, %dma_start3A_118] : memref<10000x144xf32, #tpu.memory_space<vmem_shared>> -> memref<65x144xf32, #tpu.memory_space<vmem_shared>>
      %dma_start3A_120 = arith.constant 0 : i32
      %dma_start3A_121 = tpu.memref_slice %arg6[%add3A_19, %dma_start3A_120] : memref<10000x144xf32, #tpu.memory_space<vmem_shared>> -> memref<65x144xf32, #tpu.memory_space<vmem_shared>>
      %dma_start3A_122 = arith.constant 0 : i32
      %dma_start3A_123 = arith.constant 0 : i32
      %dma_start3A_124 = tpu.memref_slice %arg8[%dma_start3A_122, %dma_start3A_123] : memref<80x144xf32, #tpu.memory_space<vmem>> -> memref<65x144xf32, #tpu.memory_space<vmem>>
      tpu.enqueue_dma source(%dma_start3A_124 : memref<65x144xf32, #tpu.memory_space<vmem>>) target(%dma_start3A_121 : memref<65x144xf32, #tpu.memory_space<vmem_shared>>) target_semaphore(%run_scoped3A_114 : memref<!tpu.dma_semaphore, #tpu.memory_space<semaphore_mem>>)
      %dma_wait3A_125 = arith.constant 0 : i32
      %dma_wait3A_126 = arith.constant 0 : i32
      %dma_wait3A_127 = tpu.memref_slice %arg8[%dma_wait3A_125, %dma_wait3A_126] : memref<80x144xf32, #tpu.memory_space<vmem>> -> memref<65x144xf32, #tpu.memory_space<vmem>>
      %dma_wait3A_128 = arith.constant 0 : i32
      %dma_wait3A_129 = tpu.memref_slice %arg6[%add3A_19, %dma_wait3A_128] : memref<10000x144xf32, #tpu.memory_space<vmem_shared>> -> memref<65x144xf32, #tpu.memory_space<vmem_shared>>
      %dma_wait3A_130 = arith.constant 0 : i32
      %dma_wait3A_131 = tpu.memref_slice %arg6[%add3A_19, %dma_wait3A_130] : memref<10000x144xf32, #tpu.memory_space<vmem_shared>> -> memref<65x144xf32, #tpu.memory_space<vmem_shared>>
      %dma_wait3A_132 = arith.constant 0 : i32
      %dma_wait3A_133 = arith.constant 0 : i32
      %dma_wait3A_134 = tpu.memref_slice %arg8[%dma_wait3A_132, %dma_wait3A_133] : memref<80x144xf32, #tpu.memory_space<vmem>> -> memref<65x144xf32, #tpu.memory_space<vmem>>
      tpu.wait_dma2 semaphore(%run_scoped3A_114 : memref<!tpu.dma_semaphore, #tpu.memory_space<semaphore_mem>>) src(%dma_wait3A_134 : memref<65x144xf32, #tpu.memory_space<vmem>>) dst(%dma_wait3A_131 : memref<65x144xf32, #tpu.memory_space<vmem_shared>>)
      tpu.yield
    }) : () -> ()
    %barrier3A = arith.constant 0 : index
    tpu.barrier barrier_id(%barrier3A)
    %dma_start3A = arith.constant 0 : i32
    %dma_start3A_20 = arith.constant 0 : i32
    %dma_start3A_21 = tpu.memref_slice %arg12[%dma_start3A, %dma_start3A_20] : memref<63x80xi32, #tpu.memory_space<vmem>> -> memref<1x80xi32, #tpu.memory_space<vmem>>
    %dma_start3A_22 = tpu.memref_squeeze %dma_start3A_21 : memref<1x80xi32, #tpu.memory_space<vmem>> -> memref<80xi32, #tpu.memory_space<vmem>>
    %dma_start3A_23 = arith.constant 0 : i32
    %dma_start3A_24 = arith.constant 0 : i32
    %dma_start3A_25 = tpu.memref_slice %arg2[%dma_start3A_23, %dma_start3A_24] : memref<10000x144xf32, #tpu.memory_space<hbm>> -> memref<10000x144xf32, #tpu.memory_space<hbm>>
    tpu.enqueue_indirect_dma source(%dma_start3A_25 : memref<10000x144xf32, #tpu.memory_space<hbm>>) target(%arg7 : memref<80x144xf32, #tpu.memory_space<vmem>>) offsets(%dma_start3A_22 : memref<80xi32, #tpu.memory_space<vmem>>) semaphore(%arg10 : memref<!tpu.dma_semaphore, #tpu.memory_space<semaphore_mem>>)
    %scan3A = arith.constant 0 : i32
    %scan3A_26 = arith.constant 0 : i32
    %scan3A_27 = arith.constant 31 : i32
    %scan3A_28 = arith.addi %scan3A_26, %scan3A_27 : i32
    %scan3A_29 = arith.constant 1 : i32
    scf.for %scan3A_114 = %scan3A_26 to %scan3A_28 step %scan3A_29  : i32 {
      %mul3A_115 = arith.constant 2 : i32
      %mul3A_116 = arith.muli %mul3A_115, %scan3A_114 : i32
      %add3A_117 = arith.constant 1 : i32
      %add3A_118 = arith.addi %mul3A_116, %add3A_117 : i32
      %dma_start3A_119 = arith.constant 0 : i32
      %dma_start3A_120 = tpu.memref_slice %arg12[%add3A_118, %dma_start3A_119] : memref<63x80xi32, #tpu.memory_space<vmem>> -> memref<1x80xi32, #tpu.memory_space<vmem>>
      %dma_start3A_121 = tpu.memref_squeeze %dma_start3A_120 : memref<1x80xi32, #tpu.memory_space<vmem>> -> memref<80xi32, #tpu.memory_space<vmem>>
      %dma_start3A_122 = arith.constant 0 : i32
      %dma_start3A_123 = arith.constant 0 : i32
      %dma_start3A_124 = tpu.memref_slice %arg2[%dma_start3A_122, %dma_start3A_123] : memref<10000x144xf32, #tpu.memory_space<hbm>> -> memref<10000x144xf32, #tpu.memory_space<hbm>>
      tpu.enqueue_indirect_dma source(%dma_start3A_124 : memref<10000x144xf32, #tpu.memory_space<hbm>>) target(%arg8 : memref<80x144xf32, #tpu.memory_space<vmem>>) offsets(%dma_start3A_121 : memref<80xi32, #tpu.memory_space<vmem>>) semaphore(%arg11 : memref<!tpu.dma_semaphore, #tpu.memory_space<semaphore_mem>>)
      %sub3A = arith.constant 1 : i32
      %sub3A_125 = arith.subi %add3A_118, %sub3A : i32
      %dma_wait3A_126 = arith.constant 0 : i32
      %dma_wait3A_127 = tpu.memref_slice %arg12[%sub3A_125, %dma_wait3A_126] : memref<63x80xi32, #tpu.memory_space<vmem>> -> memref<1x80xi32, #tpu.memory_space<vmem>>
      %dma_wait3A_128 = tpu.memref_squeeze %dma_wait3A_127 : memref<1x80xi32, #tpu.memory_space<vmem>> -> memref<80xi32, #tpu.memory_space<vmem>>
      %dma_wait3A_129 = arith.constant 0 : i32
      %dma_wait3A_130 = arith.constant 0 : i32
      %dma_wait3A_131 = tpu.memref_slice %arg2[%dma_wait3A_129, %dma_wait3A_130] : memref<10000x144xf32, #tpu.memory_space<hbm>> -> memref<10000x144xf32, #tpu.memory_space<hbm>>
      tpu.wait_indirect_dma semaphore(%arg10 : memref<!tpu.dma_semaphore, #tpu.memory_space<semaphore_mem>>) src(%dma_wait3A_131 : memref<10000x144xf32, #tpu.memory_space<hbm>>) dst(%arg7 : memref<80x144xf32, #tpu.memory_space<vmem>>)
      %sub3A_132 = arith.constant 1 : i32
      %sub3A_133 = arith.subi %add3A_118, %sub3A_132 : i32
      "tpu.region"() ({
        %run_scoped3A_148 = tpu.sem_alloc : memref<!tpu.dma_semaphore, #tpu.memory_space<semaphore_mem>>
        %dma_start3A_149 = arith.constant 0 : i32
        %dma_start3A_150 = tpu.memref_slice %arg9[%sub3A_133, %dma_start3A_149] : memref<63x80xi32, #tpu.memory_space<vmem>> -> memref<1x80xi32, #tpu.memory_space<vmem>>
        %dma_start3A_151 = tpu.memref_squeeze %dma_start3A_150 : memref<1x80xi32, #tpu.memory_space<vmem>> -> memref<80xi32, #tpu.memory_space<vmem>>
        %dma_start3A_152 = arith.constant 0 : i32
        %dma_start3A_153 = arith.constant 0 : i32
        %dma_start3A_154 = tpu.memref_slice %arg6[%dma_start3A_152, %dma_start3A_153] : memref<10000x144xf32, #tpu.memory_space<vmem_shared>> -> memref<10000x144xf32, #tpu.memory_space<vmem_shared>>
        tpu.enqueue_indirect_dma source(%arg7 : memref<80x144xf32, #tpu.memory_space<vmem>>) target(%dma_start3A_154 : memref<10000x144xf32, #tpu.memory_space<vmem_shared>>) offsets(%dma_start3A_151 : memref<80xi32, #tpu.memory_space<vmem>>) semaphore(%run_scoped3A_148 : memref<!tpu.dma_semaphore, #tpu.memory_space<semaphore_mem>>) {add = true}
        %dma_wait3A_155 = arith.constant 0 : i32
        %dma_wait3A_156 = tpu.memref_slice %arg9[%sub3A_133, %dma_wait3A_155] : memref<63x80xi32, #tpu.memory_space<vmem>> -> memref<1x80xi32, #tpu.memory_space<vmem>>
        %dma_wait3A_157 = tpu.memref_squeeze %dma_wait3A_156 : memref<1x80xi32, #tpu.memory_space<vmem>> -> memref<80xi32, #tpu.memory_space<vmem>>
        %dma_wait3A_158 = arith.constant 0 : i32
        %dma_wait3A_159 = arith.constant 0 : i32
        %dma_wait3A_160 = tpu.memref_slice %arg6[%dma_wait3A_158, %dma_wait3A_159] : memref<10000x144xf32, #tpu.memory_space<vmem_shared>> -> memref<10000x144xf32, #tpu.memory_space<vmem_shared>>
        tpu.wait_indirect_dma semaphore(%run_scoped3A_148 : memref<!tpu.dma_semaphore, #tpu.memory_space<semaphore_mem>>) src(%arg7 : memref<80x144xf32, #tpu.memory_space<vmem>>) dst(%dma_wait3A_160 : memref<10000x144xf32, #tpu.memory_space<vmem_shared>>)
        tpu.yield
      }) : () -> ()
      %add3A_134 = arith.constant 1 : i32
      %add3A_135 = arith.addi %add3A_118, %add3A_134 : i32
      %dma_start3A_136 = arith.constant 0 : i32
      %dma_start3A_137 = tpu.memref_slice %arg12[%add3A_135, %dma_start3A_136] : memref<63x80xi32, #tpu.memory_space<vmem>> -> memref<1x80xi32, #tpu.memory_space<vmem>>
      %dma_start3A_138 = tpu.memref_squeeze %dma_start3A_137 : memref<1x80xi32, #tpu.memory_space<vmem>> -> memref<80xi32, #tpu.memory_space<vmem>>
      %dma_start3A_139 = arith.constant 0 : i32
      %dma_start3A_140 = arith.constant 0 : i32
      %dma_start3A_141 = tpu.memref_slice %arg2[%dma_start3A_139, %dma_start3A_140] : memref<10000x144xf32, #tpu.memory_space<hbm>> -> memref<10000x144xf32, #tpu.memory_space<hbm>>
      tpu.enqueue_indirect_dma source(%dma_start3A_141 : memref<10000x144xf32, #tpu.memory_space<hbm>>) target(%arg7 : memref<80x144xf32, #tpu.memory_space<vmem>>) offsets(%dma_start3A_138 : memref<80xi32, #tpu.memory_space<vmem>>) semaphore(%arg10 : memref<!tpu.dma_semaphore, #tpu.memory_space<semaphore_mem>>)
      %dma_wait3A_142 = arith.constant 0 : i32
      %dma_wait3A_143 = tpu.memref_slice %arg12[%add3A_118, %dma_wait3A_142] : memref<63x80xi32, #tpu.memory_space<vmem>> -> memref<1x80xi32, #tpu.memory_space<vmem>>
      %dma_wait3A_144 = tpu.memref_squeeze %dma_wait3A_143 : memref<1x80xi32, #tpu.memory_space<vmem>> -> memref<80xi32, #tpu.memory_space<vmem>>
      %dma_wait3A_145 = arith.constant 0 : i32
      %dma_wait3A_146 = arith.constant 0 : i32
      %dma_wait3A_147 = tpu.memref_slice %arg2[%dma_wait3A_145, %dma_wait3A_146] : memref<10000x144xf32, #tpu.memory_space<hbm>> -> memref<10000x144xf32, #tpu.memory_space<hbm>>
      tpu.wait_indirect_dma semaphore(%arg11 : memref<!tpu.dma_semaphore, #tpu.memory_space<semaphore_mem>>) src(%dma_wait3A_147 : memref<10000x144xf32, #tpu.memory_space<hbm>>) dst(%arg8 : memref<80x144xf32, #tpu.memory_space<vmem>>)
      "tpu.region"() ({
        %run_scoped3A_148 = tpu.sem_alloc : memref<!tpu.dma_semaphore, #tpu.memory_space<semaphore_mem>>
        %dma_start3A_149 = arith.constant 0 : i32
        %dma_start3A_150 = tpu.memref_slice %arg9[%add3A_118, %dma_start3A_149] : memref<63x80xi32, #tpu.memory_space<vmem>> -> memref<1x80xi32, #tpu.memory_space<vmem>>
        %dma_start3A_151 = tpu.memref_squeeze %dma_start3A_150 : memref<1x80xi32, #tpu.memory_space<vmem>> -> memref<80xi32, #tpu.memory_space<vmem>>
        %dma_start3A_152 = arith.constant 0 : i32
        %dma_start3A_153 = arith.constant 0 : i32
        %dma_start3A_154 = tpu.memref_slice %arg6[%dma_start3A_152, %dma_start3A_153] : memref<10000x144xf32, #tpu.memory_space<vmem_shared>> -> memref<10000x144xf32, #tpu.memory_space<vmem_shared>>
        tpu.enqueue_indirect_dma source(%arg8 : memref<80x144xf32, #tpu.memory_space<vmem>>) target(%dma_start3A_154 : memref<10000x144xf32, #tpu.memory_space<vmem_shared>>) offsets(%dma_start3A_151 : memref<80xi32, #tpu.memory_space<vmem>>) semaphore(%run_scoped3A_148 : memref<!tpu.dma_semaphore, #tpu.memory_space<semaphore_mem>>) {add = true}
        %dma_wait3A_155 = arith.constant 0 : i32
        %dma_wait3A_156 = tpu.memref_slice %arg9[%add3A_118, %dma_wait3A_155] : memref<63x80xi32, #tpu.memory_space<vmem>> -> memref<1x80xi32, #tpu.memory_space<vmem>>
        %dma_wait3A_157 = tpu.memref_squeeze %dma_wait3A_156 : memref<1x80xi32, #tpu.memory_space<vmem>> -> memref<80xi32, #tpu.memory_space<vmem>>
        %dma_wait3A_158 = arith.constant 0 : i32
        %dma_wait3A_159 = arith.constant 0 : i32
        %dma_wait3A_160 = tpu.memref_slice %arg6[%dma_wait3A_158, %dma_wait3A_159] : memref<10000x144xf32, #tpu.memory_space<vmem_shared>> -> memref<10000x144xf32, #tpu.memory_space<vmem_shared>>
        tpu.wait_indirect_dma semaphore(%run_scoped3A_148 : memref<!tpu.dma_semaphore, #tpu.memory_space<semaphore_mem>>) src(%arg8 : memref<80x144xf32, #tpu.memory_space<vmem>>) dst(%dma_wait3A_160 : memref<10000x144xf32, #tpu.memory_space<vmem_shared>>)
        tpu.yield
      }) : () -> ()
    }
    %scan3A_30 = arith.constant 31 : i32
    %dma_wait3A = arith.constant 62 : i32
    %dma_wait3A_31 = arith.constant 0 : i32
    %dma_wait3A_32 = tpu.memref_slice %arg12[%dma_wait3A, %dma_wait3A_31] : memref<63x80xi32, #tpu.memory_space<vmem>> -> memref<1x80xi32, #tpu.memory_space<vmem>>
    %dma_wait3A_33 = tpu.memref_squeeze %dma_wait3A_32 : memref<1x80xi32, #tpu.memory_space<vmem>> -> memref<80xi32, #tpu.memory_space<vmem>>
    %dma_wait3A_34 = arith.constant 0 : i32
    %dma_wait3A_35 = arith.constant 0 : i32
    %dma_wait3A_36 = tpu.memref_slice %arg2[%dma_wait3A_34, %dma_wait3A_35] : memref<10000x144xf32, #tpu.memory_space<hbm>> -> memref<10000x144xf32, #tpu.memory_space<hbm>>
    tpu.wait_indirect_dma semaphore(%arg10 : memref<!tpu.dma_semaphore, #tpu.memory_space<semaphore_mem>>) src(%dma_wait3A_36 : memref<10000x144xf32, #tpu.memory_space<hbm>>) dst(%arg7 : memref<80x144xf32, #tpu.memory_space<vmem>>)
    %run_scoped3A_37 = arith.constant 62 : i32
    "tpu.region"() ({
      %run_scoped3A_114 = tpu.sem_alloc : memref<!tpu.dma_semaphore, #tpu.memory_space<semaphore_mem>>
      %dma_start3A_115 = arith.constant 0 : i32
      %dma_start3A_116 = tpu.memref_slice %arg9[%run_scoped3A_37, %dma_start3A_115] : memref<63x80xi32, #tpu.memory_space<vmem>> -> memref<1x80xi32, #tpu.memory_space<vmem>>
      %dma_start3A_117 = tpu.memref_squeeze %dma_start3A_116 : memref<1x80xi32, #tpu.memory_space<vmem>> -> memref<80xi32, #tpu.memory_space<vmem>>
      %dma_start3A_118 = arith.constant 0 : i32
      %dma_start3A_119 = arith.constant 0 : i32
      %dma_start3A_120 = tpu.memref_slice %arg6[%dma_start3A_118, %dma_start3A_119] : memref<10000x144xf32, #tpu.memory_space<vmem_shared>> -> memref<10000x144xf32, #tpu.memory_space<vmem_shared>>
      tpu.enqueue_indirect_dma source(%arg7 : memref<80x144xf32, #tpu.memory_space<vmem>>) target(%dma_start3A_120 : memref<10000x144xf32, #tpu.memory_space<vmem_shared>>) offsets(%dma_start3A_117 : memref<80xi32, #tpu.memory_space<vmem>>) semaphore(%run_scoped3A_114 : memref<!tpu.dma_semaphore, #tpu.memory_space<semaphore_mem>>) {add = true}
      %dma_wait3A_121 = arith.constant 0 : i32
      %dma_wait3A_122 = tpu.memref_slice %arg9[%run_scoped3A_37, %dma_wait3A_121] : memref<63x80xi32, #tpu.memory_space<vmem>> -> memref<1x80xi32, #tpu.memory_space<vmem>>
      %dma_wait3A_123 = tpu.memref_squeeze %dma_wait3A_122 : memref<1x80xi32, #tpu.memory_space<vmem>> -> memref<80xi32, #tpu.memory_space<vmem>>
      %dma_wait3A_124 = arith.constant 0 : i32
      %dma_wait3A_125 = arith.constant 0 : i32
      %dma_wait3A_126 = tpu.memref_slice %arg6[%dma_wait3A_124, %dma_wait3A_125] : memref<10000x144xf32, #tpu.memory_space<vmem_shared>> -> memref<10000x144xf32, #tpu.memory_space<vmem_shared>>
      tpu.wait_indirect_dma semaphore(%run_scoped3A_114 : memref<!tpu.dma_semaphore, #tpu.memory_space<semaphore_mem>>) src(%arg7 : memref<80x144xf32, #tpu.memory_space<vmem>>) dst(%dma_wait3A_126 : memref<10000x144xf32, #tpu.memory_space<vmem_shared>>)
      tpu.yield
    }) : () -> ()
    %run_scoped3A_38 = arith.constant 0 : i32
    "tpu.region"() ({
      %run_scoped3A_114 = tpu.sem_alloc : memref<!tpu.dma_semaphore, #tpu.memory_space<semaphore_mem>>
      %dma_start3A_115 = arith.constant 0 : i32
      %dma_start3A_116 = arith.constant 0 : i32
      %dma_start3A_117 = tpu.memref_slice %arg12[%dma_start3A_115, %dma_start3A_116] : memref<63x80xi32, #tpu.memory_space<vmem>> -> memref<62x80xi32, #tpu.memory_space<vmem>>
      %dma_start3A_118 = arith.constant 63 : i32
      %dma_start3A_119 = arith.constant 0 : i32
      %dma_start3A_120 = tpu.memref_slice %arg3[%run_scoped3A_38, %add3A, %dma_start3A_118, %dma_start3A_119] : memref<2x32x125x80xi32, #tpu.memory_space<hbm>> -> memref<1x1x62x80xi32, #tpu.memory_space<hbm>>
      %dma_start3A_121 = tpu.memref_squeeze %dma_start3A_120 : memref<1x1x62x80xi32, #tpu.memory_space<hbm>> -> memref<62x80xi32, #tpu.memory_space<hbm>>
      %dma_start3A_122 = arith.constant 0 : i32
      %dma_start3A_123 = arith.constant 0 : i32
      %dma_start3A_124 = tpu.memref_slice %arg12[%dma_start3A_122, %dma_start3A_123] : memref<63x80xi32, #tpu.memory_space<vmem>> -> memref<62x80xi32, #tpu.memory_space<vmem>>
      %dma_start3A_125 = arith.constant 63 : i32
      %dma_start3A_126 = arith.constant 0 : i32
      %dma_start3A_127 = tpu.memref_slice %arg3[%run_scoped3A_38, %add3A, %dma_start3A_125, %dma_start3A_126] : memref<2x32x125x80xi32, #tpu.memory_space<hbm>> -> memref<1x1x62x80xi32, #tpu.memory_space<hbm>>
      %dma_start3A_128 = tpu.memref_squeeze %dma_start3A_127 : memref<1x1x62x80xi32, #tpu.memory_space<hbm>> -> memref<62x80xi32, #tpu.memory_space<hbm>>
      tpu.enqueue_dma source(%dma_start3A_128 : memref<62x80xi32, #tpu.memory_space<hbm>>) target(%dma_start3A_124 : memref<62x80xi32, #tpu.memory_space<vmem>>) target_semaphore(%run_scoped3A_114 : memref<!tpu.dma_semaphore, #tpu.memory_space<semaphore_mem>>)
      %dma_wait3A_129 = arith.constant 0 : i32
      %dma_wait3A_130 = arith.constant 0 : i32
      %dma_wait3A_131 = tpu.memref_slice %arg12[%dma_wait3A_129, %dma_wait3A_130] : memref<63x80xi32, #tpu.memory_space<vmem>> -> memref<62x80xi32, #tpu.memory_space<vmem>>
      %dma_wait3A_132 = arith.constant 63 : i32
      %dma_wait3A_133 = arith.constant 0 : i32
      %dma_wait3A_134 = tpu.memref_slice %arg3[%run_scoped3A_38, %add3A, %dma_wait3A_132, %dma_wait3A_133] : memref<2x32x125x80xi32, #tpu.memory_space<hbm>> -> memref<1x1x62x80xi32, #tpu.memory_space<hbm>>
      %dma_wait3A_135 = tpu.memref_squeeze %dma_wait3A_134 : memref<1x1x62x80xi32, #tpu.memory_space<hbm>> -> memref<62x80xi32, #tpu.memory_space<hbm>>
      %dma_wait3A_136 = arith.constant 0 : i32
      %dma_wait3A_137 = arith.constant 0 : i32
      %dma_wait3A_138 = tpu.memref_slice %arg12[%dma_wait3A_136, %dma_wait3A_137] : memref<63x80xi32, #tpu.memory_space<vmem>> -> memref<62x80xi32, #tpu.memory_space<vmem>>
      %dma_wait3A_139 = arith.constant 63 : i32
      %dma_wait3A_140 = arith.constant 0 : i32
      %dma_wait3A_141 = tpu.memref_slice %arg3[%run_scoped3A_38, %add3A, %dma_wait3A_139, %dma_wait3A_140] : memref<2x32x125x80xi32, #tpu.memory_space<hbm>> -> memref<1x1x62x80xi32, #tpu.memory_space<hbm>>
      %dma_wait3A_142 = tpu.memref_squeeze %dma_wait3A_141 : memref<1x1x62x80xi32, #tpu.memory_space<hbm>> -> memref<62x80xi32, #tpu.memory_space<hbm>>
      tpu.wait_dma2 semaphore(%run_scoped3A_114 : memref<!tpu.dma_semaphore, #tpu.memory_space<semaphore_mem>>) src(%dma_wait3A_142 : memref<62x80xi32, #tpu.memory_space<hbm>>) dst(%dma_wait3A_138 : memref<62x80xi32, #tpu.memory_space<vmem>>)
      tpu.yield
    }) : () -> ()
    %run_scoped3A_39 = arith.constant 1 : i32
    "tpu.region"() ({
      %run_scoped3A_114 = tpu.sem_alloc : memref<!tpu.dma_semaphore, #tpu.memory_space<semaphore_mem>>
      %dma_start3A_115 = arith.constant 0 : i32
      %dma_start3A_116 = arith.constant 0 : i32
      %dma_start3A_117 = tpu.memref_slice %arg9[%dma_start3A_115, %dma_start3A_116] : memref<63x80xi32, #tpu.memory_space<vmem>> -> memref<62x80xi32, #tpu.memory_space<vmem>>
      %dma_start3A_118 = arith.constant 63 : i32
      %dma_start3A_119 = arith.constant 0 : i32
      %dma_start3A_120 = tpu.memref_slice %arg3[%run_scoped3A_39, %add3A, %dma_start3A_118, %dma_start3A_119] : memref<2x32x125x80xi32, #tpu.memory_space<hbm>> -> memref<1x1x62x80xi32, #tpu.memory_space<hbm>>
      %dma_start3A_121 = tpu.memref_squeeze %dma_start3A_120 : memref<1x1x62x80xi32, #tpu.memory_space<hbm>> -> memref<62x80xi32, #tpu.memory_space<hbm>>
      %dma_start3A_122 = arith.constant 0 : i32
      %dma_start3A_123 = arith.constant 0 : i32
      %dma_start3A_124 = tpu.memref_slice %arg9[%dma_start3A_122, %dma_start3A_123] : memref<63x80xi32, #tpu.memory_space<vmem>> -> memref<62x80xi32, #tpu.memory_space<vmem>>
      %dma_start3A_125 = arith.constant 63 : i32
      %dma_start3A_126 = arith.constant 0 : i32
      %dma_start3A_127 = tpu.memref_slice %arg3[%run_scoped3A_39, %add3A, %dma_start3A_125, %dma_start3A_126] : memref<2x32x125x80xi32, #tpu.memory_space<hbm>> -> memref<1x1x62x80xi32, #tpu.memory_space<hbm>>
      %dma_start3A_128 = tpu.memref_squeeze %dma_start3A_127 : memref<1x1x62x80xi32, #tpu.memory_space<hbm>> -> memref<62x80xi32, #tpu.memory_space<hbm>>
      tpu.enqueue_dma source(%dma_start3A_128 : memref<62x80xi32, #tpu.memory_space<hbm>>) target(%dma_start3A_124 : memref<62x80xi32, #tpu.memory_space<vmem>>) target_semaphore(%run_scoped3A_114 : memref<!tpu.dma_semaphore, #tpu.memory_space<semaphore_mem>>)
      %dma_wait3A_129 = arith.constant 0 : i32
      %dma_wait3A_130 = arith.constant 0 : i32
      %dma_wait3A_131 = tpu.memref_slice %arg9[%dma_wait3A_129, %dma_wait3A_130] : memref<63x80xi32, #tpu.memory_space<vmem>> -> memref<62x80xi32, #tpu.memory_space<vmem>>
      %dma_wait3A_132 = arith.constant 63 : i32
      %dma_wait3A_133 = arith.constant 0 : i32
      %dma_wait3A_134 = tpu.memref_slice %arg3[%run_scoped3A_39, %add3A, %dma_wait3A_132, %dma_wait3A_133] : memref<2x32x125x80xi32, #tpu.memory_space<hbm>> -> memref<1x1x62x80xi32, #tpu.memory_space<hbm>>
      %dma_wait3A_135 = tpu.memref_squeeze %dma_wait3A_134 : memref<1x1x62x80xi32, #tpu.memory_space<hbm>> -> memref<62x80xi32, #tpu.memory_space<hbm>>
      %dma_wait3A_136 = arith.constant 0 : i32
      %dma_wait3A_137 = arith.constant 0 : i32
      %dma_wait3A_138 = tpu.memref_slice %arg9[%dma_wait3A_136, %dma_wait3A_137] : memref<63x80xi32, #tpu.memory_space<vmem>> -> memref<62x80xi32, #tpu.memory_space<vmem>>
      %dma_wait3A_139 = arith.constant 63 : i32
      %dma_wait3A_140 = arith.constant 0 : i32
      %dma_wait3A_141 = tpu.memref_slice %arg3[%run_scoped3A_39, %add3A, %dma_wait3A_139, %dma_wait3A_140] : memref<2x32x125x80xi32, #tpu.memory_space<hbm>> -> memref<1x1x62x80xi32, #tpu.memory_space<hbm>>
      %dma_wait3A_142 = tpu.memref_squeeze %dma_wait3A_141 : memref<1x1x62x80xi32, #tpu.memory_space<hbm>> -> memref<62x80xi32, #tpu.memory_space<hbm>>
      tpu.wait_dma2 semaphore(%run_scoped3A_114 : memref<!tpu.dma_semaphore, #tpu.memory_space<semaphore_mem>>) src(%dma_wait3A_142 : memref<62x80xi32, #tpu.memory_space<hbm>>) dst(%dma_wait3A_138 : memref<62x80xi32, #tpu.memory_space<vmem>>)
      tpu.yield
    }) : () -> ()
    %dma_start3A_40 = arith.constant 0 : i32
    %dma_start3A_41 = arith.constant 0 : i32
    %dma_start3A_42 = tpu.memref_slice %arg12[%dma_start3A_40, %dma_start3A_41] : memref<63x80xi32, #tpu.memory_space<vmem>> -> memref<1x80xi32, #tpu.memory_space<vmem>>
    %dma_start3A_43 = tpu.memref_squeeze %dma_start3A_42 : memref<1x80xi32, #tpu.memory_space<vmem>> -> memref<80xi32, #tpu.memory_space<vmem>>
    %dma_start3A_44 = arith.constant 0 : i32
    %dma_start3A_45 = arith.constant 0 : i32
    %dma_start3A_46 = tpu.memref_slice %arg2[%dma_start3A_44, %dma_start3A_45] : memref<10000x144xf32, #tpu.memory_space<hbm>> -> memref<10000x144xf32, #tpu.memory_space<hbm>>
    tpu.enqueue_indirect_dma source(%dma_start3A_46 : memref<10000x144xf32, #tpu.memory_space<hbm>>) target(%arg7 : memref<80x144xf32, #tpu.memory_space<vmem>>) offsets(%dma_start3A_43 : memref<80xi32, #tpu.memory_space<vmem>>) semaphore(%arg10 : memref<!tpu.dma_semaphore, #tpu.memory_space<semaphore_mem>>)
    %scan3A_47 = arith.constant 0 : i32
    %scan3A_48 = arith.constant 0 : i32
    %scan3A_49 = arith.constant 30 : i32
    %scan3A_50 = arith.addi %scan3A_48, %scan3A_49 : i32
    %scan3A_51 = arith.constant 1 : i32
    scf.for %scan3A_114 = %scan3A_48 to %scan3A_50 step %scan3A_51  : i32 {
      %mul3A_115 = arith.constant 2 : i32
      %mul3A_116 = arith.muli %mul3A_115, %scan3A_114 : i32
      %add3A_117 = arith.constant 1 : i32
      %add3A_118 = arith.addi %mul3A_116, %add3A_117 : i32
      %dma_start3A_119 = arith.constant 0 : i32
      %dma_start3A_120 = tpu.memref_slice %arg12[%add3A_118, %dma_start3A_119] : memref<63x80xi32, #tpu.memory_space<vmem>> -> memref<1x80xi32, #tpu.memory_space<vmem>>
      %dma_start3A_121 = tpu.memref_squeeze %dma_start3A_120 : memref<1x80xi32, #tpu.memory_space<vmem>> -> memref<80xi32, #tpu.memory_space<vmem>>
      %dma_start3A_122 = arith.constant 0 : i32
      %dma_start3A_123 = arith.constant 0 : i32
      %dma_start3A_124 = tpu.memref_slice %arg2[%dma_start3A_122, %dma_start3A_123] : memref<10000x144xf32, #tpu.memory_space<hbm>> -> memref<10000x144xf32, #tpu.memory_space<hbm>>
      tpu.enqueue_indirect_dma source(%dma_start3A_124 : memref<10000x144xf32, #tpu.memory_space<hbm>>) target(%arg8 : memref<80x144xf32, #tpu.memory_space<vmem>>) offsets(%dma_start3A_121 : memref<80xi32, #tpu.memory_space<vmem>>) semaphore(%arg11 : memref<!tpu.dma_semaphore, #tpu.memory_space<semaphore_mem>>)
      %sub3A = arith.constant 1 : i32
      %sub3A_125 = arith.subi %add3A_118, %sub3A : i32
      %dma_wait3A_126 = arith.constant 0 : i32
      %dma_wait3A_127 = tpu.memref_slice %arg12[%sub3A_125, %dma_wait3A_126] : memref<63x80xi32, #tpu.memory_space<vmem>> -> memref<1x80xi32, #tpu.memory_space<vmem>>
      %dma_wait3A_128 = tpu.memref_squeeze %dma_wait3A_127 : memref<1x80xi32, #tpu.memory_space<vmem>> -> memref<80xi32, #tpu.memory_space<vmem>>
      %dma_wait3A_129 = arith.constant 0 : i32
      %dma_wait3A_130 = arith.constant 0 : i32
      %dma_wait3A_131 = tpu.memref_slice %arg2[%dma_wait3A_129, %dma_wait3A_130] : memref<10000x144xf32, #tpu.memory_space<hbm>> -> memref<10000x144xf32, #tpu.memory_space<hbm>>
      tpu.wait_indirect_dma semaphore(%arg10 : memref<!tpu.dma_semaphore, #tpu.memory_space<semaphore_mem>>) src(%dma_wait3A_131 : memref<10000x144xf32, #tpu.memory_space<hbm>>) dst(%arg7 : memref<80x144xf32, #tpu.memory_space<vmem>>)
      %sub3A_132 = arith.constant 1 : i32
      %sub3A_133 = arith.subi %add3A_118, %sub3A_132 : i32
      "tpu.region"() ({
        %run_scoped3A_148 = tpu.sem_alloc : memref<!tpu.dma_semaphore, #tpu.memory_space<semaphore_mem>>
        %dma_start3A_149 = arith.constant 0 : i32
        %dma_start3A_150 = tpu.memref_slice %arg9[%sub3A_133, %dma_start3A_149] : memref<63x80xi32, #tpu.memory_space<vmem>> -> memref<1x80xi32, #tpu.memory_space<vmem>>
        %dma_start3A_151 = tpu.memref_squeeze %dma_start3A_150 : memref<1x80xi32, #tpu.memory_space<vmem>> -> memref<80xi32, #tpu.memory_space<vmem>>
        %dma_start3A_152 = arith.constant 0 : i32
        %dma_start3A_153 = arith.constant 0 : i32
        %dma_start3A_154 = tpu.memref_slice %arg6[%dma_start3A_152, %dma_start3A_153] : memref<10000x144xf32, #tpu.memory_space<vmem_shared>> -> memref<10000x144xf32, #tpu.memory_space<vmem_shared>>
        tpu.enqueue_indirect_dma source(%arg7 : memref<80x144xf32, #tpu.memory_space<vmem>>) target(%dma_start3A_154 : memref<10000x144xf32, #tpu.memory_space<vmem_shared>>) offsets(%dma_start3A_151 : memref<80xi32, #tpu.memory_space<vmem>>) semaphore(%run_scoped3A_148 : memref<!tpu.dma_semaphore, #tpu.memory_space<semaphore_mem>>) {add = true}
        %dma_wait3A_155 = arith.constant 0 : i32
        %dma_wait3A_156 = tpu.memref_slice %arg9[%sub3A_133, %dma_wait3A_155] : memref<63x80xi32, #tpu.memory_space<vmem>> -> memref<1x80xi32, #tpu.memory_space<vmem>>
        %dma_wait3A_157 = tpu.memref_squeeze %dma_wait3A_156 : memref<1x80xi32, #tpu.memory_space<vmem>> -> memref<80xi32, #tpu.memory_space<vmem>>
        %dma_wait3A_158 = arith.constant 0 : i32
        %dma_wait3A_159 = arith.constant 0 : i32
        %dma_wait3A_160 = tpu.memref_slice %arg6[%dma_wait3A_158, %dma_wait3A_159] : memref<10000x144xf32, #tpu.memory_space<vmem_shared>> -> memref<10000x144xf32, #tpu.memory_space<vmem_shared>>
        tpu.wait_indirect_dma semaphore(%run_scoped3A_148 : memref<!tpu.dma_semaphore, #tpu.memory_space<semaphore_mem>>) src(%arg7 : memref<80x144xf32, #tpu.memory_space<vmem>>) dst(%dma_wait3A_160 : memref<10000x144xf32, #tpu.memory_space<vmem_shared>>)
        tpu.yield
      }) : () -> ()
      %add3A_134 = arith.constant 1 : i32
      %add3A_135 = arith.addi %add3A_118, %add3A_134 : i32
      %dma_start3A_136 = arith.constant 0 : i32
      %dma_start3A_137 = tpu.memref_slice %arg12[%add3A_135, %dma_start3A_136] : memref<63x80xi32, #tpu.memory_space<vmem>> -> memref<1x80xi32, #tpu.memory_space<vmem>>
      %dma_start3A_138 = tpu.memref_squeeze %dma_start3A_137 : memref<1x80xi32, #tpu.memory_space<vmem>> -> memref<80xi32, #tpu.memory_space<vmem>>
      %dma_start3A_139 = arith.constant 0 : i32
      %dma_start3A_140 = arith.constant 0 : i32
      %dma_start3A_141 = tpu.memref_slice %arg2[%dma_start3A_139, %dma_start3A_140] : memref<10000x144xf32, #tpu.memory_space<hbm>> -> memref<10000x144xf32, #tpu.memory_space<hbm>>
      tpu.enqueue_indirect_dma source(%dma_start3A_141 : memref<10000x144xf32, #tpu.memory_space<hbm>>) target(%arg7 : memref<80x144xf32, #tpu.memory_space<vmem>>) offsets(%dma_start3A_138 : memref<80xi32, #tpu.memory_space<vmem>>) semaphore(%arg10 : memref<!tpu.dma_semaphore, #tpu.memory_space<semaphore_mem>>)
      %dma_wait3A_142 = arith.constant 0 : i32
      %dma_wait3A_143 = tpu.memref_slice %arg12[%add3A_118, %dma_wait3A_142] : memref<63x80xi32, #tpu.memory_space<vmem>> -> memref<1x80xi32, #tpu.memory_space<vmem>>
      %dma_wait3A_144 = tpu.memref_squeeze %dma_wait3A_143 : memref<1x80xi32, #tpu.memory_space<vmem>> -> memref<80xi32, #tpu.memory_space<vmem>>
      %dma_wait3A_145 = arith.constant 0 : i32
      %dma_wait3A_146 = arith.constant 0 : i32
      %dma_wait3A_147 = tpu.memref_slice %arg2[%dma_wait3A_145, %dma_wait3A_146] : memref<10000x144xf32, #tpu.memory_space<hbm>> -> memref<10000x144xf32, #tpu.memory_space<hbm>>
      tpu.wait_indirect_dma semaphore(%arg11 : memref<!tpu.dma_semaphore, #tpu.memory_space<semaphore_mem>>) src(%dma_wait3A_147 : memref<10000x144xf32, #tpu.memory_space<hbm>>) dst(%arg8 : memref<80x144xf32, #tpu.memory_space<vmem>>)
      "tpu.region"() ({
        %run_scoped3A_148 = tpu.sem_alloc : memref<!tpu.dma_semaphore, #tpu.memory_space<semaphore_mem>>
        %dma_start3A_149 = arith.constant 0 : i32
        %dma_start3A_150 = tpu.memref_slice %arg9[%add3A_118, %dma_start3A_149] : memref<63x80xi32, #tpu.memory_space<vmem>> -> memref<1x80xi32, #tpu.memory_space<vmem>>
        %dma_start3A_151 = tpu.memref_squeeze %dma_start3A_150 : memref<1x80xi32, #tpu.memory_space<vmem>> -> memref<80xi32, #tpu.memory_space<vmem>>
        %dma_start3A_152 = arith.constant 0 : i32
        %dma_start3A_153 = arith.constant 0 : i32
        %dma_start3A_154 = tpu.memref_slice %arg6[%dma_start3A_152, %dma_start3A_153] : memref<10000x144xf32, #tpu.memory_space<vmem_shared>> -> memref<10000x144xf32, #tpu.memory_space<vmem_shared>>
        tpu.enqueue_indirect_dma source(%arg8 : memref<80x144xf32, #tpu.memory_space<vmem>>) target(%dma_start3A_154 : memref<10000x144xf32, #tpu.memory_space<vmem_shared>>) offsets(%dma_start3A_151 : memref<80xi32, #tpu.memory_space<vmem>>) semaphore(%run_scoped3A_148 : memref<!tpu.dma_semaphore, #tpu.memory_space<semaphore_mem>>) {add = true}
        %dma_wait3A_155 = arith.constant 0 : i32
        %dma_wait3A_156 = tpu.memref_slice %arg9[%add3A_118, %dma_wait3A_155] : memref<63x80xi32, #tpu.memory_space<vmem>> -> memref<1x80xi32, #tpu.memory_space<vmem>>
        %dma_wait3A_157 = tpu.memref_squeeze %dma_wait3A_156 : memref<1x80xi32, #tpu.memory_space<vmem>> -> memref<80xi32, #tpu.memory_space<vmem>>
        %dma_wait3A_158 = arith.constant 0 : i32
        %dma_wait3A_159 = arith.constant 0 : i32
        %dma_wait3A_160 = tpu.memref_slice %arg6[%dma_wait3A_158, %dma_wait3A_159] : memref<10000x144xf32, #tpu.memory_space<vmem_shared>> -> memref<10000x144xf32, #tpu.memory_space<vmem_shared>>
        tpu.wait_indirect_dma semaphore(%run_scoped3A_148 : memref<!tpu.dma_semaphore, #tpu.memory_space<semaphore_mem>>) src(%arg8 : memref<80x144xf32, #tpu.memory_space<vmem>>) dst(%dma_wait3A_160 : memref<10000x144xf32, #tpu.memory_space<vmem_shared>>)
        tpu.yield
      }) : () -> ()
    }
    %scan3A_52 = arith.constant 30 : i32
    %dma_start3A_53 = arith.constant 61 : i32
    %dma_start3A_54 = arith.constant 0 : i32
    %dma_start3A_55 = tpu.memref_slice %arg12[%dma_start3A_53, %dma_start3A_54] : memref<63x80xi32, #tpu.memory_space<vmem>> -> memref<1x80xi32, #tpu.memory_space<vmem>>
    %dma_start3A_56 = tpu.memref_squeeze %dma_start3A_55 : memref<1x80xi32, #tpu.memory_space<vmem>> -> memref<80xi32, #tpu.memory_space<vmem>>
    %dma_start3A_57 = arith.constant 0 : i32
    %dma_start3A_58 = arith.constant 0 : i32
    %dma_start3A_59 = tpu.memref_slice %arg2[%dma_start3A_57, %dma_start3A_58] : memref<10000x144xf32, #tpu.memory_space<hbm>> -> memref<10000x144xf32, #tpu.memory_space<hbm>>
    tpu.enqueue_indirect_dma source(%dma_start3A_59 : memref<10000x144xf32, #tpu.memory_space<hbm>>) target(%arg8 : memref<80x144xf32, #tpu.memory_space<vmem>>) offsets(%dma_start3A_56 : memref<80xi32, #tpu.memory_space<vmem>>) semaphore(%arg11 : memref<!tpu.dma_semaphore, #tpu.memory_space<semaphore_mem>>)
    %dma_wait3A_60 = arith.constant 60 : i32
    %dma_wait3A_61 = arith.constant 0 : i32
    %dma_wait3A_62 = tpu.memref_slice %arg12[%dma_wait3A_60, %dma_wait3A_61] : memref<63x80xi32, #tpu.memory_space<vmem>> -> memref<1x80xi32, #tpu.memory_space<vmem>>
    %dma_wait3A_63 = tpu.memref_squeeze %dma_wait3A_62 : memref<1x80xi32, #tpu.memory_space<vmem>> -> memref<80xi32, #tpu.memory_space<vmem>>
    %dma_wait3A_64 = arith.constant 0 : i32
    %dma_wait3A_65 = arith.constant 0 : i32
    %dma_wait3A_66 = tpu.memref_slice %arg2[%dma_wait3A_64, %dma_wait3A_65] : memref<10000x144xf32, #tpu.memory_space<hbm>> -> memref<10000x144xf32, #tpu.memory_space<hbm>>
    tpu.wait_indirect_dma semaphore(%arg10 : memref<!tpu.dma_semaphore, #tpu.memory_space<semaphore_mem>>) src(%dma_wait3A_66 : memref<10000x144xf32, #tpu.memory_space<hbm>>) dst(%arg7 : memref<80x144xf32, #tpu.memory_space<vmem>>)
    %run_scoped3A_67 = arith.constant 60 : i32
    "tpu.region"() ({
      %run_scoped3A_114 = tpu.sem_alloc : memref<!tpu.dma_semaphore, #tpu.memory_space<semaphore_mem>>
      %dma_start3A_115 = arith.constant 0 : i32
      %dma_start3A_116 = tpu.memref_slice %arg9[%run_scoped3A_67, %dma_start3A_115] : memref<63x80xi32, #tpu.memory_space<vmem>> -> memref<1x80xi32, #tpu.memory_space<vmem>>
      %dma_start3A_117 = tpu.memref_squeeze %dma_start3A_116 : memref<1x80xi32, #tpu.memory_space<vmem>> -> memref<80xi32, #tpu.memory_space<vmem>>
      %dma_start3A_118 = arith.constant 0 : i32
      %dma_start3A_119 = arith.constant 0 : i32
      %dma_start3A_120 = tpu.memref_slice %arg6[%dma_start3A_118, %dma_start3A_119] : memref<10000x144xf32, #tpu.memory_space<vmem_shared>> -> memref<10000x144xf32, #tpu.memory_space<vmem_shared>>
      tpu.enqueue_indirect_dma source(%arg7 : memref<80x144xf32, #tpu.memory_space<vmem>>) target(%dma_start3A_120 : memref<10000x144xf32, #tpu.memory_space<vmem_shared>>) offsets(%dma_start3A_117 : memref<80xi32, #tpu.memory_space<vmem>>) semaphore(%run_scoped3A_114 : memref<!tpu.dma_semaphore, #tpu.memory_space<semaphore_mem>>) {add = true}
      %dma_wait3A_121 = arith.constant 0 : i32
      %dma_wait3A_122 = tpu.memref_slice %arg9[%run_scoped3A_67, %dma_wait3A_121] : memref<63x80xi32, #tpu.memory_space<vmem>> -> memref<1x80xi32, #tpu.memory_space<vmem>>
      %dma_wait3A_123 = tpu.memref_squeeze %dma_wait3A_122 : memref<1x80xi32, #tpu.memory_space<vmem>> -> memref<80xi32, #tpu.memory_space<vmem>>
      %dma_wait3A_124 = arith.constant 0 : i32
      %dma_wait3A_125 = arith.constant 0 : i32
      %dma_wait3A_126 = tpu.memref_slice %arg6[%dma_wait3A_124, %dma_wait3A_125] : memref<10000x144xf32, #tpu.memory_space<vmem_shared>> -> memref<10000x144xf32, #tpu.memory_space<vmem_shared>>
      tpu.wait_indirect_dma semaphore(%run_scoped3A_114 : memref<!tpu.dma_semaphore, #tpu.memory_space<semaphore_mem>>) src(%arg7 : memref<80x144xf32, #tpu.memory_space<vmem>>) dst(%dma_wait3A_126 : memref<10000x144xf32, #tpu.memory_space<vmem_shared>>)
      tpu.yield
    }) : () -> ()
    %dma_wait3A_68 = arith.constant 61 : i32
    %dma_wait3A_69 = arith.constant 0 : i32
    %dma_wait3A_70 = tpu.memref_slice %arg12[%dma_wait3A_68, %dma_wait3A_69] : memref<63x80xi32, #tpu.memory_space<vmem>> -> memref<1x80xi32, #tpu.memory_space<vmem>>
    %dma_wait3A_71 = tpu.memref_squeeze %dma_wait3A_70 : memref<1x80xi32, #tpu.memory_space<vmem>> -> memref<80xi32, #tpu.memory_space<vmem>>
    %dma_wait3A_72 = arith.constant 0 : i32
    %dma_wait3A_73 = arith.constant 0 : i32
    %dma_wait3A_74 = tpu.memref_slice %arg2[%dma_wait3A_72, %dma_wait3A_73] : memref<10000x144xf32, #tpu.memory_space<hbm>> -> memref<10000x144xf32, #tpu.memory_space<hbm>>
    tpu.wait_indirect_dma semaphore(%arg11 : memref<!tpu.dma_semaphore, #tpu.memory_space<semaphore_mem>>) src(%dma_wait3A_74 : memref<10000x144xf32, #tpu.memory_space<hbm>>) dst(%arg8 : memref<80x144xf32, #tpu.memory_space<vmem>>)
    %run_scoped3A_75 = arith.constant 61 : i32
    "tpu.region"() ({
      %run_scoped3A_114 = tpu.sem_alloc : memref<!tpu.dma_semaphore, #tpu.memory_space<semaphore_mem>>
      %dma_start3A_115 = arith.constant 0 : i32
      %dma_start3A_116 = tpu.memref_slice %arg9[%run_scoped3A_75, %dma_start3A_115] : memref<63x80xi32, #tpu.memory_space<vmem>> -> memref<1x80xi32, #tpu.memory_space<vmem>>
      %dma_start3A_117 = tpu.memref_squeeze %dma_start3A_116 : memref<1x80xi32, #tpu.memory_space<vmem>> -> memref<80xi32, #tpu.memory_space<vmem>>
      %dma_start3A_118 = arith.constant 0 : i32
      %dma_start3A_119 = arith.constant 0 : i32
      %dma_start3A_120 = tpu.memref_slice %arg6[%dma_start3A_118, %dma_start3A_119] : memref<10000x144xf32, #tpu.memory_space<vmem_shared>> -> memref<10000x144xf32, #tpu.memory_space<vmem_shared>>
      tpu.enqueue_indirect_dma source(%arg8 : memref<80x144xf32, #tpu.memory_space<vmem>>) target(%dma_start3A_120 : memref<10000x144xf32, #tpu.memory_space<vmem_shared>>) offsets(%dma_start3A_117 : memref<80xi32, #tpu.memory_space<vmem>>) semaphore(%run_scoped3A_114 : memref<!tpu.dma_semaphore, #tpu.memory_space<semaphore_mem>>) {add = true}
      %dma_wait3A_121 = arith.constant 0 : i32
      %dma_wait3A_122 = tpu.memref_slice %arg9[%run_scoped3A_75, %dma_wait3A_121] : memref<63x80xi32, #tpu.memory_space<vmem>> -> memref<1x80xi32, #tpu.memory_space<vmem>>
      %dma_wait3A_123 = tpu.memref_squeeze %dma_wait3A_122 : memref<1x80xi32, #tpu.memory_space<vmem>> -> memref<80xi32, #tpu.memory_space<vmem>>
      %dma_wait3A_124 = arith.constant 0 : i32
      %dma_wait3A_125 = arith.constant 0 : i32
      %dma_wait3A_126 = tpu.memref_slice %arg6[%dma_wait3A_124, %dma_wait3A_125] : memref<10000x144xf32, #tpu.memory_space<vmem_shared>> -> memref<10000x144xf32, #tpu.memory_space<vmem_shared>>
      tpu.wait_indirect_dma semaphore(%run_scoped3A_114 : memref<!tpu.dma_semaphore, #tpu.memory_space<semaphore_mem>>) src(%arg8 : memref<80x144xf32, #tpu.memory_space<vmem>>) dst(%dma_wait3A_126 : memref<10000x144xf32, #tpu.memory_space<vmem_shared>>)
      tpu.yield
    }) : () -> ()
    %barrier3A_76 = arith.constant 0 : index
    tpu.barrier barrier_id(%barrier3A_76)
    %mul3A_77 = arith.constant 625 : i32
    %mul3A_78 = arith.muli %arg1, %mul3A_77 : i32
    %mul3A_79 = arith.constant 10000 : i32
    %mul3A_80 = arith.muli %arg0, %mul3A_79 : i32
    %add3A_81 = arith.addi %mul3A_80, %mul3A_78 : i32
    %add3A_82 = arith.constant 0 : i32
    %add3A_83 = arith.addi %mul3A_78, %add3A_82 : i32
    "tpu.region"() ({
      %run_scoped3A_114 = tpu.sem_alloc : memref<!tpu.dma_semaphore, #tpu.memory_space<semaphore_mem>>
      %dma_start3A_115 = arith.constant 0 : i32
      %dma_start3A_116 = tpu.memref_slice %arg6[%add3A_83, %dma_start3A_115] : memref<10000x144xf32, #tpu.memory_space<vmem_shared>> -> memref<80x144xf32, #tpu.memory_space<vmem_shared>>
      %dma_start3A_117 = arith.constant 0 : i32
      %dma_start3A_118 = tpu.memref_slice %arg6[%add3A_83, %dma_start3A_117] : memref<10000x144xf32, #tpu.memory_space<vmem_shared>> -> memref<80x144xf32, #tpu.memory_space<vmem_shared>>
      tpu.enqueue_dma source(%dma_start3A_118 : memref<80x144xf32, #tpu.memory_space<vmem_shared>>) target(%arg7 : memref<80x144xf32, #tpu.memory_space<vmem>>) target_semaphore(%run_scoped3A_114 : memref<!tpu.dma_semaphore, #tpu.memory_space<semaphore_mem>>)
      %dma_wait3A_119 = arith.constant 0 : i32
      %dma_wait3A_120 = tpu.memref_slice %arg6[%add3A_83, %dma_wait3A_119] : memref<10000x144xf32, #tpu.memory_space<vmem_shared>> -> memref<80x144xf32, #tpu.memory_space<vmem_shared>>
      %dma_wait3A_121 = arith.constant 0 : i32
      %dma_wait3A_122 = tpu.memref_slice %arg6[%add3A_83, %dma_wait3A_121] : memref<10000x144xf32, #tpu.memory_space<vmem_shared>> -> memref<80x144xf32, #tpu.memory_space<vmem_shared>>
      tpu.wait_dma2 semaphore(%run_scoped3A_114 : memref<!tpu.dma_semaphore, #tpu.memory_space<semaphore_mem>>) src(%dma_wait3A_122 : memref<80x144xf32, #tpu.memory_space<vmem_shared>>) dst(%arg7 : memref<80x144xf32, #tpu.memory_space<vmem>>)
      tpu.yield
    }) : () -> ()
    %add3A_84 = arith.constant 0 : i32
    %add3A_85 = arith.addi %add3A_81, %add3A_84 : i32
    "tpu.region"() ({
      %run_scoped3A_114 = tpu.sem_alloc : memref<!tpu.dma_semaphore, #tpu.memory_space<semaphore_mem>>
      %dma_start3A_115 = arith.constant 0 : i32
      %dma_start3A_116 = tpu.memref_slice %arg5[%add3A_85, %dma_start3A_115] : memref<20000x144xf32, #tpu.memory_space<hbm>> -> memref<80x144xf32, #tpu.memory_space<hbm>>
      %dma_start3A_117 = arith.constant 0 : i32
      %dma_start3A_118 = tpu.memref_slice %arg5[%add3A_85, %dma_start3A_117] : memref<20000x144xf32, #tpu.memory_space<hbm>> -> memref<80x144xf32, #tpu.memory_space<hbm>>
      tpu.enqueue_dma source(%arg7 : memref<80x144xf32, #tpu.memory_space<vmem>>) target(%dma_start3A_118 : memref<80x144xf32, #tpu.memory_space<hbm>>) target_semaphore(%run_scoped3A_114 : memref<!tpu.dma_semaphore, #tpu.memory_space<semaphore_mem>>)
      %dma_wait3A_119 = arith.constant 0 : i32
      %dma_wait3A_120 = tpu.memref_slice %arg5[%add3A_85, %dma_wait3A_119] : memref<20000x144xf32, #tpu.memory_space<hbm>> -> memref<80x144xf32, #tpu.memory_space<hbm>>
      %dma_wait3A_121 = arith.constant 0 : i32
      %dma_wait3A_122 = tpu.memref_slice %arg5[%add3A_85, %dma_wait3A_121] : memref<20000x144xf32, #tpu.memory_space<hbm>> -> memref<80x144xf32, #tpu.memory_space<hbm>>
      tpu.wait_dma2 semaphore(%run_scoped3A_114 : memref<!tpu.dma_semaphore, #tpu.memory_space<semaphore_mem>>) src(%arg7 : memref<80x144xf32, #tpu.memory_space<vmem>>) dst(%dma_wait3A_122 : memref<80x144xf32, #tpu.memory_space<hbm>>)
      tpu.yield
    }) : () -> ()
    %add3A_86 = arith.constant 80 : i32
    %add3A_87 = arith.addi %mul3A_78, %add3A_86 : i32
    "tpu.region"() ({
      %run_scoped3A_114 = tpu.sem_alloc : memref<!tpu.dma_semaphore, #tpu.memory_space<semaphore_mem>>
      %dma_start3A_115 = arith.constant 0 : i32
      %dma_start3A_116 = tpu.memref_slice %arg6[%add3A_87, %dma_start3A_115] : memref<10000x144xf32, #tpu.memory_space<vmem_shared>> -> memref<80x144xf32, #tpu.memory_space<vmem_shared>>
      %dma_start3A_117 = arith.constant 0 : i32
      %dma_start3A_118 = tpu.memref_slice %arg6[%add3A_87, %dma_start3A_117] : memref<10000x144xf32, #tpu.memory_space<vmem_shared>> -> memref<80x144xf32, #tpu.memory_space<vmem_shared>>
      tpu.enqueue_dma source(%dma_start3A_118 : memref<80x144xf32, #tpu.memory_space<vmem_shared>>) target(%arg7 : memref<80x144xf32, #tpu.memory_space<vmem>>) target_semaphore(%run_scoped3A_114 : memref<!tpu.dma_semaphore, #tpu.memory_space<semaphore_mem>>)
      %dma_wait3A_119 = arith.constant 0 : i32
      %dma_wait3A_120 = tpu.memref_slice %arg6[%add3A_87, %dma_wait3A_119] : memref<10000x144xf32, #tpu.memory_space<vmem_shared>> -> memref<80x144xf32, #tpu.memory_space<vmem_shared>>
      %dma_wait3A_121 = arith.constant 0 : i32
      %dma_wait3A_122 = tpu.memref_slice %arg6[%add3A_87, %dma_wait3A_121] : memref<10000x144xf32, #tpu.memory_space<vmem_shared>> -> memref<80x144xf32, #tpu.memory_space<vmem_shared>>
      tpu.wait_dma2 semaphore(%run_scoped3A_114 : memref<!tpu.dma_semaphore, #tpu.memory_space<semaphore_mem>>) src(%dma_wait3A_122 : memref<80x144xf32, #tpu.memory_space<vmem_shared>>) dst(%arg7 : memref<80x144xf32, #tpu.memory_space<vmem>>)
      tpu.yield
    }) : () -> ()
    %add3A_88 = arith.constant 80 : i32
    %add3A_89 = arith.addi %add3A_81, %add3A_88 : i32
    "tpu.region"() ({
      %run_scoped3A_114 = tpu.sem_alloc : memref<!tpu.dma_semaphore, #tpu.memory_space<semaphore_mem>>
      %dma_start3A_115 = arith.constant 0 : i32
      %dma_start3A_116 = tpu.memref_slice %arg5[%add3A_89, %dma_start3A_115] : memref<20000x144xf32, #tpu.memory_space<hbm>> -> memref<80x144xf32, #tpu.memory_space<hbm>>
      %dma_start3A_117 = arith.constant 0 : i32
      %dma_start3A_118 = tpu.memref_slice %arg5[%add3A_89, %dma_start3A_117] : memref<20000x144xf32, #tpu.memory_space<hbm>> -> memref<80x144xf32, #tpu.memory_space<hbm>>
      tpu.enqueue_dma source(%arg7 : memref<80x144xf32, #tpu.memory_space<vmem>>) target(%dma_start3A_118 : memref<80x144xf32, #tpu.memory_space<hbm>>) target_semaphore(%run_scoped3A_114 : memref<!tpu.dma_semaphore, #tpu.memory_space<semaphore_mem>>)
      %dma_wait3A_119 = arith.constant 0 : i32
      %dma_wait3A_120 = tpu.memref_slice %arg5[%add3A_89, %dma_wait3A_119] : memref<20000x144xf32, #tpu.memory_space<hbm>> -> memref<80x144xf32, #tpu.memory_space<hbm>>
      %dma_wait3A_121 = arith.constant 0 : i32
      %dma_wait3A_122 = tpu.memref_slice %arg5[%add3A_89, %dma_wait3A_121] : memref<20000x144xf32, #tpu.memory_space<hbm>> -> memref<80x144xf32, #tpu.memory_space<hbm>>
      tpu.wait_dma2 semaphore(%run_scoped3A_114 : memref<!tpu.dma_semaphore, #tpu.memory_space<semaphore_mem>>) src(%arg7 : memref<80x144xf32, #tpu.memory_space<vmem>>) dst(%dma_wait3A_122 : memref<80x144xf32, #tpu.memory_space<hbm>>)
      tpu.yield
    }) : () -> ()
    %add3A_90 = arith.constant 160 : i32
    %add3A_91 = arith.addi %mul3A_78, %add3A_90 : i32
    "tpu.region"() ({
      %run_scoped3A_114 = tpu.sem_alloc : memref<!tpu.dma_semaphore, #tpu.memory_space<semaphore_mem>>
      %dma_start3A_115 = arith.constant 0 : i32
      %dma_start3A_116 = tpu.memref_slice %arg6[%add3A_91, %dma_start3A_115] : memref<10000x144xf32, #tpu.memory_space<vmem_shared>> -> memref<80x144xf32, #tpu.memory_space<vmem_shared>>
      %dma_start3A_117 = arith.constant 0 : i32
      %dma_start3A_118 = tpu.memref_slice %arg6[%add3A_91, %dma_start3A_117] : memref<10000x144xf32, #tpu.memory_space<vmem_shared>> -> memref<80x144xf32, #tpu.memory_space<vmem_shared>>
      tpu.enqueue_dma source(%dma_start3A_118 : memref<80x144xf32, #tpu.memory_space<vmem_shared>>) target(%arg7 : memref<80x144xf32, #tpu.memory_space<vmem>>) target_semaphore(%run_scoped3A_114 : memref<!tpu.dma_semaphore, #tpu.memory_space<semaphore_mem>>)
      %dma_wait3A_119 = arith.constant 0 : i32
      %dma_wait3A_120 = tpu.memref_slice %arg6[%add3A_91, %dma_wait3A_119] : memref<10000x144xf32, #tpu.memory_space<vmem_shared>> -> memref<80x144xf32, #tpu.memory_space<vmem_shared>>
      %dma_wait3A_121 = arith.constant 0 : i32
      %dma_wait3A_122 = tpu.memref_slice %arg6[%add3A_91, %dma_wait3A_121] : memref<10000x144xf32, #tpu.memory_space<vmem_shared>> -> memref<80x144xf32, #tpu.memory_space<vmem_shared>>
      tpu.wait_dma2 semaphore(%run_scoped3A_114 : memref<!tpu.dma_semaphore, #tpu.memory_space<semaphore_mem>>) src(%dma_wait3A_122 : memref<80x144xf32, #tpu.memory_space<vmem_shared>>) dst(%arg7 : memref<80x144xf32, #tpu.memory_space<vmem>>)
      tpu.yield
    }) : () -> ()
    %add3A_92 = arith.constant 160 : i32
    %add3A_93 = arith.addi %add3A_81, %add3A_92 : i32
    "tpu.region"() ({
      %run_scoped3A_114 = tpu.sem_alloc : memref<!tpu.dma_semaphore, #tpu.memory_space<semaphore_mem>>
      %dma_start3A_115 = arith.constant 0 : i32
      %dma_start3A_116 = tpu.memref_slice %arg5[%add3A_93, %dma_start3A_115] : memref<20000x144xf32, #tpu.memory_space<hbm>> -> memref<80x144xf32, #tpu.memory_space<hbm>>
      %dma_start3A_117 = arith.constant 0 : i32
      %dma_start3A_118 = tpu.memref_slice %arg5[%add3A_93, %dma_start3A_117] : memref<20000x144xf32, #tpu.memory_space<hbm>> -> memref<80x144xf32, #tpu.memory_space<hbm>>
      tpu.enqueue_dma source(%arg7 : memref<80x144xf32, #tpu.memory_space<vmem>>) target(%dma_start3A_118 : memref<80x144xf32, #tpu.memory_space<hbm>>) target_semaphore(%run_scoped3A_114 : memref<!tpu.dma_semaphore, #tpu.memory_space<semaphore_mem>>)
      %dma_wait3A_119 = arith.constant 0 : i32
      %dma_wait3A_120 = tpu.memref_slice %arg5[%add3A_93, %dma_wait3A_119] : memref<20000x144xf32, #tpu.memory_space<hbm>> -> memref<80x144xf32, #tpu.memory_space<hbm>>
      %dma_wait3A_121 = arith.constant 0 : i32
      %dma_wait3A_122 = tpu.memref_slice %arg5[%add3A_93, %dma_wait3A_121] : memref<20000x144xf32, #tpu.memory_space<hbm>> -> memref<80x144xf32, #tpu.memory_space<hbm>>
      tpu.wait_dma2 semaphore(%run_scoped3A_114 : memref<!tpu.dma_semaphore, #tpu.memory_space<semaphore_mem>>) src(%arg7 : memref<80x144xf32, #tpu.memory_space<vmem>>) dst(%dma_wait3A_122 : memref<80x144xf32, #tpu.memory_space<hbm>>)
      tpu.yield
    }) : () -> ()
    %add3A_94 = arith.constant 240 : i32
    %add3A_95 = arith.addi %mul3A_78, %add3A_94 : i32
    "tpu.region"() ({
      %run_scoped3A_114 = tpu.sem_alloc : memref<!tpu.dma_semaphore, #tpu.memory_space<semaphore_mem>>
      %dma_start3A_115 = arith.constant 0 : i32
      %dma_start3A_116 = tpu.memref_slice %arg6[%add3A_95, %dma_start3A_115] : memref<10000x144xf32, #tpu.memory_space<vmem_shared>> -> memref<80x144xf32, #tpu.memory_space<vmem_shared>>
      %dma_start3A_117 = arith.constant 0 : i32
      %dma_start3A_118 = tpu.memref_slice %arg6[%add3A_95, %dma_start3A_117] : memref<10000x144xf32, #tpu.memory_space<vmem_shared>> -> memref<80x144xf32, #tpu.memory_space<vmem_shared>>
      tpu.enqueue_dma source(%dma_start3A_118 : memref<80x144xf32, #tpu.memory_space<vmem_shared>>) target(%arg7 : memref<80x144xf32, #tpu.memory_space<vmem>>) target_semaphore(%run_scoped3A_114 : memref<!tpu.dma_semaphore, #tpu.memory_space<semaphore_mem>>)
      %dma_wait3A_119 = arith.constant 0 : i32
      %dma_wait3A_120 = tpu.memref_slice %arg6[%add3A_95, %dma_wait3A_119] : memref<10000x144xf32, #tpu.memory_space<vmem_shared>> -> memref<80x144xf32, #tpu.memory_space<vmem_shared>>
      %dma_wait3A_121 = arith.constant 0 : i32
      %dma_wait3A_122 = tpu.memref_slice %arg6[%add3A_95, %dma_wait3A_121] : memref<10000x144xf32, #tpu.memory_space<vmem_shared>> -> memref<80x144xf32, #tpu.memory_space<vmem_shared>>
      tpu.wait_dma2 semaphore(%run_scoped3A_114 : memref<!tpu.dma_semaphore, #tpu.memory_space<semaphore_mem>>) src(%dma_wait3A_122 : memref<80x144xf32, #tpu.memory_space<vmem_shared>>) dst(%arg7 : memref<80x144xf32, #tpu.memory_space<vmem>>)
      tpu.yield
    }) : () -> ()
    %add3A_96 = arith.constant 240 : i32
    %add3A_97 = arith.addi %add3A_81, %add3A_96 : i32
    "tpu.region"() ({
      %run_scoped3A_114 = tpu.sem_alloc : memref<!tpu.dma_semaphore, #tpu.memory_space<semaphore_mem>>
      %dma_start3A_115 = arith.constant 0 : i32
      %dma_start3A_116 = tpu.memref_slice %arg5[%add3A_97, %dma_start3A_115] : memref<20000x144xf32, #tpu.memory_space<hbm>> -> memref<80x144xf32, #tpu.memory_space<hbm>>
      %dma_start3A_117 = arith.constant 0 : i32
      %dma_start3A_118 = tpu.memref_slice %arg5[%add3A_97, %dma_start3A_117] : memref<20000x144xf32, #tpu.memory_space<hbm>> -> memref<80x144xf32, #tpu.memory_space<hbm>>
      tpu.enqueue_dma source(%arg7 : memref<80x144xf32, #tpu.memory_space<vmem>>) target(%dma_start3A_118 : memref<80x144xf32, #tpu.memory_space<hbm>>) target_semaphore(%run_scoped3A_114 : memref<!tpu.dma_semaphore, #tpu.memory_space<semaphore_mem>>)
      %dma_wait3A_119 = arith.constant 0 : i32
      %dma_wait3A_120 = tpu.memref_slice %arg5[%add3A_97, %dma_wait3A_119] : memref<20000x144xf32, #tpu.memory_space<hbm>> -> memref<80x144xf32, #tpu.memory_space<hbm>>
      %dma_wait3A_121 = arith.constant 0 : i32
      %dma_wait3A_122 = tpu.memref_slice %arg5[%add3A_97, %dma_wait3A_121] : memref<20000x144xf32, #tpu.memory_space<hbm>> -> memref<80x144xf32, #tpu.memory_space<hbm>>
      tpu.wait_dma2 semaphore(%run_scoped3A_114 : memref<!tpu.dma_semaphore, #tpu.memory_space<semaphore_mem>>) src(%arg7 : memref<80x144xf32, #tpu.memory_space<vmem>>) dst(%dma_wait3A_122 : memref<80x144xf32, #tpu.memory_space<hbm>>)
      tpu.yield
    }) : () -> ()
    %add3A_98 = arith.constant 320 : i32
    %add3A_99 = arith.addi %mul3A_78, %add3A_98 : i32
    "tpu.region"() ({
      %run_scoped3A_114 = tpu.sem_alloc : memref<!tpu.dma_semaphore, #tpu.memory_space<semaphore_mem>>
      %dma_start3A_115 = arith.constant 0 : i32
      %dma_start3A_116 = tpu.memref_slice %arg6[%add3A_99, %dma_start3A_115] : memref<10000x144xf32, #tpu.memory_space<vmem_shared>> -> memref<80x144xf32, #tpu.memory_space<vmem_shared>>
      %dma_start3A_117 = arith.constant 0 : i32
      %dma_start3A_118 = tpu.memref_slice %arg6[%add3A_99, %dma_start3A_117] : memref<10000x144xf32, #tpu.memory_space<vmem_shared>> -> memref<80x144xf32, #tpu.memory_space<vmem_shared>>
      tpu.enqueue_dma source(%dma_start3A_118 : memref<80x144xf32, #tpu.memory_space<vmem_shared>>) target(%arg7 : memref<80x144xf32, #tpu.memory_space<vmem>>) target_semaphore(%run_scoped3A_114 : memref<!tpu.dma_semaphore, #tpu.memory_space<semaphore_mem>>)
      %dma_wait3A_119 = arith.constant 0 : i32
      %dma_wait3A_120 = tpu.memref_slice %arg6[%add3A_99, %dma_wait3A_119] : memref<10000x144xf32, #tpu.memory_space<vmem_shared>> -> memref<80x144xf32, #tpu.memory_space<vmem_shared>>
      %dma_wait3A_121 = arith.constant 0 : i32
      %dma_wait3A_122 = tpu.memref_slice %arg6[%add3A_99, %dma_wait3A_121] : memref<10000x144xf32, #tpu.memory_space<vmem_shared>> -> memref<80x144xf32, #tpu.memory_space<vmem_shared>>
      tpu.wait_dma2 semaphore(%run_scoped3A_114 : memref<!tpu.dma_semaphore, #tpu.memory_space<semaphore_mem>>) src(%dma_wait3A_122 : memref<80x144xf32, #tpu.memory_space<vmem_shared>>) dst(%arg7 : memref<80x144xf32, #tpu.memory_space<vmem>>)
      tpu.yield
    }) : () -> ()
    %add3A_100 = arith.constant 320 : i32
    %add3A_101 = arith.addi %add3A_81, %add3A_100 : i32
    "tpu.region"() ({
      %run_scoped3A_114 = tpu.sem_alloc : memref<!tpu.dma_semaphore, #tpu.memory_space<semaphore_mem>>
      %dma_start3A_115 = arith.constant 0 : i32
      %dma_start3A_116 = tpu.memref_slice %arg5[%add3A_101, %dma_start3A_115] : memref<20000x144xf32, #tpu.memory_space<hbm>> -> memref<80x144xf32, #tpu.memory_space<hbm>>
      %dma_start3A_117 = arith.constant 0 : i32
      %dma_start3A_118 = tpu.memref_slice %arg5[%add3A_101, %dma_start3A_117] : memref<20000x144xf32, #tpu.memory_space<hbm>> -> memref<80x144xf32, #tpu.memory_space<hbm>>
      tpu.enqueue_dma source(%arg7 : memref<80x144xf32, #tpu.memory_space<vmem>>) target(%dma_start3A_118 : memref<80x144xf32, #tpu.memory_space<hbm>>) target_semaphore(%run_scoped3A_114 : memref<!tpu.dma_semaphore, #tpu.memory_space<semaphore_mem>>)
      %dma_wait3A_119 = arith.constant 0 : i32
      %dma_wait3A_120 = tpu.memref_slice %arg5[%add3A_101, %dma_wait3A_119] : memref<20000x144xf32, #tpu.memory_space<hbm>> -> memref<80x144xf32, #tpu.memory_space<hbm>>
      %dma_wait3A_121 = arith.constant 0 : i32
      %dma_wait3A_122 = tpu.memref_slice %arg5[%add3A_101, %dma_wait3A_121] : memref<20000x144xf32, #tpu.memory_space<hbm>> -> memref<80x144xf32, #tpu.memory_space<hbm>>
      tpu.wait_dma2 semaphore(%run_scoped3A_114 : memref<!tpu.dma_semaphore, #tpu.memory_space<semaphore_mem>>) src(%arg7 : memref<80x144xf32, #tpu.memory_space<vmem>>) dst(%dma_wait3A_122 : memref<80x144xf32, #tpu.memory_space<hbm>>)
      tpu.yield
    }) : () -> ()
    %add3A_102 = arith.constant 400 : i32
    %add3A_103 = arith.addi %mul3A_78, %add3A_102 : i32
    "tpu.region"() ({
      %run_scoped3A_114 = tpu.sem_alloc : memref<!tpu.dma_semaphore, #tpu.memory_space<semaphore_mem>>
      %dma_start3A_115 = arith.constant 0 : i32
      %dma_start3A_116 = tpu.memref_slice %arg6[%add3A_103, %dma_start3A_115] : memref<10000x144xf32, #tpu.memory_space<vmem_shared>> -> memref<80x144xf32, #tpu.memory_space<vmem_shared>>
      %dma_start3A_117 = arith.constant 0 : i32
      %dma_start3A_118 = tpu.memref_slice %arg6[%add3A_103, %dma_start3A_117] : memref<10000x144xf32, #tpu.memory_space<vmem_shared>> -> memref<80x144xf32, #tpu.memory_space<vmem_shared>>
      tpu.enqueue_dma source(%dma_start3A_118 : memref<80x144xf32, #tpu.memory_space<vmem_shared>>) target(%arg7 : memref<80x144xf32, #tpu.memory_space<vmem>>) target_semaphore(%run_scoped3A_114 : memref<!tpu.dma_semaphore, #tpu.memory_space<semaphore_mem>>)
      %dma_wait3A_119 = arith.constant 0 : i32
      %dma_wait3A_120 = tpu.memref_slice %arg6[%add3A_103, %dma_wait3A_119] : memref<10000x144xf32, #tpu.memory_space<vmem_shared>> -> memref<80x144xf32, #tpu.memory_space<vmem_shared>>
      %dma_wait3A_121 = arith.constant 0 : i32
      %dma_wait3A_122 = tpu.memref_slice %arg6[%add3A_103, %dma_wait3A_121] : memref<10000x144xf32, #tpu.memory_space<vmem_shared>> -> memref<80x144xf32, #tpu.memory_space<vmem_shared>>
      tpu.wait_dma2 semaphore(%run_scoped3A_114 : memref<!tpu.dma_semaphore, #tpu.memory_space<semaphore_mem>>) src(%dma_wait3A_122 : memref<80x144xf32, #tpu.memory_space<vmem_shared>>) dst(%arg7 : memref<80x144xf32, #tpu.memory_space<vmem>>)
      tpu.yield
    }) : () -> ()
    %add3A_104 = arith.constant 400 : i32
    %add3A_105 = arith.addi %add3A_81, %add3A_104 : i32
    "tpu.region"() ({
      %run_scoped3A_114 = tpu.sem_alloc : memref<!tpu.dma_semaphore, #tpu.memory_space<semaphore_mem>>
      %dma_start3A_115 = arith.constant 0 : i32
      %dma_start3A_116 = tpu.memref_slice %arg5[%add3A_105, %dma_start3A_115] : memref<20000x144xf32, #tpu.memory_space<hbm>> -> memref<80x144xf32, #tpu.memory_space<hbm>>
      %dma_start3A_117 = arith.constant 0 : i32
      %dma_start3A_118 = tpu.memref_slice %arg5[%add3A_105, %dma_start3A_117] : memref<20000x144xf32, #tpu.memory_space<hbm>> -> memref<80x144xf32, #tpu.memory_space<hbm>>
      tpu.enqueue_dma source(%arg7 : memref<80x144xf32, #tpu.memory_space<vmem>>) target(%dma_start3A_118 : memref<80x144xf32, #tpu.memory_space<hbm>>) target_semaphore(%run_scoped3A_114 : memref<!tpu.dma_semaphore, #tpu.memory_space<semaphore_mem>>)
      %dma_wait3A_119 = arith.constant 0 : i32
      %dma_wait3A_120 = tpu.memref_slice %arg5[%add3A_105, %dma_wait3A_119] : memref<20000x144xf32, #tpu.memory_space<hbm>> -> memref<80x144xf32, #tpu.memory_space<hbm>>
      %dma_wait3A_121 = arith.constant 0 : i32
      %dma_wait3A_122 = tpu.memref_slice %arg5[%add3A_105, %dma_wait3A_121] : memref<20000x144xf32, #tpu.memory_space<hbm>> -> memref<80x144xf32, #tpu.memory_space<hbm>>
      tpu.wait_dma2 semaphore(%run_scoped3A_114 : memref<!tpu.dma_semaphore, #tpu.memory_space<semaphore_mem>>) src(%arg7 : memref<80x144xf32, #tpu.memory_space<vmem>>) dst(%dma_wait3A_122 : memref<80x144xf32, #tpu.memory_space<hbm>>)
      tpu.yield
    }) : () -> ()
    %add3A_106 = arith.constant 480 : i32
    %add3A_107 = arith.addi %mul3A_78, %add3A_106 : i32
    "tpu.region"() ({
      %run_scoped3A_114 = tpu.sem_alloc : memref<!tpu.dma_semaphore, #tpu.memory_space<semaphore_mem>>
      %dma_start3A_115 = arith.constant 0 : i32
      %dma_start3A_116 = tpu.memref_slice %arg6[%add3A_107, %dma_start3A_115] : memref<10000x144xf32, #tpu.memory_space<vmem_shared>> -> memref<80x144xf32, #tpu.memory_space<vmem_shared>>
      %dma_start3A_117 = arith.constant 0 : i32
      %dma_start3A_118 = tpu.memref_slice %arg6[%add3A_107, %dma_start3A_117] : memref<10000x144xf32, #tpu.memory_space<vmem_shared>> -> memref<80x144xf32, #tpu.memory_space<vmem_shared>>
      tpu.enqueue_dma source(%dma_start3A_118 : memref<80x144xf32, #tpu.memory_space<vmem_shared>>) target(%arg7 : memref<80x144xf32, #tpu.memory_space<vmem>>) target_semaphore(%run_scoped3A_114 : memref<!tpu.dma_semaphore, #tpu.memory_space<semaphore_mem>>)
      %dma_wait3A_119 = arith.constant 0 : i32
      %dma_wait3A_120 = tpu.memref_slice %arg6[%add3A_107, %dma_wait3A_119] : memref<10000x144xf32, #tpu.memory_space<vmem_shared>> -> memref<80x144xf32, #tpu.memory_space<vmem_shared>>
      %dma_wait3A_121 = arith.constant 0 : i32
      %dma_wait3A_122 = tpu.memref_slice %arg6[%add3A_107, %dma_wait3A_121] : memref<10000x144xf32, #tpu.memory_space<vmem_shared>> -> memref<80x144xf32, #tpu.memory_space<vmem_shared>>
      tpu.wait_dma2 semaphore(%run_scoped3A_114 : memref<!tpu.dma_semaphore, #tpu.memory_space<semaphore_mem>>) src(%dma_wait3A_122 : memref<80x144xf32, #tpu.memory_space<vmem_shared>>) dst(%arg7 : memref<80x144xf32, #tpu.memory_space<vmem>>)
      tpu.yield
    }) : () -> ()
    %add3A_108 = arith.constant 480 : i32
    %add3A_109 = arith.addi %add3A_81, %add3A_108 : i32
    "tpu.region"() ({
      %run_scoped3A_114 = tpu.sem_alloc : memref<!tpu.dma_semaphore, #tpu.memory_space<semaphore_mem>>
      %dma_start3A_115 = arith.constant 0 : i32
      %dma_start3A_116 = tpu.memref_slice %arg5[%add3A_109, %dma_start3A_115] : memref<20000x144xf32, #tpu.memory_space<hbm>> -> memref<80x144xf32, #tpu.memory_space<hbm>>
      %dma_start3A_117 = arith.constant 0 : i32
      %dma_start3A_118 = tpu.memref_slice %arg5[%add3A_109, %dma_start3A_117] : memref<20000x144xf32, #tpu.memory_space<hbm>> -> memref<80x144xf32, #tpu.memory_space<hbm>>
      tpu.enqueue_dma source(%arg7 : memref<80x144xf32, #tpu.memory_space<vmem>>) target(%dma_start3A_118 : memref<80x144xf32, #tpu.memory_space<hbm>>) target_semaphore(%run_scoped3A_114 : memref<!tpu.dma_semaphore, #tpu.memory_space<semaphore_mem>>)
      %dma_wait3A_119 = arith.constant 0 : i32
      %dma_wait3A_120 = tpu.memref_slice %arg5[%add3A_109, %dma_wait3A_119] : memref<20000x144xf32, #tpu.memory_space<hbm>> -> memref<80x144xf32, #tpu.memory_space<hbm>>
      %dma_wait3A_121 = arith.constant 0 : i32
      %dma_wait3A_122 = tpu.memref_slice %arg5[%add3A_109, %dma_wait3A_121] : memref<20000x144xf32, #tpu.memory_space<hbm>> -> memref<80x144xf32, #tpu.memory_space<hbm>>
      tpu.wait_dma2 semaphore(%run_scoped3A_114 : memref<!tpu.dma_semaphore, #tpu.memory_space<semaphore_mem>>) src(%arg7 : memref<80x144xf32, #tpu.memory_space<vmem>>) dst(%dma_wait3A_122 : memref<80x144xf32, #tpu.memory_space<hbm>>)
      tpu.yield
    }) : () -> ()
    %add3A_110 = arith.constant 560 : i32
    %add3A_111 = arith.addi %mul3A_78, %add3A_110 : i32
    "tpu.region"() ({
      %run_scoped3A_114 = tpu.sem_alloc : memref<!tpu.dma_semaphore, #tpu.memory_space<semaphore_mem>>
      %dma_start3A_115 = arith.constant 0 : i32
      %dma_start3A_116 = arith.constant 0 : i32
      %dma_start3A_117 = tpu.memref_slice %arg8[%dma_start3A_115, %dma_start3A_116] : memref<80x144xf32, #tpu.memory_space<vmem>> -> memref<65x144xf32, #tpu.memory_space<vmem>>
      %dma_start3A_118 = arith.constant 0 : i32
      %dma_start3A_119 = tpu.memref_slice %arg6[%add3A_111, %dma_start3A_118] : memref<10000x144xf32, #tpu.memory_space<vmem_shared>> -> memref<65x144xf32, #tpu.memory_space<vmem_shared>>
      %dma_start3A_120 = arith.constant 0 : i32
      %dma_start3A_121 = arith.constant 0 : i32
      %dma_start3A_122 = tpu.memref_slice %arg8[%dma_start3A_120, %dma_start3A_121] : memref<80x144xf32, #tpu.memory_space<vmem>> -> memref<65x144xf32, #tpu.memory_space<vmem>>
      %dma_start3A_123 = arith.constant 0 : i32
      %dma_start3A_124 = tpu.memref_slice %arg6[%add3A_111, %dma_start3A_123] : memref<10000x144xf32, #tpu.memory_space<vmem_shared>> -> memref<65x144xf32, #tpu.memory_space<vmem_shared>>
      tpu.enqueue_dma source(%dma_start3A_124 : memref<65x144xf32, #tpu.memory_space<vmem_shared>>) target(%dma_start3A_122 : memref<65x144xf32, #tpu.memory_space<vmem>>) target_semaphore(%run_scoped3A_114 : memref<!tpu.dma_semaphore, #tpu.memory_space<semaphore_mem>>)
      %dma_wait3A_125 = arith.constant 0 : i32
      %dma_wait3A_126 = arith.constant 0 : i32
      %dma_wait3A_127 = tpu.memref_slice %arg8[%dma_wait3A_125, %dma_wait3A_126] : memref<80x144xf32, #tpu.memory_space<vmem>> -> memref<65x144xf32, #tpu.memory_space<vmem>>
      %dma_wait3A_128 = arith.constant 0 : i32
      %dma_wait3A_129 = tpu.memref_slice %arg6[%add3A_111, %dma_wait3A_128] : memref<10000x144xf32, #tpu.memory_space<vmem_shared>> -> memref<65x144xf32, #tpu.memory_space<vmem_shared>>
      %dma_wait3A_130 = arith.constant 0 : i32
      %dma_wait3A_131 = arith.constant 0 : i32
      %dma_wait3A_132 = tpu.memref_slice %arg8[%dma_wait3A_130, %dma_wait3A_131] : memref<80x144xf32, #tpu.memory_space<vmem>> -> memref<65x144xf32, #tpu.memory_space<vmem>>
      %dma_wait3A_133 = arith.constant 0 : i32
      %dma_wait3A_134 = tpu.memref_slice %arg6[%add3A_111, %dma_wait3A_133] : memref<10000x144xf32, #tpu.memory_space<vmem_shared>> -> memref<65x144xf32, #tpu.memory_space<vmem_shared>>
      tpu.wait_dma2 semaphore(%run_scoped3A_114 : memref<!tpu.dma_semaphore, #tpu.memory_space<semaphore_mem>>) src(%dma_wait3A_134 : memref<65x144xf32, #tpu.memory_space<vmem_shared>>) dst(%dma_wait3A_132 : memref<65x144xf32, #tpu.memory_space<vmem>>)
      tpu.yield
    }) : () -> ()
    %add3A_112 = arith.constant 560 : i32
    %add3A_113 = arith.addi %add3A_81, %add3A_112 : i32
    "tpu.region"() ({
      %run_scoped3A_114 = tpu.sem_alloc : memref<!tpu.dma_semaphore, #tpu.memory_space<semaphore_mem>>
      %dma_start3A_115 = arith.constant 0 : i32
      %dma_start3A_116 = arith.constant 0 : i32
      %dma_start3A_117 = tpu.memref_slice %arg8[%dma_start3A_115, %dma_start3A_116] : memref<80x144xf32, #tpu.memory_space<vmem>> -> memref<65x144xf32, #tpu.memory_space<vmem>>
      %dma_start3A_118 = arith.constant 0 : i32
      %dma_start3A_119 = tpu.memref_slice %arg5[%add3A_113, %dma_start3A_118] : memref<20000x144xf32, #tpu.memory_space<hbm>> -> memref<65x144xf32, #tpu.memory_space<hbm>>
      %dma_start3A_120 = arith.constant 0 : i32
      %dma_start3A_121 = tpu.memref_slice %arg5[%add3A_113, %dma_start3A_120] : memref<20000x144xf32, #tpu.memory_space<hbm>> -> memref<65x144xf32, #tpu.memory_space<hbm>>
      %dma_start3A_122 = arith.constant 0 : i32
      %dma_start3A_123 = arith.constant 0 : i32
      %dma_start3A_124 = tpu.memref_slice %arg8[%dma_start3A_122, %dma_start3A_123] : memref<80x144xf32, #tpu.memory_space<vmem>> -> memref<65x144xf32, #tpu.memory_space<vmem>>
      tpu.enqueue_dma source(%dma_start3A_124 : memref<65x144xf32, #tpu.memory_space<vmem>>) target(%dma_start3A_121 : memref<65x144xf32, #tpu.memory_space<hbm>>) target_semaphore(%run_scoped3A_114 : memref<!tpu.dma_semaphore, #tpu.memory_space<semaphore_mem>>)
      %dma_wait3A_125 = arith.constant 0 : i32
      %dma_wait3A_126 = arith.constant 0 : i32
      %dma_wait3A_127 = tpu.memref_slice %arg8[%dma_wait3A_125, %dma_wait3A_126] : memref<80x144xf32, #tpu.memory_space<vmem>> -> memref<65x144xf32, #tpu.memory_space<vmem>>
      %dma_wait3A_128 = arith.constant 0 : i32
      %dma_wait3A_129 = tpu.memref_slice %arg5[%add3A_113, %dma_wait3A_128] : memref<20000x144xf32, #tpu.memory_space<hbm>> -> memref<65x144xf32, #tpu.memory_space<hbm>>
      %dma_wait3A_130 = arith.constant 0 : i32
      %dma_wait3A_131 = tpu.memref_slice %arg5[%add3A_113, %dma_wait3A_130] : memref<20000x144xf32, #tpu.memory_space<hbm>> -> memref<65x144xf32, #tpu.memory_space<hbm>>
      %dma_wait3A_132 = arith.constant 0 : i32
      %dma_wait3A_133 = arith.constant 0 : i32
      %dma_wait3A_134 = tpu.memref_slice %arg8[%dma_wait3A_132, %dma_wait3A_133] : memref<80x144xf32, #tpu.memory_space<vmem>> -> memref<65x144xf32, #tpu.memory_space<vmem>>
      tpu.wait_dma2 semaphore(%run_scoped3A_114 : memref<!tpu.dma_semaphore, #tpu.memory_space<semaphore_mem>>) src(%dma_wait3A_134 : memref<65x144xf32, #tpu.memory_space<vmem>>) dst(%dma_wait3A_131 : memref<65x144xf32, #tpu.memory_space<hbm>>)
      tpu.yield
    }) : () -> ()
    return
  }
}

module attributes {stable_mosaic.version = 14 : i64} {
  func.func @_dense1_body(%arg0: i32, %arg1: memref<1000x128xf32, #tpu.memory_space<vmem>>, %arg2: memref<1000x144xf32, #tpu.memory_space<vmem>>, %arg3: memref<1000x144xf32, #tpu.memory_space<vmem>>, %arg4: memref<128x128xf32, #tpu.memory_space<vmem>>, %arg5: memref<128x128xf32, #tpu.memory_space<vmem>>, %arg6: memref<1x128xf32, #tpu.memory_space<vmem>>, %arg7: memref<128x40xf32, #tpu.memory_space<vmem>>, %arg8: memref<128x40xf32, #tpu.memory_space<vmem>>, %arg9: memref<1x40xf32, #tpu.memory_space<vmem>>, %arg10: memref<1000x48xf32, #tpu.memory_space<vmem>>, %arg11: memref<1000x40xf32, #tpu.memory_space<vmem>>, %arg12: memref<1000x8xf32, #tpu.memory_space<vmem>>) attributes {dimension_semantics = [#tpu.dimension_semantics<arbitrary>], iteration_bounds = array<i64: 10>, scalar_prefetch = 0 : i64, scratch_operands = 0 : i64, tpu.core_type = #tpu.core_type<tc>, window_params = [{transform_indices = @transform_0, window_bounds = array<i64: 1000, 128>}, {transform_indices = @transform_1, window_bounds = array<i64: 1000, 144>}, {transform_indices = @transform_2, window_bounds = array<i64: 1000, 144>}, {pipeline_mode = #tpu.pipeline_mode<synchronous>, transform_indices = @transform_3, window_bounds = array<i64: 128, 128>}, {pipeline_mode = #tpu.pipeline_mode<synchronous>, transform_indices = @transform_4, window_bounds = array<i64: 128, 128>}, {pipeline_mode = #tpu.pipeline_mode<synchronous>, transform_indices = @transform_5, window_bounds = array<i64: 1, 128>}, {pipeline_mode = #tpu.pipeline_mode<synchronous>, transform_indices = @transform_6, window_bounds = array<i64: 128, 40>}, {pipeline_mode = #tpu.pipeline_mode<synchronous>, transform_indices = @transform_7, window_bounds = array<i64: 128, 40>}, {pipeline_mode = #tpu.pipeline_mode<synchronous>, transform_indices = @transform_8, window_bounds = array<i64: 1, 40>}, {transform_indices = @transform_9, window_bounds = array<i64: 1000, 48>}, {transform_indices = @transform_10, window_bounds = array<i64: 1000, 40>}, {transform_indices = @transform_11, window_bounds = array<i64: 1000, 8>}]} {
    %get3A = arith.constant 0 : index
    %get3A_0 = arith.constant 0 : index
    %get3A_1 = vector.load %arg2[%get3A, %get3A_0] : memref<1000x144xf32, #tpu.memory_space<vmem>>, vector<1000x144xf32>
    %get3A_2 = arith.constant 0 : index
    %get3A_3 = arith.constant 0 : index
    %get3A_4 = vector.load %arg3[%get3A_2, %get3A_3] : memref<1000x144xf32, #tpu.memory_space<vmem>>, vector<1000x144xf32>
    %add3A = arith.addf %get3A_1, %get3A_4 : vector<1000x144xf32>
    %slice3A = vector.extract_strided_slice %add3A {offsets = [0, 128], sizes = [1000, 1], strides = [1, 1]} : vector<1000x144xf32> to vector<1000x1xf32>
    %max3A = arith.constant 1.000000e+00 : f32
    %max3A_5 = vector.broadcast %max3A : f32 to vector<1000x1xf32>
    %max3A_6 = arith.maximumf %slice3A, %max3A_5 : vector<1000x1xf32>
    %div3A = arith.constant 1.000000e+00 : f32
    %div3A_7 = vector.broadcast %div3A : f32 to vector<1000x1xf32>
    %div3A_8 = arith.divf %div3A_7, %max3A_6 : vector<1000x1xf32>
    %slice3A_9 = vector.extract_strided_slice %add3A {offsets = [0, 0], sizes = [1000, 128], strides = [1, 1]} : vector<1000x144xf32> to vector<1000x128xf32>
    %mul3A = vector.broadcast %div3A_8 : vector<1000x1xf32> to vector<1000x128xf32>
    %mul3A_10 = arith.mulf %slice3A_9, %mul3A : vector<1000x128xf32>
    %get3A_11 = arith.constant 0 : index
    %get3A_12 = arith.constant 0 : index
    %get3A_13 = vector.load %arg1[%get3A_11, %get3A_12] : memref<1000x128xf32, #tpu.memory_space<vmem>>, vector<1000x128xf32>
    %get3A_14 = arith.constant 0 : index
    %get3A_15 = arith.constant 0 : index
    %get3A_16 = vector.load %arg4[%get3A_14, %get3A_15] : memref<128x128xf32, #tpu.memory_space<vmem>>, vector<128x128xf32>
    %dot_general3A = arith.constant dense<0.000000e+00> : vector<1000x128xf32>
    %dot_general3A_17 = tpu.matmul %get3A_13, %get3A_16, %dot_general3A {dimension_numbers = #tpu.dot_dimension_numbers<[1], [0], [0], [1], [0, 0, 1, 1], [], []>, transpose_lhs_hint = false} : vector<1000x128xf32>, vector<128x128xf32>, vector<1000x128xf32> -> vector<1000x128xf32>
    %get3A_18 = arith.constant 0 : index
    %get3A_19 = arith.constant 0 : index
    %get3A_20 = vector.load %arg5[%get3A_18, %get3A_19] : memref<128x128xf32, #tpu.memory_space<vmem>>, vector<128x128xf32>
    %dot_general3A_21 = arith.constant dense<0.000000e+00> : vector<1000x128xf32>
    %dot_general3A_22 = tpu.matmul %mul3A_10, %get3A_20, %dot_general3A_21 {dimension_numbers = #tpu.dot_dimension_numbers<[1], [0], [0], [1], [0, 0, 1, 1], [], []>, transpose_lhs_hint = false} : vector<1000x128xf32>, vector<128x128xf32>, vector<1000x128xf32> -> vector<1000x128xf32>
    %add3A_23 = arith.addf %dot_general3A_17, %dot_general3A_22 : vector<1000x128xf32>
    %get3A_24 = arith.constant 0 : index
    %get3A_25 = arith.constant 0 : index
    %get3A_26 = vector.load %arg6[%get3A_24, %get3A_25] : memref<1x128xf32, #tpu.memory_space<vmem>>, vector<1x128xf32>
    %add3A_27 = vector.broadcast %get3A_26 : vector<1x128xf32> to vector<1000x128xf32>
    %add3A_28 = arith.addf %add3A_23, %add3A_27 : vector<1000x128xf32>
    %max3A_29 = arith.constant 0.000000e+00 : f32
    %max3A_30 = vector.broadcast %max3A_29 : f32 to vector<1000x128xf32>
    %max3A_31 = arith.maximumf %add3A_28, %max3A_30 : vector<1000x128xf32>
    %get3A_32 = arith.constant 0 : index
    %get3A_33 = arith.constant 0 : index
    %get3A_34 = vector.load %arg8[%get3A_32, %get3A_33] : memref<128x40xf32, #tpu.memory_space<vmem>>, vector<128x40xf32>
    %dot_general3A_35 = arith.constant dense<0.000000e+00> : vector<1000x40xf32>
    %dot_general3A_36 = tpu.matmul %max3A_31, %get3A_34, %dot_general3A_35 {dimension_numbers = #tpu.dot_dimension_numbers<[1], [0], [0], [1], [0, 0, 1, 1], [], []>, transpose_lhs_hint = false} : vector<1000x128xf32>, vector<128x40xf32>, vector<1000x40xf32> -> vector<1000x40xf32>
    %broadcast_in_dim3A = arith.constant 0.000000e+00 : f32
    %broadcast_in_dim3A_37 = vector.broadcast %broadcast_in_dim3A : f32 to vector<1000x8xf32>
    %concatenate3A = tpu.concatenate %dot_general3A_36, %broadcast_in_dim3A_37 in 1 : vector<1000x40xf32>, vector<1000x8xf32> -> vector<1000x48xf32>
    %swap3A = arith.constant 0 : index
    %swap3A_38 = arith.constant 0 : index
    %swap3A_39 = vector.load %arg10[%swap3A, %swap3A_38] : memref<1000x48xf32, #tpu.memory_space<vmem>>, vector<1000x48xf32>
    tpu.vector_store %arg10[%swap3A, %swap3A_38], %concatenate3A {strides = array<i32>} : memref<1000x48xf32, #tpu.memory_space<vmem>>, vector<1000x48xf32>,
    %get3A_40 = arith.constant 0 : index
    %get3A_41 = arith.constant 0 : index
    %get3A_42 = vector.load %arg7[%get3A_40, %get3A_41] : memref<128x40xf32, #tpu.memory_space<vmem>>, vector<128x40xf32>
    %dot_general3A_43 = arith.constant dense<0.000000e+00> : vector<1000x40xf32>
    %dot_general3A_44 = tpu.matmul %max3A_31, %get3A_42, %dot_general3A_43 {dimension_numbers = #tpu.dot_dimension_numbers<[1], [0], [0], [1], [0, 0, 1, 1], [], []>, transpose_lhs_hint = false} : vector<1000x128xf32>, vector<128x40xf32>, vector<1000x40xf32> -> vector<1000x40xf32>
    %get3A_45 = arith.constant 0 : index
    %get3A_46 = arith.constant 0 : index
    %get3A_47 = vector.load %arg9[%get3A_45, %get3A_46] : memref<1x40xf32, #tpu.memory_space<vmem>>, vector<1x40xf32>
    %add3A_48 = vector.broadcast %get3A_47 : vector<1x40xf32> to vector<1000x40xf32>
    %add3A_49 = arith.addf %dot_general3A_44, %add3A_48 : vector<1000x40xf32>
    %swap3A_50 = arith.constant 0 : index
    %swap3A_51 = arith.constant 0 : index
    %swap3A_52 = vector.load %arg11[%swap3A_50, %swap3A_51] : memref<1000x40xf32, #tpu.memory_space<vmem>>, vector<1000x40xf32>
    tpu.vector_store %arg11[%swap3A_50, %swap3A_51], %add3A_49 {strides = array<i32>} : memref<1000x40xf32, #tpu.memory_space<vmem>>, vector<1000x40xf32>,
    %broadcast_in_dim3A_53 = vector.shape_cast %div3A_8 : vector<1000x1xf32> to vector<1000x1xf32>
    %broadcast_in_dim3A_54 = vector.broadcast %broadcast_in_dim3A_53 : vector<1000x1xf32> to vector<1000x8xf32>
    %swap3A_55 = arith.constant 0 : index
    %swap3A_56 = arith.constant 0 : index
    %swap3A_57 = vector.load %arg12[%swap3A_55, %swap3A_56] : memref<1000x8xf32, #tpu.memory_space<vmem>>, vector<1000x8xf32>
    tpu.vector_store %arg12[%swap3A_55, %swap3A_56], %broadcast_in_dim3A_54 {strides = array<i32>} : memref<1000x8xf32, #tpu.memory_space<vmem>>, vector<1000x8xf32>,
    return
  }
  func.func @transform_0(%arg0: i32) -> (i32, i32) {
    %c0_i32 = arith.constant 0 : i32
    %c0_i32_0 = arith.constant 0 : i32
    return %arg0, %c0_i32 : i32, i32
  }
  func.func @transform_1(%arg0: i32) -> (i32, i32) {
    %c0_i32 = arith.constant 0 : i32
    %c0_i32_0 = arith.constant 0 : i32
    return %arg0, %c0_i32 : i32, i32
  }
  func.func @transform_2(%arg0: i32) -> (i32, i32) {
    %add3A = arith.constant 10 : i32
    %add3A_0 = arith.addi %arg0, %add3A : i32
    %c0_i32 = arith.constant 0 : i32
    %c0_i32_1 = arith.constant 0 : i32
    return %add3A_0, %c0_i32 : i32, i32
  }
  func.func @transform_3(%arg0: i32) -> (i32, i32) {
    %c0_i32 = arith.constant 0 : i32
    %c0_i32_0 = arith.constant 0 : i32
    %c0_i32_1 = arith.constant 0 : i32
    return %c0_i32, %c0_i32_0 : i32, i32
  }
  func.func @transform_4(%arg0: i32) -> (i32, i32) {
    %c0_i32 = arith.constant 0 : i32
    %c0_i32_0 = arith.constant 0 : i32
    %c0_i32_1 = arith.constant 0 : i32
    return %c0_i32, %c0_i32_0 : i32, i32
  }
  func.func @transform_5(%arg0: i32) -> (i32, i32) {
    %c0_i32 = arith.constant 0 : i32
    %c0_i32_0 = arith.constant 0 : i32
    %c0_i32_1 = arith.constant 0 : i32
    return %c0_i32, %c0_i32_0 : i32, i32
  }
  func.func @transform_6(%arg0: i32) -> (i32, i32) {
    %c0_i32 = arith.constant 0 : i32
    %c0_i32_0 = arith.constant 0 : i32
    %c0_i32_1 = arith.constant 0 : i32
    return %c0_i32, %c0_i32_0 : i32, i32
  }
  func.func @transform_7(%arg0: i32) -> (i32, i32) {
    %c0_i32 = arith.constant 0 : i32
    %c0_i32_0 = arith.constant 0 : i32
    %c0_i32_1 = arith.constant 0 : i32
    return %c0_i32, %c0_i32_0 : i32, i32
  }
  func.func @transform_8(%arg0: i32) -> (i32, i32) {
    %c0_i32 = arith.constant 0 : i32
    %c0_i32_0 = arith.constant 0 : i32
    %c0_i32_1 = arith.constant 0 : i32
    return %c0_i32, %c0_i32_0 : i32, i32
  }
  func.func @transform_9(%arg0: i32) -> (i32, i32) {
    %c0_i32 = arith.constant 0 : i32
    %c0_i32_0 = arith.constant 0 : i32
    return %arg0, %c0_i32 : i32, i32
  }
  func.func @transform_10(%arg0: i32) -> (i32, i32) {
    %c0_i32 = arith.constant 0 : i32
    %c0_i32_0 = arith.constant 0 : i32
    return %arg0, %c0_i32 : i32, i32
  }
  func.func @transform_11(%arg0: i32) -> (i32, i32) {
    %c0_i32 = arith.constant 0 : i32
    %c0_i32_0 = arith.constant 0 : i32
    return %arg0, %c0_i32 : i32, i32
  }
}

module attributes {stable_mosaic.version = 14 : i64} {
  func.func @_dense2_body(%arg0: i32, %arg1: memref<1000x48xf32, #tpu.memory_space<vmem>>, %arg2: memref<1000x48xf32, #tpu.memory_space<vmem>>, %arg3: memref<1000x40xf32, #tpu.memory_space<vmem>>, %arg4: memref<1000x8xf32, #tpu.memory_space<vmem>>, %arg5: memref<1000x40xf32, #tpu.memory_space<vmem>>) attributes {dimension_semantics = [#tpu.dimension_semantics<arbitrary>], iteration_bounds = array<i64: 10>, scalar_prefetch = 0 : i64, scratch_operands = 0 : i64, tpu.core_type = #tpu.core_type<tc>, window_params = [{transform_indices = @transform_0, window_bounds = array<i64: 1000, 48>}, {transform_indices = @transform_1, window_bounds = array<i64: 1000, 48>}, {transform_indices = @transform_2, window_bounds = array<i64: 1000, 40>}, {transform_indices = @transform_3, window_bounds = array<i64: 1000, 8>}, {transform_indices = @transform_4, window_bounds = array<i64: 1000, 40>}]} {
    %get3A = arith.constant 0 : index
    %get3A_0 = arith.constant 0 : index
    %get3A_1 = vector.load %arg1[%get3A, %get3A_0] : memref<1000x48xf32, #tpu.memory_space<vmem>>, vector<1000x48xf32>
    %get3A_2 = arith.constant 0 : index
    %get3A_3 = arith.constant 0 : index
    %get3A_4 = vector.load %arg2[%get3A_2, %get3A_3] : memref<1000x48xf32, #tpu.memory_space<vmem>>, vector<1000x48xf32>
    %add3A = arith.addf %get3A_1, %get3A_4 : vector<1000x48xf32>
    %get3A_5 = arith.constant 0 : index
    %get3A_6 = arith.constant 0 : index
    %get3A_7 = vector.load %arg3[%get3A_5, %get3A_6] : memref<1000x40xf32, #tpu.memory_space<vmem>>, vector<1000x40xf32>
    %slice3A = vector.extract_strided_slice %add3A {offsets = [0, 0], sizes = [1000, 40], strides = [1, 1]} : vector<1000x48xf32> to vector<1000x40xf32>
    %get3A_8 = arith.constant 0 : index
    %get3A_9 = arith.constant 0 : index
    %get3A_10 = vector.load %arg4[%get3A_8, %get3A_9] : memref<1000x8xf32, #tpu.memory_space<vmem>>, vector<1000x1xf32>
    %mul3A = vector.broadcast %get3A_10 : vector<1000x1xf32> to vector<1000x40xf32>
    %mul3A_11 = arith.mulf %slice3A, %mul3A : vector<1000x40xf32>
    %add3A_12 = arith.addf %get3A_7, %mul3A_11 : vector<1000x40xf32>
    %swap3A = arith.constant 0 : index
    %swap3A_13 = arith.constant 0 : index
    %swap3A_14 = vector.load %arg5[%swap3A, %swap3A_13] : memref<1000x40xf32, #tpu.memory_space<vmem>>, vector<1000x40xf32>
    tpu.vector_store %arg5[%swap3A, %swap3A_13], %add3A_12 {strides = array<i32>} : memref<1000x40xf32, #tpu.memory_space<vmem>>, vector<1000x40xf32>,
    return
  }
  func.func @transform_0(%arg0: i32) -> (i32, i32) {
    %c0_i32 = arith.constant 0 : i32
    %c0_i32_0 = arith.constant 0 : i32
    return %arg0, %c0_i32 : i32, i32
  }
  func.func @transform_1(%arg0: i32) -> (i32, i32) {
    %add3A = arith.constant 10 : i32
    %add3A_0 = arith.addi %arg0, %add3A : i32
    %c0_i32 = arith.constant 0 : i32
    %c0_i32_1 = arith.constant 0 : i32
    return %add3A_0, %c0_i32 : i32, i32
  }
  func.func @transform_2(%arg0: i32) -> (i32, i32) {
    %c0_i32 = arith.constant 0 : i32
    %c0_i32_0 = arith.constant 0 : i32
    return %arg0, %c0_i32 : i32, i32
  }
  func.func @transform_3(%arg0: i32) -> (i32, i32) {
    %c0_i32 = arith.constant 0 : i32
    %c0_i32_0 = arith.constant 0 : i32
    return %arg0, %c0_i32 : i32, i32
  }
  func.func @transform_4(%arg0: i32) -> (i32, i32) {
    %c0_i32 = arith.constant 0 : i32
    %c0_i32_0 = arith.constant 0 : i32
    return %arg0, %c0_i32 : i32, i32
  }
}

</mosaic_0001>

<sc_bundles>
// kernel: kernel.6.cloned.1.call-start
scs
__scs_entry_jumppad:
0x0: {  	(pc) =	sbr.rel $0x88, $3  }
0x1: {  	(tag) =	ssettag $0x0;
	lr =	simm.s32 $0x1  }
0x2: {  	[smem:$0x3F99] =	sst lr;
	_ =	strace $0xD0000000  }
0x3: {  	_ = 	snop  }
0x4: {  	_ = 	snop  }
0x5: {  	_ = 	snop  }
0x6: {  	_ = 	snop  }
0x7: {  	_ = 	snop  }
__scs_overlays_trampoline_lowered:
0x8: {  	[smem:$0x3FA8] =	sst s0  }
0x9: {  	[smem:$0x3FA9] =	sst s1  }
0xa: {  	[smem:$0x3FAA] =	sst s2  }
0xb: {  	[smem:$0x3FAB] =	sst s3  }
0xc: {  	[smem:$0x3FAC] =	sst s4  }
0xd: {  	[smem:$0x3FAD] =	sst s5  }
0xe: {  	[smem:$0x3FAE] =	sst s6  }
0xf: {  	[smem:$0x3FAF] =	sst s7  }
0x10: {  	[smem:$0x3FB0] =	sst s8  }
0x11: {  	[smem:$0x3FB1] =	sst s9;
	s0 =	simm.s32 @!p0 $0x0  }
0x12: {  	s1 =	sld [smem:$0x3F97];
	s0 =	simm.s32 @p0 $0x1  }
0x13: {  	[smem:$0x3FB2] =	sst s0;
	s0 =	simm.s32 @!p1 $0x0  }
0x14: {  	s2 =	sld [smem:$0x3F96];
	s0 =	simm.s32 @p1 $0x1  }
0x15: {  	[smem:$0x3FB3] =	sst s0;
	s0 =	simm.s32 @!p2 $0x0  }
0x16: {  	s3 =	sld [smem:$0x3FDB];
	s0 =	simm.s32 @p2 $0x1  }
0x17: {  	s4 =	simm.s32 $0x1BF5;
	[smem:$0x3FB5] =	sst s0  }
0x18: {  	s0 =	sld [smem:$0x3F98];
	_ =	swait.ge [sflag:s4], $0x0  }
0x19: {  	s7 =	sld [smem:$0x3F99]  }
0x1a: {  	s8 =	sadd.s32 $0xFFFFE003, lr  }
0x1b: {  	s9 =	sadd.s32 $0xFFFFFEF7, lr;
	s5 =	simm.s32 $0xFFFFFFFF;
	p2 =	slt.u32 s8, $0xFFFFF086  }
0x1c: {  	p1 =	slt.u32 s9, $0xF7A;
	s5 =	simm.s32 @!p2 $0x0  }
0x1d: {  	s5 =	simm.s32 @p1 $0x1;
	p0 =	seq.s32 s7, s2  }
0x1e: {  	s7 =	smul.u32 @!p0 $0xF7A, s2;
	p2 =	seq.s32 @!p0 s5, $0x0  }
0x1f: {  	s9 =	smul.u32 $0xF7A, s1;
	s8 =	simm.s32 @!p0 $0x1BF5;
	p2 =	por !p2, p0  }
0x20: {  	[sflag:s8] =	ssyncset.s32 @!p0 $0xFFFFF086;
	s6 =	sadd.s32 @!p0 s3, s7;
	s7 =	simm.s32 @!p0 $0x108  }
0x21: {  	s3 =	sadd.s32 s3, s9;
	s6 =	sadd.s32 @!p0 $0x88, s6;
	s7 =	simm.s32 @p2 $0x1082  }
0x22: {  	[simem:s7], [sflag:s8] =	dma.local @!p0 [hbm:s6], $0xF7A  }
0x23: {  	s9 =	sor.u32 $0xD0000000, s2;
	s6 =	simm.s32 $0x108;
	_ =	swait.ge @!p0 [sflag:s8], $0x0  }
0x24: {  	s3 =	sadd.s32 $0x88, s3;
	s6 =	simm.s32 @!p1 $0x1082;
	[sflag:s4] =	ssyncset.s32 $0xFFFFF086  }
0x25: {  	[simem:s6], [sflag:s4] =	dma.local [hbm:s3], $0xF7A  }
0x26: {  	[smem:$0x3F99] =	sst s1;
	(tag) =	ssettag s2;
	_ =	strace s9  }
0x27: {  	s1 =	sld [smem:$0x3FA9]  }
0x28: {  	s2 =	sld [smem:$0x3FAA]  }
0x29: {  	s4 =	sld [smem:$0x3FAC]  }
0x2a: {  	p0 =	seq.s32 s5, $0x0;
	s5 =	sld [smem:$0x3FAD]  }
0x2b: {  	s6 =	sld [smem:$0x3FAE]  }
0x2c: {  	s7 =	sld [smem:$0x3FAF]  }
0x2d: {  	s3 =	simm.s32 $0x108;
	s8 =	sld [smem:$0x3FB0]  }
0x2e: {  	s3 =	simm.s32 @!p0 $0x1082;
	s9 =	sld [smem:$0x3FB1]  }
0x2f: {  	lr =	sadd.s32 s0, s3;
	s0 =	sld [smem:$0x3FA8]  }
0x30: {  	s3 =	sld [smem:$0x3FAB]  }
0x31: {  	[smem:$0x3FB4] =	sst s10  }
0x32: {  	s10 =	sld [smem:$0x3FB2];
	_ =	sdelay $0x3  }
0x33: {  	p0 =	seq.s32 s10, $0x1;
	s10 =	sld [smem:$0x3FB4];
	_ =	sdelay $0x3  }
0x34: {  	[smem:$0x3FB4] =	sst s10  }
0x35: {  	s10 =	sld [smem:$0x3FB3];
	_ =	sdelay $0x3  }
0x36: {  	p1 =	seq.s32 s10, $0x1;
	s10 =	sld [smem:$0x3FB4];
	_ =	sdelay $0x3  }
0x37: {  	[smem:$0x3FB4] =	sst s10  }
0x38: {  	s10 =	sld [smem:$0x3FB5]  }
0x39: {  	_ = 	snop;
	(pc) =	sbr.ind lr, $3  }
0x3a: {  	_ = 	snop  }
0x3b: {  	_ = 	snop  }
0x3c: {  	p2 =	seq.s32 s10, $0x1;
	s10 =	sld [smem:$0x3FB4]  }
0x3d: {  	_ =	shalt  }
0x3e: {  	_ =	shalt  }
0x3f: {  	_ =	shalt  }
0x40: {  	_ =	shalt  }
0x41: {  	_ =	shalt  }
0x42: {  	_ =	shalt  }
0x43: {  	_ =	shalt  }
0x44: {  	_ =	shalt  }
0x45: {  	_ =	shalt  }
0x46: {  	_ =	shalt  }
0x47: {  	_ =	shalt  }
0x48: {  	_ =	shalt  }
0x49: {  	_ =	shalt  }
0x4a: {  	_ =	shalt  }
0x4b: {  	_ =	shalt  }
0x4c: {  	_ =	shalt  }
0x4d: {  	_ =	shalt  }
0x4e: {  	_ =	shalt  }
0x4f: {  	_ =	shalt  }
0x50: {  	_ =	shalt  }
0x51: {  	_ =	shalt  }
0x52: {  	_ =	shalt  }
0x53: {  	_ =	shalt  }
0x54: {  	_ =	shalt  }
0x55: {  	_ =	shalt  }
0x56: {  	_ =	shalt  }
0x57: {  	_ =	shalt  }
0x58: {  	_ =	shalt  }
0x59: {  	_ =	shalt  }
0x5a: {  	_ =	shalt  }
0x5b: {  	_ =	shalt  }
0x5c: {  	_ =	shalt  }
0x5d: {  	_ =	shalt  }
0x5e: {  	_ =	shalt  }
0x5f: {  	_ =	shalt  }
0x60: {  	_ =	shalt  }
0x61: {  	_ =	shalt  }
0x62: {  	_ =	shalt  }
0x63: {  	_ =	shalt  }
0x64: {  	_ =	shalt  }
0x65: {  	_ =	shalt  }
0x66: {  	_ =	shalt  }
0x67: {  	_ =	shalt  }
0x68: {  	_ =	shalt  }
0x69: {  	_ =	shalt  }
0x6a: {  	_ =	shalt  }
0x6b: {  	_ =	shalt  }
0x6c: {  	_ =	shalt  }
0x6d: {  	_ =	shalt  }
0x6e: {  	_ =	shalt  }
0x6f: {  	_ =	shalt  }
0x70: {  	_ =	shalt  }
0x71: {  	_ =	shalt  }
0x72: {  	_ =	shalt  }
0x73: {  	_ =	shalt  }
0x74: {  	_ =	shalt  }
0x75: {  	_ =	shalt  }
0x76: {  	_ =	shalt  }
0x77: {  	_ =	shalt  }
0x78: {  	_ =	shalt  }
0x79: {  	_ =	shalt  }
0x7a: {  	_ =	shalt  }
0x7b: {  	_ =	shalt  }
0x7c: {  	_ =	shalt  }
0x7d: {  	_ =	shalt  }
0x7e: {  	_ =	shalt  }
0x7f: {  	_ =	shalt  }
0x80: {  	_ =	shalt  }
0x81: {  	_ =	shalt  }
0x82: {  	_ =	shalt  }
0x83: {  	_ =	shalt  }
0x84: {  	_ =	shalt  }
0x85: {  	_ =	shalt  }
0x86: {  	_ =	shalt  }
0x87: {  	_ =	shalt  }
.Lfunc_end0:
.L_simem_size_0:
called_computation_lowered:
.L_overlay_start_0:
0x88: {  	s2 =	sld [smem:$0x3FD9]  }
0x89: {  	s3 =	sld [smem:$0x3FFE];
	_ =	sdelay $0x1  }
0x8a: {  	s1 =	srdreg.scid  }
0x8b: {  	s0 =	sand.u32 $0x1, s1  }
0x8c: {  	s17 =	sshll.u32 s0, $0xA;
	s2 =	sadd.s32 s3, s2  }
0x8d: {  	s2 =	sadd.s32 s2, s17  }
0x8e: {  	[smem:$0x3FC0] =	sst s2  }
0x8f: {  	_ = 	snop  }
0x90: {  	s2 =	sld [smem:$0x3FD0];
	(tm) =	ssettm $0x1  }
0x91: {  	s18 =	sld [smem:$0x3FFB];
	_ =	sdelay $0x3  }
0x92: {  	_ =	strace s18  }
0x93: {  	s3 =	sld [smem:$0x3FFC];
	_ =	sdelay $0x3  }
0x94: {  	_ =	strace s3  }
0x95: {  	s3 =	sld [smem:$0x3FFD];
	_ =	sdelay $0x3  }
0x96: {  	_ =	strace s3  }
0x97: {  	_ =	strace $0x8FFFFFFF  }
0x98: {  	s19 =	sld [smem:$0x3FDB];
	_ =	sdelay $0x1  }
0x99: {  	s4 =	simm.s32 $_scs_section_size  }
0x9a: {  	s5 =	simm.s32 $_size__tile_overlayer_lowered;
	s6 =	simm.s32 $_tile_overlayer_lowered  }
0x9b: {  	s22 =	simm.s32 $0x1BFF;
	s21 =	sshll.u32 s6, $0x1;
	s3 =	sadd.s32 s4, s19  }
0x9c: {  	s7 =	simm.s32 $0x0;
	s20 =	sshll.u32 s5, $0x1;
	s5 =	sadd.s32 s21, s3  }
0x9d: {  	[timem:s7], [sflag:s22] =	dma.local [hbm:s5], s20  }
0x9e: {  	_ =	swait.ge [sflag:s22], s20  }
0x9f: {  	s4 =	ssub.s32 $0x0, s20;
	[sflag:s22] =	ssyncset.done $0x0  }
0xa0: {  	[sflag:s22] =	ssyncadd.s32 s4;
	_ =	sdelay $0x1  }
0xa1: {  	s23 =	simm.s32 $0x1B8B  }
0xa2: {  	_ =	swait.ge [sflag:s23], $0x1  }
0xa3: {  	[sflag:s23] =	ssyncset.done $0x0  }
0xa4: {  	s25 =	simm.s32 $0x1B8E;
	s24 =	sld [smem:$0x3FFE];
	[sflag:s23] =	ssyncadd.s32 $0xFFFFFFFF  }
0xa5: {  	s26 =	simm.s32 $execute0_lowered;
	[smem:$0x3FD2] =	sst s25  }
0xa6: {  	s5 =	sshll.u32 s26, $0x1;
	_ =	strace $0x80000046;
	[dreg:$0x1] =	wrdreg $0xFFFFFFFF  }
0xa7: {  	s28 =	simm.s32 $_size_execute0_lowered;
	s3 =	sadd.s32 s3, s5;
	[dreg:$0x0] =	wrdreg $0x0  }
0xa8: {  	s5 =	sshll.u32 s28, $0x1;
	[dreg:$0x2] =	wrdreg s3  }
0xa9: {  	[dreg:$0x3] =	wrdreg s5  }
0xaa: {  	[dreg:$0x4] =	wrdreg $0xC0  }
0xab: {  	_ =	task [dreg:s7], $0x5FFFF  }
0xac: {  	[dreg:$0x1] =	wrdreg $0xFFFFFFFF  }
0xad: {  	[dreg:$0x0] =	wrdreg $0x60  }
0xae: {  	[dreg:$0x2] =	wrdreg s24  }
0xaf: {  	[dreg:$0x3] =	wrdreg s2  }
0xb0: {  	[dreg:$0x4] =	wrdreg $0x0  }
0xb1: {  	[dreg:$0x5] =	wrdreg $0x9  }
0xb2: {  	_ =	task.clear_ibuf [dreg:s7], $0x6FFFF;
	_ =	strace $0x90000046  }
0xb3: {  	s29 =	simm.s32 $0x9;
	_ =	strace $0x80000048  }
0xb4: {  	_ =	swait.ge [sflag:s29], $0x1  }
0xb5: {  	[sflag:s29] =	ssyncadd.s32 $0xFFFFFFFF  }
0xb6: {  	_ =	strace $0x90000048  }
0xb7: {  	_ =	sfence  }
0xb8: {  	s30 =	sld [smem:$0x0];
	_ =	sdelay $0x2  }
0xb9: {  	s31 =	sshll.u32 s1, $0xD;
	s1 =	sshrl.u32 s1, $0x2  }
0xba: {  	s3 =	sand.u32 $0x4000, s31;
	s1 =	sadd.s32 s1, s30  }
0xbb: {  	s0 =	sor.u32 s3, s0;
	s1 =	sshll.u32 s1, $0x11  }
0xbc: {  	s0 =	sor.u32 s1, s0  }
0xbd: {  	s0 =	sadd.s32 $0x8F2B, s0  }
0xbe: {  	[sflag:s0] =	ssyncadd.remote.s32 $0x1  }
0xbf: {  	_ =	sfence.sel $0xFFFF  }
0xc0: {  	[dreg:$0x0] =	wrdreg $0xFFFFFFFF;
	(pc) =	sbr.abs _section_cstart, $3  }
0xc1: {  	[dreg:$0x1] =	wrdreg $0xFFFFFFFF  }
0xc2: {  	_ =	task.clear_ibuf [dreg:s7], $0x2FFFF;
	_ =	strace $0x9FFFFFFF  }
0xc3: {  	(tm) =	ssettm $0x7FFFFFFF  }
tec
execute0_lowered:
.L_overlay_start_1:
0x0: {  	(tag) =	ssettag $0x1  }
0x1: {  	s0 =	rddreg [dreg:$0x0];
	s1 =	srdreg.scid  }
0x2: {  	s3 =	rddreg [dreg:$0x2];
	s8 =	stileid.u32  }
0x3: {  	s4 =	simm.s32 $0x0;
	s28 =	simm.s32 $0x1CD40;
	s29 =	simm.s32 $0x3  }
0x4: {  	s30 =	simm.s32 $0x1B990;
	s31 =	simm.s32 $0x18C90;
	s1 =	sand.u32 $0x1, s1  }
0x5: {  	[smem:$0x7FF] =	sst s4;
	s5 =	sadd.s32 $0x15200, s0;
	s6 =	smul.u32 $0x271, s8  }
0x6: {  	s2 =	sshll.u32 s1, $0x4;
	s7 =	ssub.s32 $0x2, s1;
	s1 =	smul.u32 $0x2710, s1  }
0x7: {  	_ =	strace $0x80000047;
	s2 =	sor.u32 s8, s2;
	s8 =	smul.u32 $0x57E40, s8  }
0x8: {  	s9 =	sshrl.u32 s7, $0x1;
	s2 =	smul.u32 $0x2710, s2;
	s1 =	sadd.s32 s6, s1  }
0x9: {  	s15 =	ssub.s32 s7, s9;
	s20 =	sshrl.u32 s8, $0x2;
	s23 =	smul.u32 $0x90, s1  }
0xa: {  	s1 =	smul.u32 $0x12, s1;
	s8 =	simm.s32 $0x0;
	s2 =	sshrl.u32 s2, $0x3  }
0xb: {  	s7 =	sadd.s32 s20, s3;
	s2 =	sadd.s32 s2, s0;
	s0 =	sadd.s32 $0x41200, s0  }
0xc: {  	s9 =	sadd.s32 $0x2D00, s7;
	s10 =	sadd.s32 $0x5A00, s7;
	s11 =	sadd.s32 $0x8700, s7  }
0xd: {  	s12 =	sadd.s32 $0xB400, s7;
	s13 =	sadd.s32 $0xE100, s7;
	s21 =	sadd.s32 $0x1800, s2  }
0xe: {  	s6 =	sshrl.u32 s23, $0x3;
	s22 =	sadd.s32 $0xB440, s2;
	[dreg:$0x4] =	wrdreg s21  }
0xf: {  	s14 =	sadd.s32 $0x10E00, s7;
	s24 =	sadd.s32 $0x1A76, s2;
	[dreg:$0x5] =	wrdreg s22  }
0x10: {  	s6 =	sadd.s32 s0, s6;
	s2 =	sadd.s32 $0xB6B6, s2;
	[dreg:$0x6] =	wrdreg s24  }
0x11: {  	s0 =	sadd.s32 s0, s1;
	s1 =	simm.s32 $0x15F90;
	[dreg:$0x7] =	wrdreg s2  }
0x12: {  	[dreg:$0x8] =	wrdreg s0;
	s25 =	sadd.s32 $0x5A0, s6;
	s26 =	sadd.s32 $0xB40, s6  }
0x13: {  	s20 =	sadd.s32 $0x10E0, s6;
	s21 =	sadd.s32 $0x1680, s6;
	s22 =	sadd.s32 $0x1C20, s6  }
0x14: {  	s23 =	sadd.s32 $0x21C0, s6;
	s24 =	sadd.s32 $0x2760, s6;
	s0 =	simm.s32 $0x50  }
0x15: {  	s2 =	simm.s32 $0x1;
	s6 =	simm.s32 $0x2;
	[dreg:$0x9] =	wrdreg s25  }
0x16: {  	[dreg:$0xa] =	wrdreg s26;
	s25 =	smax.u32 s15, $0x1;
	s26 =	sadd.s32 $0x13B00, s7  }
.LBB2_1:
0x17: {  	s15 =	rddreg [dreg:$0x4]  }
0x18: {  	[tilespmem:s28], [sflag:$0x3] =	stream.linear.gather [hbm4b:s15+s4], $0x13B0, $0x38;
	[tilespmem:$0x1E0F0] =	vst v63  }
0x19: {  	_ =	swait.ge [sflag:s29], $0x13B0  }
0x1a: {  	[sflag:s29] =	ssyncset.done $0x0  }
0x1b: {  	s18 =	rddreg [dreg:$0x5];
	[sflag:s29] =	ssyncadd.s32 $0xFFFFEC50  }
0x1c: {  	[tilespmem:s30], [sflag:$0x3] =	stream.linear.gather [hbm4b:s18+s4], $0x13B0, $0x38;
	[tilespmem:$0x1E0F0] =	vst v63  }
0x1d: {  	_ =	swait.ge [sflag:s29], $0x13B0  }
0x1e: {  	[sflag:s29] =	ssyncset.done $0x0  }
0x1f: {  	[sflag:s29] =	ssyncadd.s32 $0xFFFFEC50  }
0x20: {  	s19 =	rddreg [dreg:$0x1]  }
0x21: {  	[tilespmem:s31], [sflag:$0x3] =	stream.linear.gather [hbm4b:s19+s4], $0x2D00, $0x38;
	[tilespmem:$0x1E0F0] =	vst v63  }
0x22: {  	_ =	swait.ge [sflag:s29], $0x2D00  }
0x23: {  	[sflag:s29] =	ssyncset.done $0x0  }
0x24: {  	[sflag:s29] =	ssyncadd.s32 $0xFFFFD300  }
0x25: {  	[spmem:s7] =	stream.linear.scatter [tilespmem:s31], [sflag:$0x3], $0x2D00, $0x38;
	[tilespmem:$0x1E0F0] =	vst v63  }
0x26: {  	_ =	swait.ge [sflag:s29], $0x2D00  }
0x27: {  	[sflag:s29] =	ssyncset.done $0x0  }
0x28: {  	[sflag:s29] =	ssyncadd.s32 $0xFFFFD300  }
0x29: {  	[spmem:s9] =	stream.linear.scatter [tilespmem:s31], [sflag:$0x3], $0x2D00, $0x38;
	[tilespmem:$0x1E0F0] =	vst v63  }
0x2a: {  	_ =	swait.ge [sflag:s29], $0x2D00  }
0x2b: {  	[sflag:s29] =	ssyncset.done $0x0  }
0x2c: {  	[sflag:s29] =	ssyncadd.s32 $0xFFFFD300  }
0x2d: {  	[spmem:s10] =	stream.linear.scatter [tilespmem:s31], [sflag:$0x3], $0x2D00, $0x38;
	[tilespmem:$0x1E0F0] =	vst v63  }
0x2e: {  	_ =	swait.ge [sflag:s29], $0x2D00  }
0x2f: {  	[sflag:s29] =	ssyncset.done $0x0  }
0x30: {  	[sflag:s29] =	ssyncadd.s32 $0xFFFFD300  }
0x31: {  	[spmem:s11] =	stream.linear.scatter [tilespmem:s31], [sflag:$0x3], $0x2D00, $0x38;
	[tilespmem:$0x1E0F0] =	vst v63  }
0x32: {  	_ =	swait.ge [sflag:s29], $0x2D00  }
0x33: {  	[sflag:s29] =	ssyncset.done $0x0  }
0x34: {  	[sflag:s29] =	ssyncadd.s32 $0xFFFFD300  }
0x35: {  	[spmem:s12] =	stream.linear.scatter [tilespmem:s31], [sflag:$0x3], $0x2D00, $0x38;
	[tilespmem:$0x1E0F0] =	vst v63  }
0x36: {  	_ =	swait.ge [sflag:s29], $0x2D00  }
0x37: {  	[sflag:s29] =	ssyncset.done $0x0  }
0x38: {  	[sflag:s29] =	ssyncadd.s32 $0xFFFFD300  }
0x39: {  	[spmem:s13] =	stream.linear.scatter [tilespmem:s31], [sflag:$0x3], $0x2D00, $0x38;
	[tilespmem:$0x1E0F0] =	vst v63  }
0x3a: {  	_ =	swait.ge [sflag:s29], $0x2D00  }
0x3b: {  	[sflag:s29] =	ssyncset.done $0x0  }
0x3c: {  	[sflag:s29] =	ssyncadd.s32 $0xFFFFD300  }
0x3d: {  	[spmem:s14] =	stream.linear.scatter [tilespmem:s31], [sflag:$0x3], $0x2D00, $0x38;
	[tilespmem:$0x1E0F0] =	vst v63  }
0x3e: {  	_ =	swait.ge [sflag:s29], $0x2D00  }
0x3f: {  	[sflag:s29] =	ssyncset.done $0x0  }
0x40: {  	[sflag:s29] =	ssyncadd.s32 $0xFFFFD300  }
0x41: {  	[spmem:s26] =	stream.linear.scatter [tilespmem:s31], [sflag:$0x3], $0x2490, $0x38;
	[tilespmem:$0x1E0F0] =	vst v63  }
0x42: {  	_ =	swait.ge [sflag:s29], $0x2490  }
0x43: {  	[sflag:s29] =	ssyncset.done $0x0  }
0x44: {  	[sflag:s29] =	ssyncadd.s32 $0xFFFFDB70  }
0x45: {  	[bflag:$0x0] =	sbarrier.arrive $0xFFFF  }
0x46: {  	[tilespmem:s1], [sflag:$0x1] =	stream.indirect.gather [hbm4b:s5+s0], $0x90, s28, s0, $0xb8;
	[tilespmem:$0x1E0F0] =	vst v63  }
0x47: {  	s16 =	simm.s32 $0x1CD90  }
0x48: {  	[tilespmem:s31], [sflag:$0x2] =	stream.indirect.gather [hbm4b:s5+s0], $0x90, s16, s0, $0xb8;
	[tilespmem:$0x1E0F0] =	vst v63  }
0x49: {  	_ =	swait.ge [sflag:s2], $0x2D00  }
0x4a: {  	[sflag:s2] =	ssyncset.done $0x0  }
0x4b: {  	s17 =	simm.s32 $0x1B990;
	[sflag:s2] =	ssyncadd.s32 $0xFFFFD300  }
0x4c: {  	[spmem:s3] =	stream.indirect.scatter.add.f32 [tilespmem:s1], [sflag:$0x3], $0x90, s17, s0, $0xb8;
	[tilespmem:$0x1E0F0] =	vst v63  }
0x4d: {  	_ =	swait.ge [sflag:s29], $0x2D00  }
0x4e: {  	[sflag:s29] =	ssyncset.done $0x0  }
0x4f: {  	s18 =	simm.s32 $0x1CDE0;
	[sflag:s29] =	ssyncadd.s32 $0xFFFFD300  }
0x50: {  	[tilespmem:s1], [sflag:$0x1] =	stream.indirect.gather [hbm4b:s5+s0], $0x90, s18, s0, $0xb8;
	[tilespmem:$0x1E0F0] =	vst v63  }
0x51: {  	_ =	swait.ge [sflag:s6], $0x2D00  }
0x52: {  	[sflag:s6] =	ssyncset.done $0x0  }
0x53: {  	s19 =	simm.s32 $0x1B9E0;
	[sflag:s6] =	ssyncadd.s32 $0xFFFFD300  }
0x54: {  	[spmem:s3] =	stream.indirect.scatter.add.f32 [tilespmem:s31], [sflag:$0x3], $0x90, s19, s0, $0xb8;
	[tilespmem:$0x1E0F0] =	vst v63  }
0x55: {  	_ =	swait.ge [sflag:s29], $0x2D00  }
0x56: {  	s15 =	simm.s32 $0xA0;
	s16 =	simm.s32 $0x500;
	[sflag:s29] =	ssyncset.done $0x0  }
.LBB2_2:
0x57: {  	s17 =	sadd.s32 $0x1CD90, s15  }
0x58: {  	[sflag:s29] =	ssyncadd.s32 $0xFFFFD300;
	s18 =	smov.u32 s16;
	s19 =	sadd.s32 $0x280, s16  }
0x59: {  	[tilespmem:s31], [sflag:$0x2] =	stream.indirect.gather [hbm4b:s5+s0], $0x90, s17, s0, $0xb8;
	[tilespmem:$0x1E0F0] =	vst v63  }
0x5a: {  	p0 =	sne.s32 s16, $0x4B00;
	_ =	swait.ge [sflag:s2], $0x2D00  }
0x5b: {  	[sflag:s2] =	ssyncset.done $0x0  }
0x5c: {  	s16 =	sadd.s32 $0x1B990, s15;
	[sflag:s2] =	ssyncadd.s32 $0xFFFFD300  }
0x5d: {  	[spmem:s3] =	stream.indirect.scatter.add.f32 [tilespmem:s1], [sflag:$0x3], $0x90, s16, s0, $0xb8;
	[tilespmem:$0x1E0F0] =	vst v63  }
0x5e: {  	_ =	swait.ge [sflag:s29], $0x2D00  }
0x5f: {  	[sflag:s29] =	ssyncset.done $0x0  }
0x60: {  	s16 =	sadd.s32 $0x1CDE0, s15;
	[sflag:s29] =	ssyncadd.s32 $0xFFFFD300  }
0x61: {  	[tilespmem:s1], [sflag:$0x1] =	stream.indirect.gather [hbm4b:s5+s0], $0x90, s16, s0, $0xb8;
	[tilespmem:$0x1E0F0] =	vst v63  }
0x62: {  	_ =	swait.ge [sflag:s6], $0x2D00  }
.Ltmp0:
0x63: {  	[sflag:s6] =	ssyncset.done $0x0;
	(pc) =	sbr.rel @p0 .LBB2_2-.Ltmp0, $4  }
0x64: {  	s15 =	sadd.s32 $0x1B9E0, s15;
	[sflag:s6] =	ssyncadd.s32 $0xFFFFD300  }
0x65: {  	[spmem:s3] =	stream.indirect.scatter.add.f32 [tilespmem:s31], [sflag:$0x3], $0x90, s15, s0, $0xb8;
	[tilespmem:$0x1E0F0] =	vst v63  }
0x66: {  	_ =	swait.ge [sflag:s29], $0x2D00  }
0x67: {  	s16 =	smov.u32 s19;
	s15 =	sshra.s32 s18, $0x2;
	[sflag:s29] =	ssyncset.done $0x0  }
0x68: {  	s16 =	sadd.s32 $0x1CD90, s15;
	[sflag:s29] =	ssyncadd.s32 $0xFFFFD300  }
0x69: {  	[tilespmem:s31], [sflag:$0x2] =	stream.indirect.gather [hbm4b:s5+s0], $0x90, s16, s0, $0xb8;
	[tilespmem:$0x1E0F0] =	vst v63  }
0x6a: {  	_ =	swait.ge [sflag:s2], $0x2D00  }
0x6b: {  	[sflag:s2] =	ssyncset.done $0x0  }
0x6c: {  	s17 =	sadd.s32 $0x1B990, s15;
	[sflag:s2] =	ssyncadd.s32 $0xFFFFD300  }
0x6d: {  	[spmem:s3] =	stream.indirect.scatter.add.f32 [tilespmem:s1], [sflag:$0x3], $0x90, s17, s0, $0xb8;
	[tilespmem:$0x1E0F0] =	vst v63  }
0x6e: {  	_ =	swait.ge [sflag:s29], $0x2D00  }
0x6f: {  	[sflag:s29] =	ssyncset.done $0x0  }
0x70: {  	s18 =	sadd.s32 $0x1CDE0, s15;
	[sflag:s29] =	ssyncadd.s32 $0xFFFFD300  }
0x71: {  	[tilespmem:s1], [sflag:$0x1] =	stream.indirect.gather [hbm4b:s5+s0], $0x90, s18, s0, $0xb8;
	[tilespmem:$0x1E0F0] =	vst v63  }
0x72: {  	_ =	swait.ge [sflag:s6], $0x2D00  }
0x73: {  	[sflag:s6] =	ssyncset.done $0x0  }
0x74: {  	s19 =	sadd.s32 $0x1B9E0, s15;
	[sflag:s6] =	ssyncadd.s32 $0xFFFFD300  }
0x75: {  	[spmem:s3] =	stream.indirect.scatter.add.f32 [tilespmem:s31], [sflag:$0x3], $0x90, s19, s0, $0xb8;
	[tilespmem:$0x1E0F0] =	vst v63  }
0x76: {  	_ =	swait.ge [sflag:s29], $0x2D00  }
0x77: {  	[sflag:s29] =	ssyncset.done $0x0  }
0x78: {  	[sflag:s29] =	ssyncadd.s32 $0xFFFFD300  }
0x79: {  	_ =	swait.ge [sflag:s2], $0x2D00  }
0x7a: {  	[sflag:s2] =	ssyncset.done $0x0  }
0x7b: {  	s16 =	simm.s32 $0x1CCF0;
	[sflag:s2] =	ssyncadd.s32 $0xFFFFD300  }
0x7c: {  	[spmem:s3] =	stream.indirect.scatter.add.f32 [tilespmem:s1], [sflag:$0x3], $0x90, s16, s0, $0xb8;
	[tilespmem:$0x1E0F0] =	vst v63  }
0x7d: {  	_ =	swait.ge [sflag:s29], $0x2D00  }
0x7e: {  	[sflag:s29] =	ssyncset.done $0x0  }
0x7f: {  	s17 =	simm.s32 $0x0;
	s18 =	rddreg [dreg:$0x6];
	[sflag:s29] =	ssyncadd.s32 $0xFFFFD300  }
0x80: {  	[tilespmem:s28], [sflag:$0x3] =	stream.linear.gather [hbm4b:s18+s17], $0x1360, $0x38;
	[tilespmem:$0x1E0F0] =	vst v63  }
0x81: {  	_ =	swait.ge [sflag:s29], $0x1360  }
0x82: {  	[sflag:s29] =	ssyncset.done $0x0  }
0x83: {  	s19 =	rddreg [dreg:$0x7];
	[sflag:s29] =	ssyncadd.s32 $0xFFFFECA0  }
0x84: {  	[tilespmem:s30], [sflag:$0x3] =	stream.linear.gather [hbm4b:s19+s17], $0x1360, $0x38;
	[tilespmem:$0x1E0F0] =	vst v63  }
0x85: {  	_ =	swait.ge [sflag:s29], $0x1360  }
0x86: {  	[sflag:s29] =	ssyncset.done $0x0  }
0x87: {  	[sflag:s29] =	ssyncadd.s32 $0xFFFFECA0  }
0x88: {  	[tilespmem:s1], [sflag:$0x1] =	stream.indirect.gather [hbm4b:s5+s0], $0x90, s28, s0, $0xb8;
	[tilespmem:$0x1E0F0] =	vst v63  }
0x89: {  	s16 =	simm.s32 $0x1CD90  }
0x8a: {  	[tilespmem:s31], [sflag:$0x2] =	stream.indirect.gather [hbm4b:s5+s0], $0x90, s16, s0, $0xb8;
	[tilespmem:$0x1E0F0] =	vst v63  }
0x8b: {  	_ =	swait.ge [sflag:s2], $0x2D00  }
0x8c: {  	[sflag:s2] =	ssyncset.done $0x0  }
0x8d: {  	s17 =	simm.s32 $0x1B990;
	[sflag:s2] =	ssyncadd.s32 $0xFFFFD300  }
0x8e: {  	[spmem:s3] =	stream.indirect.scatter.add.f32 [tilespmem:s1], [sflag:$0x3], $0x90, s17, s0, $0xb8;
	[tilespmem:$0x1E0F0] =	vst v63  }
0x8f: {  	_ =	swait.ge [sflag:s29], $0x2D00  }
0x90: {  	[sflag:s29] =	ssyncset.done $0x0  }
0x91: {  	s18 =	simm.s32 $0x1CDE0;
	[sflag:s29] =	ssyncadd.s32 $0xFFFFD300  }
0x92: {  	[tilespmem:s1], [sflag:$0x1] =	stream.indirect.gather [hbm4b:s5+s0], $0x90, s18, s0, $0xb8;
	[tilespmem:$0x1E0F0] =	vst v63  }
0x93: {  	_ =	swait.ge [sflag:s6], $0x2D00  }
0x94: {  	[sflag:s6] =	ssyncset.done $0x0  }
0x95: {  	s19 =	simm.s32 $0x1B9E0;
	[sflag:s6] =	ssyncadd.s32 $0xFFFFD300  }
0x96: {  	[spmem:s3] =	stream.indirect.scatter.add.f32 [tilespmem:s31], [sflag:$0x3], $0x90, s19, s0, $0xb8;
	[tilespmem:$0x1E0F0] =	vst v63  }
0x97: {  	_ =	swait.ge [sflag:s29], $0x2D00  }
0x98: {  	s15 =	simm.s32 $0xA0;
	s16 =	simm.s32 $0x500;
	[sflag:s29] =	ssyncset.done $0x0  }
.LBB2_4:
0x99: {  	s17 =	sadd.s32 $0x1CD90, s15  }
0x9a: {  	[sflag:s29] =	ssyncadd.s32 $0xFFFFD300;
	s18 =	smov.u32 s16;
	s19 =	sadd.s32 $0x280, s16  }
0x9b: {  	[tilespmem:s31], [sflag:$0x2] =	stream.indirect.gather [hbm4b:s5+s0], $0x90, s17, s0, $0xb8;
	[tilespmem:$0x1E0F0] =	vst v63  }
0x9c: {  	p0 =	sne.s32 s16, $0x4880;
	_ =	swait.ge [sflag:s2], $0x2D00  }
0x9d: {  	[sflag:s2] =	ssyncset.done $0x0  }
0x9e: {  	s16 =	sadd.s32 $0x1B990, s15;
	[sflag:s2] =	ssyncadd.s32 $0xFFFFD300  }
0x9f: {  	[spmem:s3] =	stream.indirect.scatter.add.f32 [tilespmem:s1], [sflag:$0x3], $0x90, s16, s0, $0xb8;
	[tilespmem:$0x1E0F0] =	vst v63  }
0xa0: {  	_ =	swait.ge [sflag:s29], $0x2D00  }
0xa1: {  	[sflag:s29] =	ssyncset.done $0x0  }
0xa2: {  	s16 =	sadd.s32 $0x1CDE0, s15;
	[sflag:s29] =	ssyncadd.s32 $0xFFFFD300  }
0xa3: {  	[tilespmem:s1], [sflag:$0x1] =	stream.indirect.gather [hbm4b:s5+s0], $0x90, s16, s0, $0xb8;
	[tilespmem:$0x1E0F0] =	vst v63  }
0xa4: {  	_ =	swait.ge [sflag:s6], $0x2D00  }
.Ltmp1:
0xa5: {  	[sflag:s6] =	ssyncset.done $0x0;
	(pc) =	sbr.rel @p0 .LBB2_4-.Ltmp1, $4  }
0xa6: {  	s15 =	sadd.s32 $0x1B9E0, s15;
	[sflag:s6] =	ssyncadd.s32 $0xFFFFD300  }
0xa7: {  	[spmem:s3] =	stream.indirect.scatter.add.f32 [tilespmem:s31], [sflag:$0x3], $0x90, s15, s0, $0xb8;
	[tilespmem:$0x1E0F0] =	vst v63  }
0xa8: {  	_ =	swait.ge [sflag:s29], $0x2D00  }
0xa9: {  	s16 =	smov.u32 s19;
	s15 =	sshra.s32 s18, $0x2;
	[sflag:s29] =	ssyncset.done $0x0  }
0xaa: {  	s16 =	sadd.s32 $0x1CD90, s15;
	[sflag:s29] =	ssyncadd.s32 $0xFFFFD300  }
0xab: {  	[tilespmem:s31], [sflag:$0x2] =	stream.indirect.gather [hbm4b:s5+s0], $0x90, s16, s0, $0xb8;
	[tilespmem:$0x1E0F0] =	vst v63  }
0xac: {  	_ =	swait.ge [sflag:s2], $0x2D00  }
0xad: {  	[sflag:s2] =	ssyncset.done $0x0  }
0xae: {  	s18 =	sadd.s32 $0x1B990, s15;
	[sflag:s2] =	ssyncadd.s32 $0xFFFFD300  }
0xaf: {  	[spmem:s3] =	stream.indirect.scatter.add.f32 [tilespmem:s1], [sflag:$0x3], $0x90, s18, s0, $0xb8;
	[tilespmem:$0x1E0F0] =	vst v63  }
0xb0: {  	_ =	swait.ge [sflag:s29], $0x2D00  }
0xb1: {  	[sflag:s29] =	ssyncset.done $0x0  }
0xb2: {  	s19 =	sadd.s32 $0x1CDE0, s15;
	[sflag:s29] =	ssyncadd.s32 $0xFFFFD300  }
0xb3: {  	[tilespmem:s1], [sflag:$0x1] =	stream.indirect.gather [hbm4b:s5+s0], $0x90, s19, s0, $0xb8;
	[tilespmem:$0x1E0F0] =	vst v63  }
0xb4: {  	_ =	swait.ge [sflag:s6], $0x2D00  }
0xb5: {  	[sflag:s6] =	ssyncset.done $0x0  }
0xb6: {  	s17 =	sadd.s32 $0x1B9E0, s15;
	[sflag:s6] =	ssyncadd.s32 $0xFFFFD300  }
0xb7: {  	[spmem:s3] =	stream.indirect.scatter.add.f32 [tilespmem:s31], [sflag:$0x3], $0x90, s17, s0, $0xb8;
	[tilespmem:$0x1E0F0] =	vst v63  }
0xb8: {  	_ =	swait.ge [sflag:s29], $0x2D00  }
0xb9: {  	[sflag:s29] =	ssyncset.done $0x0  }
0xba: {  	s18 =	simm.s32 $0x1E050;
	[sflag:s29] =	ssyncadd.s32 $0xFFFFD300  }
0xbb: {  	[tilespmem:s31], [sflag:$0x2] =	stream.indirect.gather [hbm4b:s5+s0], $0x90, s18, s0, $0xb8;
	[tilespmem:$0x1E0F0] =	vst v63  }
0xbc: {  	_ =	swait.ge [sflag:s2], $0x2D00  }
0xbd: {  	[sflag:s2] =	ssyncset.done $0x0  }
0xbe: {  	s19 =	simm.s32 $0x1CC50;
	[sflag:s2] =	ssyncadd.s32 $0xFFFFD300  }
0xbf: {  	[spmem:s3] =	stream.indirect.scatter.add.f32 [tilespmem:s1], [sflag:$0x3], $0x90, s19, s0, $0xb8;
	[tilespmem:$0x1E0F0] =	vst v63  }
0xc0: {  	_ =	swait.ge [sflag:s29], $0x2D00  }
0xc1: {  	[sflag:s29] =	ssyncset.done $0x0  }
0xc2: {  	[sflag:s29] =	ssyncadd.s32 $0xFFFFD300  }
0xc3: {  	_ =	swait.ge [sflag:s6], $0x2D00  }
0xc4: {  	[sflag:s6] =	ssyncset.done $0x0  }
0xc5: {  	s16 =	simm.s32 $0x1CCA0;
	[sflag:s6] =	ssyncadd.s32 $0xFFFFD300  }
0xc6: {  	[spmem:s3] =	stream.indirect.scatter.add.f32 [tilespmem:s31], [sflag:$0x3], $0x90, s16, s0, $0xb8;
	[tilespmem:$0x1E0F0] =	vst v63  }
0xc7: {  	_ =	swait.ge [sflag:s29], $0x2D00  }
0xc8: {  	[sflag:s29] =	ssyncset.done $0x0  }
0xc9: {  	[sflag:s29] =	ssyncadd.s32 $0xFFFFD300  }
0xca: {  	[bflag:$0x0] =	sbarrier.arrive $0xFFFF  }
0xcb: {  	[tilespmem:s1], [sflag:$0x3] =	stream.linear.gather [spmem:s7], $0x2D00, $0x38;
	[tilespmem:$0x1E0F0] =	vst v63  }
0xcc: {  	_ =	swait.ge [sflag:s29], $0x2D00  }
0xcd: {  	[sflag:s29] =	ssyncset.done $0x0  }
0xce: {  	s17 =	rddreg [dreg:$0x8];
	[sflag:s29] =	ssyncadd.s32 $0xFFFFD300  }
0xcf: {  	[hbm4b:s17+s4] =	stream.linear.scatter [tilespmem:s1], [sflag:$0x3], $0x2D00, $0x38;
	[tilespmem:$0x1E0F0] =	vst v63  }
0xd0: {  	_ =	swait.ge [sflag:s29], $0x2D00  }
0xd1: {  	[sflag:s29] =	ssyncset.done $0x0  }
0xd2: {  	[sflag:s29] =	ssyncadd.s32 $0xFFFFD300  }
0xd3: {  	[tilespmem:s1], [sflag:$0x3] =	stream.linear.gather [spmem:s9], $0x2D00, $0x38;
	[tilespmem:$0x1E0F0] =	vst v63  }
0xd4: {  	_ =	swait.ge [sflag:s29], $0x2D00  }
0xd5: {  	[sflag:s29] =	ssyncset.done $0x0  }
0xd6: {  	s18 =	rddreg [dreg:$0x9];
	[sflag:s29] =	ssyncadd.s32 $0xFFFFD300  }
0xd7: {  	[hbm4b:s18+s4] =	stream.linear.scatter [tilespmem:s1], [sflag:$0x3], $0x2D00, $0x38;
	[tilespmem:$0x1E0F0] =	vst v63  }
0xd8: {  	_ =	swait.ge [sflag:s29], $0x2D00  }
0xd9: {  	[sflag:s29] =	ssyncset.done $0x0  }
0xda: {  	[sflag:s29] =	ssyncadd.s32 $0xFFFFD300  }
0xdb: {  	[tilespmem:s1], [sflag:$0x3] =	stream.linear.gather [spmem:s10], $0x2D00, $0x38;
	[tilespmem:$0x1E0F0] =	vst v63  }
0xdc: {  	_ =	swait.ge [sflag:s29], $0x2D00  }
0xdd: {  	[sflag:s29] =	ssyncset.done $0x0  }
0xde: {  	s19 =	rddreg [dreg:$0xa];
	[sflag:s29] =	ssyncadd.s32 $0xFFFFD300  }
0xdf: {  	[hbm4b:s19+s4] =	stream.linear.scatter [tilespmem:s1], [sflag:$0x3], $0x2D00, $0x38;
	[tilespmem:$0x1E0F0] =	vst v63  }
0xe0: {  	_ =	swait.ge [sflag:s29], $0x2D00  }
0xe1: {  	[sflag:s29] =	ssyncset.done $0x0  }
0xe2: {  	[sflag:s29] =	ssyncadd.s32 $0xFFFFD300  }
0xe3: {  	[tilespmem:s1], [sflag:$0x3] =	stream.linear.gather [spmem:s11], $0x2D00, $0x38;
	[tilespmem:$0x1E0F0] =	vst v63  }
0xe4: {  	_ =	swait.ge [sflag:s29], $0x2D00  }
0xe5: {  	[sflag:s29] =	ssyncset.done $0x0  }
0xe6: {  	[sflag:s29] =	ssyncadd.s32 $0xFFFFD300  }
0xe7: {  	[hbm4b:s20+s4] =	stream.linear.scatter [tilespmem:s1], [sflag:$0x3], $0x2D00, $0x38;
	[tilespmem:$0x1E0F0] =	vst v63  }
0xe8: {  	_ =	swait.ge [sflag:s29], $0x2D00  }
0xe9: {  	[sflag:s29] =	ssyncset.done $0x0  }
0xea: {  	[sflag:s29] =	ssyncadd.s32 $0xFFFFD300  }
0xeb: {  	[tilespmem:s1], [sflag:$0x3] =	stream.linear.gather [spmem:s12], $0x2D00, $0x38;
	[tilespmem:$0x1E0F0] =	vst v63  }
0xec: {  	_ =	swait.ge [sflag:s29], $0x2D00  }
0xed: {  	[sflag:s29] =	ssyncset.done $0x0  }
0xee: {  	[sflag:s29] =	ssyncadd.s32 $0xFFFFD300  }
0xef: {  	[hbm4b:s21+s4] =	stream.linear.scatter [tilespmem:s1], [sflag:$0x3], $0x2D00, $0x38;
	[tilespmem:$0x1E0F0] =	vst v63  }
0xf0: {  	_ =	swait.ge [sflag:s29], $0x2D00  }
0xf1: {  	[sflag:s29] =	ssyncset.done $0x0  }
0xf2: {  	[sflag:s29] =	ssyncadd.s32 $0xFFFFD300  }
0xf3: {  	[tilespmem:s1], [sflag:$0x3] =	stream.linear.gather [spmem:s13], $0x2D00, $0x38;
	[tilespmem:$0x1E0F0] =	vst v63  }
0xf4: {  	_ =	swait.ge [sflag:s29], $0x2D00  }
0xf5: {  	[sflag:s29] =	ssyncset.done $0x0  }
0xf6: {  	[sflag:s29] =	ssyncadd.s32 $0xFFFFD300  }
0xf7: {  	[hbm4b:s22+s4] =	stream.linear.scatter [tilespmem:s1], [sflag:$0x3], $0x2D00, $0x38;
	[tilespmem:$0x1E0F0] =	vst v63  }
0xf8: {  	_ =	swait.ge [sflag:s29], $0x2D00  }
0xf9: {  	[sflag:s29] =	ssyncset.done $0x0  }
0xfa: {  	[sflag:s29] =	ssyncadd.s32 $0xFFFFD300  }
0xfb: {  	[tilespmem:s1], [sflag:$0x3] =	stream.linear.gather [spmem:s14], $0x2D00, $0x38;
	[tilespmem:$0x1E0F0] =	vst v63  }
0xfc: {  	_ =	swait.ge [sflag:s29], $0x2D00  }
0xfd: {  	[sflag:s29] =	ssyncset.done $0x0  }
0xfe: {  	[sflag:s29] =	ssyncadd.s32 $0xFFFFD300  }
0xff: {  	[hbm4b:s23+s4] =	stream.linear.scatter [tilespmem:s1], [sflag:$0x3], $0x2D00, $0x38;
	[tilespmem:$0x1E0F0] =	vst v63  }
0x100: {  	_ =	swait.ge [sflag:s29], $0x2D00  }
0x101: {  	[sflag:s29] =	ssyncset.done $0x0  }
0x102: {  	[sflag:s29] =	ssyncadd.s32 $0xFFFFD300  }
0x103: {  	[tilespmem:s31], [sflag:$0x3] =	stream.linear.gather [spmem:s26], $0x2490, $0x38;
	[tilespmem:$0x1E0F0] =	vst v63  }
0x104: {  	s8 =	sadd.s32 $0x1, s8;
	_ =	swait.ge [sflag:s29], $0x2490  }
0x105: {  	p0 =	sne.s32 s8, s25;
	[sflag:s29] =	ssyncset.done $0x0  }
.Ltmp2:
0x106: {  	[sflag:s29] =	ssyncadd.s32 $0xFFFFDB70;
	(pc) =	sbr.rel @p0 .LBB2_1-.Ltmp2, $4  }
0x107: {  	[hbm4b:s24+s4] =	stream.linear.scatter [tilespmem:s31], [sflag:$0x3], $0x2490, $0x38;
	[tilespmem:$0x1E0F0] =	vst v63  }
0x108: {  	_ =	swait.ge [sflag:s29], $0x2490  }
0x109: {  	[sflag:s29] =	ssyncset.done $0x0  }
0x10a: {  	[sflag:s29] =	ssyncadd.s32 $0xFFFFDB70  }
0x10b: {  	_ =	sfence.sel $0x180000  }
0x10c: {  	[bflag:$0x0] =	sbarrier.arrive $0xFFFF  }
0x10d: {  	_ =	strace $0x90000047  }
0x10e: {  	s0 =	stileid.u32;
	[bflag:$0x2] =	sbarrier.arrive $0xFFFF  }
0x10f: {  	p0 =	sne.s32 s0, $0x0;
	s0 =	rddreg [dreg:$0x3]  }
0x110: {  	s0 =	sadd.s32 @!p0 $0x100000, s0  }
0x111: {  	[sflag:s0] =	ssyncadd.tile.s32 @!p0 $0x1;
	_ =	shalt  }
.Lfunc_end2:
_tile_overlayer_lowered:
.L_overlay_start_2:
0x112: {  	(tag) =	ssettag $0x2  }
0x113: {  	s0 =	rddreg [dreg:$0x0];
	s2 =	stileid.u32  }
0x114: {  	s1 =	rddreg [dreg:$0x1];
	p0 =	sne.s32 s2, $0x0  }
0x115: {  	s3 =	rddreg [dreg:$0x2];
	[bflag:$0x3] =	sbarrier.arrive $0xFFFF;
	s2 =	simm.s32 @!p0 $0x1C03  }
0x116: {  	[timem:s3], [sflag:s2] =	dma.local @!p0 [hbm:s0], s1  }
0x117: {  	s0 =	simm.s32 @!p0 $0x3  }
0x118: {  	_ =	swait.ge @!p0 [sflag:s0], s1  }
0x119: {  	s1 =	ssub.s32 @!p0 $0x0, s1;
	[sflag:s0] =	ssyncset.done @!p0 $0x0  }
0x11a: {  	[sflag:s0] =	ssyncadd.s32 @!p0 s1  }
0x11b: {  	[bflag:$0x3] =	sbarrier.arrive $0xFFFF  }
0x11c: {  	_ =	shalt  }

// kernel: kernel.9.cloned.1.call-start
scs
__scs_entry_jumppad:
0x0: {  	(pc) =	sbr.rel $0x88, $3  }
0x1: {  	(tag) =	ssettag $0x0;
	lr =	simm.s32 $0x1  }
0x2: {  	[smem:$0x3F99] =	sst lr;
	_ =	strace $0xD0000000  }
0x3: {  	_ = 	snop  }
0x4: {  	_ = 	snop  }
0x5: {  	_ = 	snop  }
0x6: {  	_ = 	snop  }
0x7: {  	_ = 	snop  }
__scs_overlays_trampoline_lowered:
0x8: {  	[smem:$0x3FA8] =	sst s0  }
0x9: {  	[smem:$0x3FA9] =	sst s1  }
0xa: {  	[smem:$0x3FAA] =	sst s2  }
0xb: {  	[smem:$0x3FAB] =	sst s3  }
0xc: {  	[smem:$0x3FAC] =	sst s4  }
0xd: {  	[smem:$0x3FAD] =	sst s5  }
0xe: {  	[smem:$0x3FAE] =	sst s6  }
0xf: {  	[smem:$0x3FAF] =	sst s7  }
0x10: {  	[smem:$0x3FB0] =	sst s8  }
0x11: {  	[smem:$0x3FB1] =	sst s9;
	s0 =	simm.s32 @!p0 $0x0  }
0x12: {  	s1 =	sld [smem:$0x3F97];
	s0 =	simm.s32 @p0 $0x1  }
0x13: {  	[smem:$0x3FB2] =	sst s0;
	s0 =	simm.s32 @!p1 $0x0  }
0x14: {  	s2 =	sld [smem:$0x3F96];
	s0 =	simm.s32 @p1 $0x1  }
0x15: {  	[smem:$0x3FB3] =	sst s0;
	s0 =	simm.s32 @!p2 $0x0  }
0x16: {  	s3 =	sld [smem:$0x3FDB];
	s0 =	simm.s32 @p2 $0x1  }
0x17: {  	s4 =	simm.s32 $0x1BF5;
	[smem:$0x3FB5] =	sst s0  }
0x18: {  	s0 =	sld [smem:$0x3F98];
	_ =	swait.ge [sflag:s4], $0x0  }
0x19: {  	s7 =	sld [smem:$0x3F99]  }
0x1a: {  	s8 =	sadd.s32 $0xFFFFE003, lr  }
0x1b: {  	s9 =	sadd.s32 $0xFFFFFEF7, lr;
	s5 =	simm.s32 $0xFFFFFFFF;
	p2 =	slt.u32 s8, $0xFFFFF086  }
0x1c: {  	p1 =	slt.u32 s9, $0xF7A;
	s5 =	simm.s32 @!p2 $0x0  }
0x1d: {  	s5 =	simm.s32 @p1 $0x1;
	p0 =	seq.s32 s7, s2  }
0x1e: {  	s7 =	smul.u32 @!p0 $0xF7A, s2;
	p2 =	seq.s32 @!p0 s5, $0x0  }
0x1f: {  	s9 =	smul.u32 $0xF7A, s1;
	s8 =	simm.s32 @!p0 $0x1BF5;
	p2 =	por !p2, p0  }
0x20: {  	[sflag:s8] =	ssyncset.s32 @!p0 $0xFFFFF086;
	s6 =	sadd.s32 @!p0 s3, s7;
	s7 =	simm.s32 @!p0 $0x108  }
0x21: {  	s3 =	sadd.s32 s3, s9;
	s6 =	sadd.s32 @!p0 $0x88, s6;
	s7 =	simm.s32 @p2 $0x1082  }
0x22: {  	[simem:s7], [sflag:s8] =	dma.local @!p0 [hbm:s6], $0xF7A  }
0x23: {  	s9 =	sor.u32 $0xD0000000, s2;
	s6 =	simm.s32 $0x108;
	_ =	swait.ge @!p0 [sflag:s8], $0x0  }
0x24: {  	s3 =	sadd.s32 $0x88, s3;
	s6 =	simm.s32 @!p1 $0x1082;
	[sflag:s4] =	ssyncset.s32 $0xFFFFF086  }
0x25: {  	[simem:s6], [sflag:s4] =	dma.local [hbm:s3], $0xF7A  }
0x26: {  	[smem:$0x3F99] =	sst s1;
	(tag) =	ssettag s2;
	_ =	strace s9  }
0x27: {  	s1 =	sld [smem:$0x3FA9]  }
0x28: {  	s2 =	sld [smem:$0x3FAA]  }
0x29: {  	s4 =	sld [smem:$0x3FAC]  }
0x2a: {  	p0 =	seq.s32 s5, $0x0;
	s5 =	sld [smem:$0x3FAD]  }
0x2b: {  	s6 =	sld [smem:$0x3FAE]  }
0x2c: {  	s7 =	sld [smem:$0x3FAF]  }
0x2d: {  	s3 =	simm.s32 $0x108;
	s8 =	sld [smem:$0x3FB0]  }
0x2e: {  	s3 =	simm.s32 @!p0 $0x1082;
	s9 =	sld [smem:$0x3FB1]  }
0x2f: {  	lr =	sadd.s32 s0, s3;
	s0 =	sld [smem:$0x3FA8]  }
0x30: {  	s3 =	sld [smem:$0x3FAB]  }
0x31: {  	[smem:$0x3FB4] =	sst s10  }
0x32: {  	s10 =	sld [smem:$0x3FB2];
	_ =	sdelay $0x3  }
0x33: {  	p0 =	seq.s32 s10, $0x1;
	s10 =	sld [smem:$0x3FB4];
	_ =	sdelay $0x3  }
0x34: {  	[smem:$0x3FB4] =	sst s10  }
0x35: {  	s10 =	sld [smem:$0x3FB3];
	_ =	sdelay $0x3  }
0x36: {  	p1 =	seq.s32 s10, $0x1;
	s10 =	sld [smem:$0x3FB4];
	_ =	sdelay $0x3  }
0x37: {  	[smem:$0x3FB4] =	sst s10  }
0x38: {  	s10 =	sld [smem:$0x3FB5]  }
0x39: {  	_ = 	snop;
	(pc) =	sbr.ind lr, $3  }
0x3a: {  	_ = 	snop  }
0x3b: {  	_ = 	snop  }
0x3c: {  	p2 =	seq.s32 s10, $0x1;
	s10 =	sld [smem:$0x3FB4]  }
0x3d: {  	_ =	shalt  }
0x3e: {  	_ =	shalt  }
0x3f: {  	_ =	shalt  }
0x40: {  	_ =	shalt  }
0x41: {  	_ =	shalt  }
0x42: {  	_ =	shalt  }
0x43: {  	_ =	shalt  }
0x44: {  	_ =	shalt  }
0x45: {  	_ =	shalt  }
0x46: {  	_ =	shalt  }
0x47: {  	_ =	shalt  }
0x48: {  	_ =	shalt  }
0x49: {  	_ =	shalt  }
0x4a: {  	_ =	shalt  }
0x4b: {  	_ =	shalt  }
0x4c: {  	_ =	shalt  }
0x4d: {  	_ =	shalt  }
0x4e: {  	_ =	shalt  }
0x4f: {  	_ =	shalt  }
0x50: {  	_ =	shalt  }
0x51: {  	_ =	shalt  }
0x52: {  	_ =	shalt  }
0x53: {  	_ =	shalt  }
0x54: {  	_ =	shalt  }
0x55: {  	_ =	shalt  }
0x56: {  	_ =	shalt  }
0x57: {  	_ =	shalt  }
0x58: {  	_ =	shalt  }
0x59: {  	_ =	shalt  }
0x5a: {  	_ =	shalt  }
0x5b: {  	_ =	shalt  }
0x5c: {  	_ =	shalt  }
0x5d: {  	_ =	shalt  }
0x5e: {  	_ =	shalt  }
0x5f: {  	_ =	shalt  }
0x60: {  	_ =	shalt  }
0x61: {  	_ =	shalt  }
0x62: {  	_ =	shalt  }
0x63: {  	_ =	shalt  }
0x64: {  	_ =	shalt  }
0x65: {  	_ =	shalt  }
0x66: {  	_ =	shalt  }
0x67: {  	_ =	shalt  }
0x68: {  	_ =	shalt  }
0x69: {  	_ =	shalt  }
0x6a: {  	_ =	shalt  }
0x6b: {  	_ =	shalt  }
0x6c: {  	_ =	shalt  }
0x6d: {  	_ =	shalt  }
0x6e: {  	_ =	shalt  }
0x6f: {  	_ =	shalt  }
0x70: {  	_ =	shalt  }
0x71: {  	_ =	shalt  }
0x72: {  	_ =	shalt  }
0x73: {  	_ =	shalt  }
0x74: {  	_ =	shalt  }
0x75: {  	_ =	shalt  }
0x76: {  	_ =	shalt  }
0x77: {  	_ =	shalt  }
0x78: {  	_ =	shalt  }
0x79: {  	_ =	shalt  }
0x7a: {  	_ =	shalt  }
0x7b: {  	_ =	shalt  }
0x7c: {  	_ =	shalt  }
0x7d: {  	_ =	shalt  }
0x7e: {  	_ =	shalt  }
0x7f: {  	_ =	shalt  }
0x80: {  	_ =	shalt  }
0x81: {  	_ =	shalt  }
0x82: {  	_ =	shalt  }
0x83: {  	_ =	shalt  }
0x84: {  	_ =	shalt  }
0x85: {  	_ =	shalt  }
0x86: {  	_ =	shalt  }
0x87: {  	_ =	shalt  }
.Lfunc_end0:
.L_simem_size_0:
called_computation.1_lowered:
.L_overlay_start_0:
0x88: {  	s2 =	sld [smem:$0x3FD9]  }
0x89: {  	s3 =	sld [smem:$0x3FFE];
	_ =	sdelay $0x1  }
0x8a: {  	s1 =	srdreg.scid  }
0x8b: {  	s0 =	sand.u32 $0x1, s1  }
0x8c: {  	s17 =	sshll.u32 s0, $0xA;
	s2 =	sadd.s32 s3, s2  }
0x8d: {  	s2 =	sadd.s32 s2, s17  }
0x8e: {  	[smem:$0x3FC0] =	sst s2  }
0x8f: {  	_ = 	snop  }
0x90: {  	s2 =	sld [smem:$0x3FD0];
	(tm) =	ssettm $0x1  }
0x91: {  	s18 =	sld [smem:$0x3FFB];
	_ =	sdelay $0x3  }
0x92: {  	_ =	strace s18  }
0x93: {  	s3 =	sld [smem:$0x3FFC];
	_ =	sdelay $0x3  }
0x94: {  	_ =	strace s3  }
0x95: {  	s3 =	sld [smem:$0x3FFD];
	_ =	sdelay $0x3  }
0x96: {  	_ =	strace s3  }
0x97: {  	_ =	strace $0x8FFFFFFF  }
0x98: {  	s19 =	sld [smem:$0x3FDB];
	_ =	sdelay $0x1  }
0x99: {  	s4 =	simm.s32 $_scs_section_size  }
0x9a: {  	s5 =	simm.s32 $_size__tile_overlayer_lowered;
	s6 =	simm.s32 $_tile_overlayer_lowered  }
0x9b: {  	s22 =	simm.s32 $0x1BFF;
	s21 =	sshll.u32 s6, $0x1;
	s3 =	sadd.s32 s4, s19  }
0x9c: {  	s7 =	simm.s32 $0x0;
	s20 =	sshll.u32 s5, $0x1;
	s5 =	sadd.s32 s21, s3  }
0x9d: {  	[timem:s7], [sflag:s22] =	dma.local [hbm:s5], s20  }
0x9e: {  	_ =	swait.ge [sflag:s22], s20  }
0x9f: {  	s4 =	ssub.s32 $0x0, s20;
	[sflag:s22] =	ssyncset.done $0x0  }
0xa0: {  	[sflag:s22] =	ssyncadd.s32 s4;
	_ =	sdelay $0x1  }
0xa1: {  	s23 =	simm.s32 $0x1B8B  }
0xa2: {  	_ =	swait.ge [sflag:s23], $0x1  }
0xa3: {  	[sflag:s23] =	ssyncset.done $0x0  }
0xa4: {  	s25 =	simm.s32 $0x1B8E;
	s24 =	sld [smem:$0x3FFE];
	[sflag:s23] =	ssyncadd.s32 $0xFFFFFFFF  }
0xa5: {  	s26 =	simm.s32 $execute0_lowered;
	[smem:$0x3FD2] =	sst s25  }
0xa6: {  	s5 =	sshll.u32 s26, $0x1;
	_ =	strace $0x80000049;
	[dreg:$0x1] =	wrdreg $0xFFFFFFFF  }
0xa7: {  	s28 =	simm.s32 $_size_execute0_lowered;
	s3 =	sadd.s32 s3, s5;
	[dreg:$0x0] =	wrdreg $0x0  }
0xa8: {  	s5 =	sshll.u32 s28, $0x1;
	[dreg:$0x2] =	wrdreg s3  }
0xa9: {  	[dreg:$0x3] =	wrdreg s5  }
0xaa: {  	[dreg:$0x4] =	wrdreg $0xC0  }
0xab: {  	_ =	task [dreg:s7], $0x5FFFF  }
0xac: {  	[dreg:$0x1] =	wrdreg $0xFFFFFFFF  }
0xad: {  	[dreg:$0x0] =	wrdreg $0x60  }
0xae: {  	[dreg:$0x2] =	wrdreg s24  }
0xaf: {  	[dreg:$0x3] =	wrdreg s2  }
0xb0: {  	[dreg:$0x4] =	wrdreg $0x0  }
0xb1: {  	[dreg:$0x5] =	wrdreg $0x9  }
0xb2: {  	_ =	task.clear_ibuf [dreg:s7], $0x6FFFF;
	_ =	strace $0x90000049  }
0xb3: {  	s29 =	simm.s32 $0x9;
	_ =	strace $0x8000004B  }
0xb4: {  	_ =	swait.ge [sflag:s29], $0x1  }
0xb5: {  	[sflag:s29] =	ssyncadd.s32 $0xFFFFFFFF  }
0xb6: {  	_ =	strace $0x9000004B  }
0xb7: {  	_ =	sfence  }
0xb8: {  	s30 =	sld [smem:$0x0];
	_ =	sdelay $0x2  }
0xb9: {  	s31 =	sshll.u32 s1, $0xD;
	s1 =	sshrl.u32 s1, $0x2  }
0xba: {  	s3 =	sand.u32 $0x4000, s31;
	s1 =	sadd.s32 s1, s30  }
0xbb: {  	s0 =	sor.u32 s3, s0;
	s1 =	sshll.u32 s1, $0x11  }
0xbc: {  	s0 =	sor.u32 s1, s0  }
0xbd: {  	s0 =	sadd.s32 $0x8F2B, s0  }
0xbe: {  	[sflag:s0] =	ssyncadd.remote.s32 $0x1  }
0xbf: {  	_ =	sfence.sel $0xFFFF  }
0xc0: {  	[dreg:$0x0] =	wrdreg $0xFFFFFFFF;
	(pc) =	sbr.abs _section_cstart, $3  }
0xc1: {  	[dreg:$0x1] =	wrdreg $0xFFFFFFFF  }
0xc2: {  	_ =	task.clear_ibuf [dreg:s7], $0x2FFFF;
	_ =	strace $0x9FFFFFFF  }
0xc3: {  	(tm) =	ssettm $0x7FFFFFFF  }
tec
execute0_lowered:
.L_overlay_start_1:
0x0: {  	(tag) =	ssettag $0x1  }
0x1: {  	s0 =	rddreg [dreg:$0x0];
	s1 =	srdreg.scid  }
0x2: {  	s3 =	rddreg [dreg:$0x2];
	s8 =	stileid.u32  }
0x3: {  	s4 =	simm.s32 $0x0;
	s28 =	simm.s32 $0xA6E0;
	s29 =	simm.s32 $0x3  }
0x4: {  	s30 =	simm.s32 $0x9330;
	s31 =	simm.s32 $0x8430;
	s1 =	sand.u32 $0x1, s1  }
0x5: {  	[smem:$0x7FF] =	sst s4;
	s5 =	sadd.s32 $0x15200, s0;
	s6 =	smul.u32 $0x271, s8  }
0x6: {  	s2 =	sshll.u32 s1, $0x4;
	s7 =	ssub.s32 $0x2, s1;
	s1 =	smul.u32 $0x2710, s1  }
0x7: {  	_ =	strace $0x8000004A;
	s2 =	sor.u32 s8, s2;
	s8 =	smul.u32 $0x1D4C0, s8  }
0x8: {  	s9 =	sshrl.u32 s7, $0x1;
	s2 =	smul.u32 $0x2710, s2;
	s1 =	sadd.s32 s6, s1  }
0x9: {  	s15 =	ssub.s32 s7, s9;
	s20 =	sshrl.u32 s8, $0x2;
	s23 =	smul.u32 $0x30, s1  }
0xa: {  	s1 =	smul.u32 $0x6, s1;
	s8 =	simm.s32 $0x0;
	s2 =	sshrl.u32 s2, $0x3  }
0xb: {  	s7 =	sadd.s32 s20, s3;
	s2 =	sadd.s32 s2, s0;
	s0 =	sadd.s32 $0x23E00, s0  }
0xc: {  	s9 =	sadd.s32 $0xF00, s7;
	s10 =	sadd.s32 $0x1E00, s7;
	s11 =	sadd.s32 $0x2D00, s7  }
0xd: {  	s12 =	sadd.s32 $0x3C00, s7;
	s13 =	sadd.s32 $0x4B00, s7;
	s21 =	sadd.s32 $0x1800, s2  }
0xe: {  	s6 =	sshrl.u32 s23, $0x3;
	s22 =	sadd.s32 $0xB440, s2;
	[dreg:$0x4] =	wrdreg s21  }
0xf: {  	s14 =	sadd.s32 $0x5A00, s7;
	s24 =	sadd.s32 $0x1A76, s2;
	[dreg:$0x5] =	wrdreg s22  }
0x10: {  	s6 =	sadd.s32 s0, s6;
	s2 =	sadd.s32 $0xB6B6, s2;
	[dreg:$0x6] =	wrdreg s24  }
0x11: {  	s0 =	sadd.s32 s0, s1;
	s1 =	simm.s32 $0x7530;
	[dreg:$0x7] =	wrdreg s2  }
0x12: {  	[dreg:$0x8] =	wrdreg s0;
	s25 =	sadd.s32 $0x1E0, s6;
	s26 =	sadd.s32 $0x3C0, s6  }
0x13: {  	s20 =	sadd.s32 $0x5A0, s6;
	s21 =	sadd.s32 $0x780, s6;
	s22 =	sadd.s32 $0x960, s6  }
0x14: {  	s23 =	sadd.s32 $0xB40, s6;
	s24 =	sadd.s32 $0xD20, s6;
	s0 =	simm.s32 $0x50  }
0x15: {  	s2 =	simm.s32 $0x1;
	s6 =	simm.s32 $0x2;
	[dreg:$0x9] =	wrdreg s25  }
0x16: {  	[dreg:$0xa] =	wrdreg s26;
	s25 =	smax.u32 s15, $0x1;
	s26 =	sadd.s32 $0x6900, s7  }
.LBB2_1:
0x17: {  	s15 =	rddreg [dreg:$0x4]  }
0x18: {  	[tilespmem:s28], [sflag:$0x3] =	stream.linear.gather [hbm4b:s15+s4], $0x13B0, $0x38;
	[tilespmem:$0xBA90] =	vst v63  }
0x19: {  	_ =	swait.ge [sflag:s29], $0x13B0  }
0x1a: {  	[sflag:s29] =	ssyncset.done $0x0  }
0x1b: {  	s18 =	rddreg [dreg:$0x5];
	[sflag:s29] =	ssyncadd.s32 $0xFFFFEC50  }
0x1c: {  	[tilespmem:s30], [sflag:$0x3] =	stream.linear.gather [hbm4b:s18+s4], $0x13B0, $0x38;
	[tilespmem:$0xBA90] =	vst v63  }
0x1d: {  	_ =	swait.ge [sflag:s29], $0x13B0  }
0x1e: {  	[sflag:s29] =	ssyncset.done $0x0  }
0x1f: {  	[sflag:s29] =	ssyncadd.s32 $0xFFFFEC50  }
0x20: {  	s19 =	rddreg [dreg:$0x1]  }
0x21: {  	[tilespmem:s31], [sflag:$0x3] =	stream.linear.gather [hbm4b:s19+s4], $0xF00, $0x38;
	[tilespmem:$0xBA90] =	vst v63  }
0x22: {  	_ =	swait.ge [sflag:s29], $0xF00  }
0x23: {  	[sflag:s29] =	ssyncset.done $0x0  }
0x24: {  	[sflag:s29] =	ssyncadd.s32 $0xFFFFF100  }
0x25: {  	[spmem:s7] =	stream.linear.scatter [tilespmem:s31], [sflag:$0x3], $0xF00, $0x38;
	[tilespmem:$0xBA90] =	vst v63  }
0x26: {  	_ =	swait.ge [sflag:s29], $0xF00  }
0x27: {  	[sflag:s29] =	ssyncset.done $0x0  }
0x28: {  	[sflag:s29] =	ssyncadd.s32 $0xFFFFF100  }
0x29: {  	[spmem:s9] =	stream.linear.scatter [tilespmem:s31], [sflag:$0x3], $0xF00, $0x38;
	[tilespmem:$0xBA90] =	vst v63  }
0x2a: {  	_ =	swait.ge [sflag:s29], $0xF00  }
0x2b: {  	[sflag:s29] =	ssyncset.done $0x0  }
0x2c: {  	[sflag:s29] =	ssyncadd.s32 $0xFFFFF100  }
0x2d: {  	[spmem:s10] =	stream.linear.scatter [tilespmem:s31], [sflag:$0x3], $0xF00, $0x38;
	[tilespmem:$0xBA90] =	vst v63  }
0x2e: {  	_ =	swait.ge [sflag:s29], $0xF00  }
0x2f: {  	[sflag:s29] =	ssyncset.done $0x0  }
0x30: {  	[sflag:s29] =	ssyncadd.s32 $0xFFFFF100  }
0x31: {  	[spmem:s11] =	stream.linear.scatter [tilespmem:s31], [sflag:$0x3], $0xF00, $0x38;
	[tilespmem:$0xBA90] =	vst v63  }
0x32: {  	_ =	swait.ge [sflag:s29], $0xF00  }
0x33: {  	[sflag:s29] =	ssyncset.done $0x0  }
0x34: {  	[sflag:s29] =	ssyncadd.s32 $0xFFFFF100  }
0x35: {  	[spmem:s12] =	stream.linear.scatter [tilespmem:s31], [sflag:$0x3], $0xF00, $0x38;
	[tilespmem:$0xBA90] =	vst v63  }
0x36: {  	_ =	swait.ge [sflag:s29], $0xF00  }
0x37: {  	[sflag:s29] =	ssyncset.done $0x0  }
0x38: {  	[sflag:s29] =	ssyncadd.s32 $0xFFFFF100  }
0x39: {  	[spmem:s13] =	stream.linear.scatter [tilespmem:s31], [sflag:$0x3], $0xF00, $0x38;
	[tilespmem:$0xBA90] =	vst v63  }
0x3a: {  	_ =	swait.ge [sflag:s29], $0xF00  }
0x3b: {  	[sflag:s29] =	ssyncset.done $0x0  }
0x3c: {  	[sflag:s29] =	ssyncadd.s32 $0xFFFFF100  }
0x3d: {  	[spmem:s14] =	stream.linear.scatter [tilespmem:s31], [sflag:$0x3], $0xF00, $0x38;
	[tilespmem:$0xBA90] =	vst v63  }
0x3e: {  	_ =	swait.ge [sflag:s29], $0xF00  }
0x3f: {  	[sflag:s29] =	ssyncset.done $0x0  }
0x40: {  	[sflag:s29] =	ssyncadd.s32 $0xFFFFF100  }
0x41: {  	[spmem:s26] =	stream.linear.scatter [tilespmem:s31], [sflag:$0x3], $0xC30, $0x38;
	[tilespmem:$0xBA90] =	vst v63  }
0x42: {  	_ =	swait.ge [sflag:s29], $0xC30  }
0x43: {  	[sflag:s29] =	ssyncset.done $0x0  }
0x44: {  	[sflag:s29] =	ssyncadd.s32 $0xFFFFF3D0  }
0x45: {  	[bflag:$0x0] =	sbarrier.arrive $0xFFFF  }
0x46: {  	[tilespmem:s1], [sflag:$0x1] =	stream.indirect.gather [hbm4b:s5+s0], $0x30, s28, s0, $0xb8;
	[tilespmem:$0xBA90] =	vst v63  }
0x47: {  	s16 =	simm.s32 $0xA730  }
0x48: {  	[tilespmem:s31], [sflag:$0x2] =	stream.indirect.gather [hbm4b:s5+s0], $0x30, s16, s0, $0xb8;
	[tilespmem:$0xBA90] =	vst v63  }
0x49: {  	_ =	swait.ge [sflag:s2], $0xF00  }
0x4a: {  	[sflag:s2] =	ssyncset.done $0x0  }
0x4b: {  	s17 =	simm.s32 $0x9330;
	[sflag:s2] =	ssyncadd.s32 $0xFFFFF100  }
0x4c: {  	[spmem:s3] =	stream.indirect.scatter.add.f32 [tilespmem:s1], [sflag:$0x3], $0x30, s17, s0, $0xb8;
	[tilespmem:$0xBA90] =	vst v63  }
0x4d: {  	_ =	swait.ge [sflag:s29], $0xF00  }
0x4e: {  	[sflag:s29] =	ssyncset.done $0x0  }
0x4f: {  	s18 =	simm.s32 $0xA780;
	[sflag:s29] =	ssyncadd.s32 $0xFFFFF100  }
0x50: {  	[tilespmem:s1], [sflag:$0x1] =	stream.indirect.gather [hbm4b:s5+s0], $0x30, s18, s0, $0xb8;
	[tilespmem:$0xBA90] =	vst v63  }
0x51: {  	_ =	swait.ge [sflag:s6], $0xF00  }
0x52: {  	[sflag:s6] =	ssyncset.done $0x0  }
0x53: {  	s19 =	simm.s32 $0x9380;
	[sflag:s6] =	ssyncadd.s32 $0xFFFFF100  }
0x54: {  	[spmem:s3] =	stream.indirect.scatter.add.f32 [tilespmem:s31], [sflag:$0x3], $0x30, s19, s0, $0xb8;
	[tilespmem:$0xBA90] =	vst v63  }
0x55: {  	_ =	swait.ge [sflag:s29], $0xF00  }
0x56: {  	s15 =	simm.s32 $0xA0;
	s16 =	simm.s32 $0x500;
	[sflag:s29] =	ssyncset.done $0x0  }
.LBB2_2:
0x57: {  	s17 =	sadd.s32 $0xA730, s15  }
0x58: {  	[sflag:s29] =	ssyncadd.s32 $0xFFFFF100;
	s18 =	smov.u32 s16;
	s19 =	sadd.s32 $0x280, s16  }
0x59: {  	[tilespmem:s31], [sflag:$0x2] =	stream.indirect.gather [hbm4b:s5+s0], $0x30, s17, s0, $0xb8;
	[tilespmem:$0xBA90] =	vst v63  }
0x5a: {  	p0 =	sne.s32 s16, $0x4B00;
	_ =	swait.ge [sflag:s2], $0xF00  }
0x5b: {  	[sflag:s2] =	ssyncset.done $0x0  }
0x5c: {  	s16 =	sadd.s32 $0x9330, s15;
	[sflag:s2] =	ssyncadd.s32 $0xFFFFF100  }
0x5d: {  	[spmem:s3] =	stream.indirect.scatter.add.f32 [tilespmem:s1], [sflag:$0x3], $0x30, s16, s0, $0xb8;
	[tilespmem:$0xBA90] =	vst v63  }
0x5e: {  	_ =	swait.ge [sflag:s29], $0xF00  }
0x5f: {  	[sflag:s29] =	ssyncset.done $0x0  }
0x60: {  	s16 =	sadd.s32 $0xA780, s15;
	[sflag:s29] =	ssyncadd.s32 $0xFFFFF100  }
0x61: {  	[tilespmem:s1], [sflag:$0x1] =	stream.indirect.gather [hbm4b:s5+s0], $0x30, s16, s0, $0xb8;
	[tilespmem:$0xBA90] =	vst v63  }
0x62: {  	_ =	swait.ge [sflag:s6], $0xF00  }
.Ltmp0:
0x63: {  	[sflag:s6] =	ssyncset.done $0x0;
	(pc) =	sbr.rel @p0 .LBB2_2-.Ltmp0, $4  }
0x64: {  	s15 =	sadd.s32 $0x9380, s15;
	[sflag:s6] =	ssyncadd.s32 $0xFFFFF100  }
0x65: {  	[spmem:s3] =	stream.indirect.scatter.add.f32 [tilespmem:s31], [sflag:$0x3], $0x30, s15, s0, $0xb8;
	[tilespmem:$0xBA90] =	vst v63  }
0x66: {  	_ =	swait.ge [sflag:s29], $0xF00  }
0x67: {  	s16 =	smov.u32 s19;
	s15 =	sshra.s32 s18, $0x2;
	[sflag:s29] =	ssyncset.done $0x0  }
0x68: {  	s16 =	sadd.s32 $0xA730, s15;
	[sflag:s29] =	ssyncadd.s32 $0xFFFFF100  }
0x69: {  	[tilespmem:s31], [sflag:$0x2] =	stream.indirect.gather [hbm4b:s5+s0], $0x30, s16, s0, $0xb8;
	[tilespmem:$0xBA90] =	vst v63  }
0x6a: {  	_ =	swait.ge [sflag:s2], $0xF00  }
0x6b: {  	[sflag:s2] =	ssyncset.done $0x0  }
0x6c: {  	s17 =	sadd.s32 $0x9330, s15;
	[sflag:s2] =	ssyncadd.s32 $0xFFFFF100  }
0x6d: {  	[spmem:s3] =	stream.indirect.scatter.add.f32 [tilespmem:s1], [sflag:$0x3], $0x30, s17, s0, $0xb8;
	[tilespmem:$0xBA90] =	vst v63  }
0x6e: {  	_ =	swait.ge [sflag:s29], $0xF00  }
0x6f: {  	[sflag:s29] =	ssyncset.done $0x0  }
0x70: {  	s18 =	sadd.s32 $0xA780, s15;
	[sflag:s29] =	ssyncadd.s32 $0xFFFFF100  }
0x71: {  	[tilespmem:s1], [sflag:$0x1] =	stream.indirect.gather [hbm4b:s5+s0], $0x30, s18, s0, $0xb8;
	[tilespmem:$0xBA90] =	vst v63  }
0x72: {  	_ =	swait.ge [sflag:s6], $0xF00  }
0x73: {  	[sflag:s6] =	ssyncset.done $0x0  }
0x74: {  	s19 =	sadd.s32 $0x9380, s15;
	[sflag:s6] =	ssyncadd.s32 $0xFFFFF100  }
0x75: {  	[spmem:s3] =	stream.indirect.scatter.add.f32 [tilespmem:s31], [sflag:$0x3], $0x30, s19, s0, $0xb8;
	[tilespmem:$0xBA90] =	vst v63  }
0x76: {  	_ =	swait.ge [sflag:s29], $0xF00  }
0x77: {  	[sflag:s29] =	ssyncset.done $0x0  }
0x78: {  	[sflag:s29] =	ssyncadd.s32 $0xFFFFF100  }
0x79: {  	_ =	swait.ge [sflag:s2], $0xF00  }
0x7a: {  	[sflag:s2] =	ssyncset.done $0x0  }
0x7b: {  	s16 =	simm.s32 $0xA690;
	[sflag:s2] =	ssyncadd.s32 $0xFFFFF100  }
0x7c: {  	[spmem:s3] =	stream.indirect.scatter.add.f32 [tilespmem:s1], [sflag:$0x3], $0x30, s16, s0, $0xb8;
	[tilespmem:$0xBA90] =	vst v63  }
0x7d: {  	_ =	swait.ge [sflag:s29], $0xF00  }
0x7e: {  	[sflag:s29] =	ssyncset.done $0x0  }
0x7f: {  	s17 =	simm.s32 $0x0;
	s18 =	rddreg [dreg:$0x6];
	[sflag:s29] =	ssyncadd.s32 $0xFFFFF100  }
0x80: {  	[tilespmem:s28], [sflag:$0x3] =	stream.linear.gather [hbm4b:s18+s17], $0x1360, $0x38;
	[tilespmem:$0xBA90] =	vst v63  }
0x81: {  	_ =	swait.ge [sflag:s29], $0x1360  }
0x82: {  	[sflag:s29] =	ssyncset.done $0x0  }
0x83: {  	s19 =	rddreg [dreg:$0x7];
	[sflag:s29] =	ssyncadd.s32 $0xFFFFECA0  }
0x84: {  	[tilespmem:s30], [sflag:$0x3] =	stream.linear.gather [hbm4b:s19+s17], $0x1360, $0x38;
	[tilespmem:$0xBA90] =	vst v63  }
0x85: {  	_ =	swait.ge [sflag:s29], $0x1360  }
0x86: {  	[sflag:s29] =	ssyncset.done $0x0  }
0x87: {  	[sflag:s29] =	ssyncadd.s32 $0xFFFFECA0  }
0x88: {  	[tilespmem:s1], [sflag:$0x1] =	stream.indirect.gather [hbm4b:s5+s0], $0x30, s28, s0, $0xb8;
	[tilespmem:$0xBA90] =	vst v63  }
0x89: {  	s16 =	simm.s32 $0xA730  }
0x8a: {  	[tilespmem:s31], [sflag:$0x2] =	stream.indirect.gather [hbm4b:s5+s0], $0x30, s16, s0, $0xb8;
	[tilespmem:$0xBA90] =	vst v63  }
0x8b: {  	_ =	swait.ge [sflag:s2], $0xF00  }
0x8c: {  	[sflag:s2] =	ssyncset.done $0x0  }
0x8d: {  	s17 =	simm.s32 $0x9330;
	[sflag:s2] =	ssyncadd.s32 $0xFFFFF100  }
0x8e: {  	[spmem:s3] =	stream.indirect.scatter.add.f32 [tilespmem:s1], [sflag:$0x3], $0x30, s17, s0, $0xb8;
	[tilespmem:$0xBA90] =	vst v63  }
0x8f: {  	_ =	swait.ge [sflag:s29], $0xF00  }
0x90: {  	[sflag:s29] =	ssyncset.done $0x0  }
0x91: {  	s18 =	simm.s32 $0xA780;
	[sflag:s29] =	ssyncadd.s32 $0xFFFFF100  }
0x92: {  	[tilespmem:s1], [sflag:$0x1] =	stream.indirect.gather [hbm4b:s5+s0], $0x30, s18, s0, $0xb8;
	[tilespmem:$0xBA90] =	vst v63  }
0x93: {  	_ =	swait.ge [sflag:s6], $0xF00  }
0x94: {  	[sflag:s6] =	ssyncset.done $0x0  }
0x95: {  	s19 =	simm.s32 $0x9380;
	[sflag:s6] =	ssyncadd.s32 $0xFFFFF100  }
0x96: {  	[spmem:s3] =	stream.indirect.scatter.add.f32 [tilespmem:s31], [sflag:$0x3], $0x30, s19, s0, $0xb8;
	[tilespmem:$0xBA90] =	vst v63  }
0x97: {  	_ =	swait.ge [sflag:s29], $0xF00  }
0x98: {  	s15 =	simm.s32 $0xA0;
	s16 =	simm.s32 $0x500;
	[sflag:s29] =	ssyncset.done $0x0  }
.LBB2_4:
0x99: {  	s17 =	sadd.s32 $0xA730, s15  }
0x9a: {  	[sflag:s29] =	ssyncadd.s32 $0xFFFFF100;
	s18 =	smov.u32 s16;
	s19 =	sadd.s32 $0x280, s16  }
0x9b: {  	[tilespmem:s31], [sflag:$0x2] =	stream.indirect.gather [hbm4b:s5+s0], $0x30, s17, s0, $0xb8;
	[tilespmem:$0xBA90] =	vst v63  }
0x9c: {  	p0 =	sne.s32 s16, $0x4880;
	_ =	swait.ge [sflag:s2], $0xF00  }
0x9d: {  	[sflag:s2] =	ssyncset.done $0x0  }
0x9e: {  	s16 =	sadd.s32 $0x9330, s15;
	[sflag:s2] =	ssyncadd.s32 $0xFFFFF100  }
0x9f: {  	[spmem:s3] =	stream.indirect.scatter.add.f32 [tilespmem:s1], [sflag:$0x3], $0x30, s16, s0, $0xb8;
	[tilespmem:$0xBA90] =	vst v63  }
0xa0: {  	_ =	swait.ge [sflag:s29], $0xF00  }
0xa1: {  	[sflag:s29] =	ssyncset.done $0x0  }
0xa2: {  	s16 =	sadd.s32 $0xA780, s15;
	[sflag:s29] =	ssyncadd.s32 $0xFFFFF100  }
0xa3: {  	[tilespmem:s1], [sflag:$0x1] =	stream.indirect.gather [hbm4b:s5+s0], $0x30, s16, s0, $0xb8;
	[tilespmem:$0xBA90] =	vst v63  }
0xa4: {  	_ =	swait.ge [sflag:s6], $0xF00  }
.Ltmp1:
0xa5: {  	[sflag:s6] =	ssyncset.done $0x0;
	(pc) =	sbr.rel @p0 .LBB2_4-.Ltmp1, $4  }
0xa6: {  	s15 =	sadd.s32 $0x9380, s15;
	[sflag:s6] =	ssyncadd.s32 $0xFFFFF100  }
0xa7: {  	[spmem:s3] =	stream.indirect.scatter.add.f32 [tilespmem:s31], [sflag:$0x3], $0x30, s15, s0, $0xb8;
	[tilespmem:$0xBA90] =	vst v63  }
0xa8: {  	_ =	swait.ge [sflag:s29], $0xF00  }
0xa9: {  	s16 =	smov.u32 s19;
	s15 =	sshra.s32 s18, $0x2;
	[sflag:s29] =	ssyncset.done $0x0  }
0xaa: {  	s16 =	sadd.s32 $0xA730, s15;
	[sflag:s29] =	ssyncadd.s32 $0xFFFFF100  }
0xab: {  	[tilespmem:s31], [sflag:$0x2] =	stream.indirect.gather [hbm4b:s5+s0], $0x30, s16, s0, $0xb8;
	[tilespmem:$0xBA90] =	vst v63  }
0xac: {  	_ =	swait.ge [sflag:s2], $0xF00  }
0xad: {  	[sflag:s2] =	ssyncset.done $0x0  }
0xae: {  	s18 =	sadd.s32 $0x9330, s15;
	[sflag:s2] =	ssyncadd.s32 $0xFFFFF100  }
0xaf: {  	[spmem:s3] =	stream.indirect.scatter.add.f32 [tilespmem:s1], [sflag:$0x3], $0x30, s18, s0, $0xb8;
	[tilespmem:$0xBA90] =	vst v63  }
0xb0: {  	_ =	swait.ge [sflag:s29], $0xF00  }
0xb1: {  	[sflag:s29] =	ssyncset.done $0x0  }
0xb2: {  	s19 =	sadd.s32 $0xA780, s15;
	[sflag:s29] =	ssyncadd.s32 $0xFFFFF100  }
0xb3: {  	[tilespmem:s1], [sflag:$0x1] =	stream.indirect.gather [hbm4b:s5+s0], $0x30, s19, s0, $0xb8;
	[tilespmem:$0xBA90] =	vst v63  }
0xb4: {  	_ =	swait.ge [sflag:s6], $0xF00  }
0xb5: {  	[sflag:s6] =	ssyncset.done $0x0  }
0xb6: {  	s17 =	sadd.s32 $0x9380, s15;
	[sflag:s6] =	ssyncadd.s32 $0xFFFFF100  }
0xb7: {  	[spmem:s3] =	stream.indirect.scatter.add.f32 [tilespmem:s31], [sflag:$0x3], $0x30, s17, s0, $0xb8;
	[tilespmem:$0xBA90] =	vst v63  }
0xb8: {  	_ =	swait.ge [sflag:s29], $0xF00  }
0xb9: {  	[sflag:s29] =	ssyncset.done $0x0  }
0xba: {  	s18 =	simm.s32 $0xB9F0;
	[sflag:s29] =	ssyncadd.s32 $0xFFFFF100  }
0xbb: {  	[tilespmem:s31], [sflag:$0x2] =	stream.indirect.gather [hbm4b:s5+s0], $0x30, s18, s0, $0xb8;
	[tilespmem:$0xBA90] =	vst v63  }
0xbc: {  	_ =	swait.ge [sflag:s2], $0xF00  }
0xbd: {  	[sflag:s2] =	ssyncset.done $0x0  }
0xbe: {  	s19 =	simm.s32 $0xA5F0;
	[sflag:s2] =	ssyncadd.s32 $0xFFFFF100  }
0xbf: {  	[spmem:s3] =	stream.indirect.scatter.add.f32 [tilespmem:s1], [sflag:$0x3], $0x30, s19, s0, $0xb8;
	[tilespmem:$0xBA90] =	vst v63  }
0xc0: {  	_ =	swait.ge [sflag:s29], $0xF00  }
0xc1: {  	[sflag:s29] =	ssyncset.done $0x0  }
0xc2: {  	[sflag:s29] =	ssyncadd.s32 $0xFFFFF100  }
0xc3: {  	_ =	swait.ge [sflag:s6], $0xF00  }
0xc4: {  	[sflag:s6] =	ssyncset.done $0x0  }
0xc5: {  	s16 =	simm.s32 $0xA640;
	[sflag:s6] =	ssyncadd.s32 $0xFFFFF100  }
0xc6: {  	[spmem:s3] =	stream.indirect.scatter.add.f32 [tilespmem:s31], [sflag:$0x3], $0x30, s16, s0, $0xb8;
	[tilespmem:$0xBA90] =	vst v63  }
0xc7: {  	_ =	swait.ge [sflag:s29], $0xF00  }
0xc8: {  	[sflag:s29] =	ssyncset.done $0x0  }
0xc9: {  	[sflag:s29] =	ssyncadd.s32 $0xFFFFF100  }
0xca: {  	[bflag:$0x0] =	sbarrier.arrive $0xFFFF  }
0xcb: {  	[tilespmem:s1], [sflag:$0x3] =	stream.linear.gather [spmem:s7], $0xF00, $0x38;
	[tilespmem:$0xBA90] =	vst v63  }
0xcc: {  	_ =	swait.ge [sflag:s29], $0xF00  }
0xcd: {  	[sflag:s29] =	ssyncset.done $0x0  }
0xce: {  	s17 =	rddreg [dreg:$0x8];
	[sflag:s29] =	ssyncadd.s32 $0xFFFFF100  }
0xcf: {  	[hbm4b:s17+s4] =	stream.linear.scatter [tilespmem:s1], [sflag:$0x3], $0xF00, $0x38;
	[tilespmem:$0xBA90] =	vst v63  }
0xd0: {  	_ =	swait.ge [sflag:s29], $0xF00  }
0xd1: {  	[sflag:s29] =	ssyncset.done $0x0  }
0xd2: {  	[sflag:s29] =	ssyncadd.s32 $0xFFFFF100  }
0xd3: {  	[tilespmem:s1], [sflag:$0x3] =	stream.linear.gather [spmem:s9], $0xF00, $0x38;
	[tilespmem:$0xBA90] =	vst v63  }
0xd4: {  	_ =	swait.ge [sflag:s29], $0xF00  }
0xd5: {  	[sflag:s29] =	ssyncset.done $0x0  }
0xd6: {  	s18 =	rddreg [dreg:$0x9];
	[sflag:s29] =	ssyncadd.s32 $0xFFFFF100  }
0xd7: {  	[hbm4b:s18+s4] =	stream.linear.scatter [tilespmem:s1], [sflag:$0x3], $0xF00, $0x38;
	[tilespmem:$0xBA90] =	vst v63  }
0xd8: {  	_ =	swait.ge [sflag:s29], $0xF00  }
0xd9: {  	[sflag:s29] =	ssyncset.done $0x0  }
0xda: {  	[sflag:s29] =	ssyncadd.s32 $0xFFFFF100  }
0xdb: {  	[tilespmem:s1], [sflag:$0x3] =	stream.linear.gather [spmem:s10], $0xF00, $0x38;
	[tilespmem:$0xBA90] =	vst v63  }
0xdc: {  	_ =	swait.ge [sflag:s29], $0xF00  }
0xdd: {  	[sflag:s29] =	ssyncset.done $0x0  }
0xde: {  	s19 =	rddreg [dreg:$0xa];
	[sflag:s29] =	ssyncadd.s32 $0xFFFFF100  }
0xdf: {  	[hbm4b:s19+s4] =	stream.linear.scatter [tilespmem:s1], [sflag:$0x3], $0xF00, $0x38;
	[tilespmem:$0xBA90] =	vst v63  }
0xe0: {  	_ =	swait.ge [sflag:s29], $0xF00  }
0xe1: {  	[sflag:s29] =	ssyncset.done $0x0  }
0xe2: {  	[sflag:s29] =	ssyncadd.s32 $0xFFFFF100  }
0xe3: {  	[tilespmem:s1], [sflag:$0x3] =	stream.linear.gather [spmem:s11], $0xF00, $0x38;
	[tilespmem:$0xBA90] =	vst v63  }
0xe4: {  	_ =	swait.ge [sflag:s29], $0xF00  }
0xe5: {  	[sflag:s29] =	ssyncset.done $0x0  }
0xe6: {  	[sflag:s29] =	ssyncadd.s32 $0xFFFFF100  }
0xe7: {  	[hbm4b:s20+s4] =	stream.linear.scatter [tilespmem:s1], [sflag:$0x3], $0xF00, $0x38;
	[tilespmem:$0xBA90] =	vst v63  }
0xe8: {  	_ =	swait.ge [sflag:s29], $0xF00  }
0xe9: {  	[sflag:s29] =	ssyncset.done $0x0  }
0xea: {  	[sflag:s29] =	ssyncadd.s32 $0xFFFFF100  }
0xeb: {  	[tilespmem:s1], [sflag:$0x3] =	stream.linear.gather [spmem:s12], $0xF00, $0x38;
	[tilespmem:$0xBA90] =	vst v63  }
0xec: {  	_ =	swait.ge [sflag:s29], $0xF00  }
0xed: {  	[sflag:s29] =	ssyncset.done $0x0  }
0xee: {  	[sflag:s29] =	ssyncadd.s32 $0xFFFFF100  }
0xef: {  	[hbm4b:s21+s4] =	stream.linear.scatter [tilespmem:s1], [sflag:$0x3], $0xF00, $0x38;
	[tilespmem:$0xBA90] =	vst v63  }
0xf0: {  	_ =	swait.ge [sflag:s29], $0xF00  }
0xf1: {  	[sflag:s29] =	ssyncset.done $0x0  }
0xf2: {  	[sflag:s29] =	ssyncadd.s32 $0xFFFFF100  }
0xf3: {  	[tilespmem:s1], [sflag:$0x3] =	stream.linear.gather [spmem:s13], $0xF00, $0x38;
	[tilespmem:$0xBA90] =	vst v63  }
0xf4: {  	_ =	swait.ge [sflag:s29], $0xF00  }
0xf5: {  	[sflag:s29] =	ssyncset.done $0x0  }
0xf6: {  	[sflag:s29] =	ssyncadd.s32 $0xFFFFF100  }
0xf7: {  	[hbm4b:s22+s4] =	stream.linear.scatter [tilespmem:s1], [sflag:$0x3], $0xF00, $0x38;
	[tilespmem:$0xBA90] =	vst v63  }
0xf8: {  	_ =	swait.ge [sflag:s29], $0xF00  }
0xf9: {  	[sflag:s29] =	ssyncset.done $0x0  }
0xfa: {  	[sflag:s29] =	ssyncadd.s32 $0xFFFFF100  }
0xfb: {  	[tilespmem:s1], [sflag:$0x3] =	stream.linear.gather [spmem:s14], $0xF00, $0x38;
	[tilespmem:$0xBA90] =	vst v63  }
0xfc: {  	_ =	swait.ge [sflag:s29], $0xF00  }
0xfd: {  	[sflag:s29] =	ssyncset.done $0x0  }
0xfe: {  	[sflag:s29] =	ssyncadd.s32 $0xFFFFF100  }
0xff: {  	[hbm4b:s23+s4] =	stream.linear.scatter [tilespmem:s1], [sflag:$0x3], $0xF00, $0x38;
	[tilespmem:$0xBA90] =	vst v63  }
0x100: {  	_ =	swait.ge [sflag:s29], $0xF00  }
0x101: {  	[sflag:s29] =	ssyncset.done $0x0  }
0x102: {  	[sflag:s29] =	ssyncadd.s32 $0xFFFFF100  }
0x103: {  	[tilespmem:s31], [sflag:$0x3] =	stream.linear.gather [spmem:s26], $0xC30, $0x38;
	[tilespmem:$0xBA90] =	vst v63  }
0x104: {  	s8 =	sadd.s32 $0x1, s8;
	_ =	swait.ge [sflag:s29], $0xC30  }
0x105: {  	p0 =	sne.s32 s8, s25;
	[sflag:s29] =	ssyncset.done $0x0  }
.Ltmp2:
0x106: {  	[sflag:s29] =	ssyncadd.s32 $0xFFFFF3D0;
	(pc) =	sbr.rel @p0 .LBB2_1-.Ltmp2, $4  }
0x107: {  	[hbm4b:s24+s4] =	stream.linear.scatter [tilespmem:s31], [sflag:$0x3], $0xC30, $0x38;
	[tilespmem:$0xBA90] =	vst v63  }
0x108: {  	_ =	swait.ge [sflag:s29], $0xC30  }
0x109: {  	[sflag:s29] =	ssyncset.done $0x0  }
0x10a: {  	[sflag:s29] =	ssyncadd.s32 $0xFFFFF3D0  }
0x10b: {  	_ =	sfence.sel $0x180000  }
0x10c: {  	[bflag:$0x0] =	sbarrier.arrive $0xFFFF  }
0x10d: {  	_ =	strace $0x9000004A  }
0x10e: {  	s0 =	stileid.u32;
	[bflag:$0x2] =	sbarrier.arrive $0xFFFF  }
0x10f: {  	p0 =	sne.s32 s0, $0x0;
	s0 =	rddreg [dreg:$0x3]  }
0x110: {  	s0 =	sadd.s32 @!p0 $0x100000, s0  }
0x111: {  	[sflag:s0] =	ssyncadd.tile.s32 @!p0 $0x1;
	_ =	shalt  }
.Lfunc_end2:
_tile_overlayer_lowered:
.L_overlay_start_2:
0x112: {  	(tag) =	ssettag $0x2  }
0x113: {  	s0 =	rddreg [dreg:$0x0];
	s2 =	stileid.u32  }
0x114: {  	s1 =	rddreg [dreg:$0x1];
	p0 =	sne.s32 s2, $0x0  }
0x115: {  	s3 =	rddreg [dreg:$0x2];
	[bflag:$0x3] =	sbarrier.arrive $0xFFFF;
	s2 =	simm.s32 @!p0 $0x1C03  }
0x116: {  	[timem:s3], [sflag:s2] =	dma.local @!p0 [hbm:s0], s1  }
0x117: {  	s0 =	simm.s32 @!p0 $0x3  }
0x118: {  	_ =	swait.ge @!p0 [sflag:s0], s1  }
0x119: {  	s1 =	ssub.s32 @!p0 $0x0, s1;
	[sflag:s0] =	ssyncset.done @!p0 $0x0  }
0x11a: {  	[sflag:s0] =	ssyncadd.s32 @!p0 s1  }
0x11b: {  	[bflag:$0x3] =	sbarrier.arrive $0xFFFF  }
0x11c: {  	_ =	shalt  }

</sc_bundles>
